<compile_context>
chip_gen: v7x
topology: tpu7x:2x2x1
jax: 0.10.2.dev20260603
libtpu: 0.0.44.dev20260713+nightly
codegen_flags: <defaults>
</compile_context>

<pallas_src>
import jax
import jax.numpy as jnp
from jax import lax
from jax.experimental import pallas as pl
from jax.experimental.pallas import tpu as pltpu
from jax.experimental.pallas import tpu_sc as plsc

RC = 5.0
NB = 4
NC = 2
NS = 16
NWK = NC * NS
WIN = 400

def _dot(a, b):
    return jnp.dot(a, b, preferred_element_type=jnp.float32)



def _cutoff_tc(d0, d1_, d2):
    rows = d0.shape[0]

    def body(x_r, y_r, z_r, o_r):
        x, y, z = x_r[...], y_r[...], z_r[...]
        dist = jnp.sqrt(x * x + y * y + z * z + 1e-12)
        o_r[...] = 0.5 * jnp.cos(jnp.pi / RC * jnp.minimum(dist, RC)) + 0.5

    bs = pl.BlockSpec((rows, 128), lambda: (0, 0))
    return pl.pallas_call(
        body, in_specs=[bs, bs, bs], out_specs=bs,
        out_shape=jax.ShapeDtypeStruct((rows, 128), jnp.float32),
    )(d0, d1_, d2)



def _edge_tc(p1ci, p1cj, p3j, diff, fc, pi_Wa, pi_Wb, pi_b2, W2a, W2b, W2c):
    e, d = p1ci.shape
    be = 2000
    assert e % be == 0
    has_p3 = p3j is not None

    def body(*refs):
        if has_p3:
            (p1ci_r, p1cj_r, p3j0_r, p3j1_r, p3j2_r, diff_r, fc_r,
             wa_r, wb_r, b_r, w2a_r, w2b_r, w2c_r,
             o2_r, o30_r, o31_r, o32_r) = refs
            p3rs = (p3j0_r, p3j1_r, p3j2_r)
        else:
            (p1ci_r, p1cj_r, diff_r, fc_r,
             wa_r, wb_r, b_r, w2a_r, w2b_r, w2c_r,
             o2_r, o30_r, o31_r, o32_r) = refs
        diffb = diff_r[...]
        dxyz = (diffb[:, 0:1], diffb[:, 1:2], diffb[:, 2:3])
        fcb = jnp.broadcast_to(fc_r[...], (be, d))
        fc2b = fcb * fcb
        x = _dot(p1ci_r[...], wa_r[...]) + _dot(p1cj_r[...], wb_r[...]) + b_r[...]
        inter = jnp.tanh(x)
        i1 = (inter[:, 0:d] * fcb + inter[:, d:2 * d] * fc2b
              + inter[:, 2 * d:3 * d] * (fc2b * fcb)
              + inter[:, 3 * d:4 * d] * (fc2b * fc2b))
        i1_1 = _dot(i1, w2a_r[...])
        i1_3 = _dot(i1, w2c_r[...])
        o2_r[...] = _dot(i1, w2b_r[...])
        for c, o3_r in enumerate((o30_r, o31_r, o32_r)):
            v = dxyz[c] * i1_1
            if has_p3:
                v = v + p3rs[c][...] * i1_3
            o3_r[...] = v

    ebs = pl.BlockSpec((be, d), lambda i: (i, 0))
    dbs = pl.BlockSpec((be, 3), lambda i: (i, 0))
    wbs = lambda s: pl.BlockSpec(s, lambda i: (0, 0))
    in_specs = [ebs, ebs]
    args = [p1ci, p1cj]
    if has_p3:
        in_specs += [ebs, ebs, ebs]
        args += list(p3j)
    in_specs += [dbs, pl.BlockSpec((be, 1), lambda i: (i, 0)),
                 wbs((d, d * NB)), wbs((d, d * NB)), wbs((1, d * NB)),
                 wbs((d, d)), wbs((d, d)), wbs((d, d))]
    args += [diff, fc, pi_Wa, pi_Wb, pi_b2, W2a, W2b, W2c]
    out = jax.ShapeDtypeStruct((e, d), jnp.float32)
    return pl.pallas_call(
        body,
        grid=(e // be,),
        in_specs=in_specs,
        out_specs=[ebs, ebs, ebs, ebs],
        out_shape=[out, out, out, out],
    )(*args)



def _node_tc_d0(p1, p1n, p3n0, p3n1, p3n2, out_Wd, out_b2, ow2col, pp_W, pp_b2):
    n, d = p1.shape
    bn = 2000
    assert n % bn == 0

    def body(p1_r, p1n_r, a_r, b_r, c_r, ow_r, ob_r, ow2_r, pw_r, pb_r,
             p1o_r, p30_r, p31_r, p32_r, pc_r, o_r):
        a, b, c = a_r[...], b_r[...], c_r[...]
        p1t1 = a * a + b * b + c * c + p1n_r[...]
        p1new = p1_r[...] + p1t1
        p1o_r[...] = p1new
        p30_r[...] = a * p1t1
        p31_r[...] = b * p1t1
        p32_r[...] = c * p1t1
        o = jnp.tanh(_dot(p1new, ow_r[...]) + ob_r[...])
        o_r[...] = _dot(o, ow2_r[...])
        pc_r[...] = jnp.tanh(_dot(p1new, pw_r[...]) + pb_r[...])

    nbs = pl.BlockSpec((bn, d), lambda i: (i, 0))
    obs = pl.BlockSpec((bn, 1), lambda i: (i, 0))
    wbs = lambda s: pl.BlockSpec(s, lambda i: (0, 0))
    nds = jax.ShapeDtypeStruct((n, d), jnp.float32)
    return pl.pallas_call(
        body,
        grid=(n // bn,),
        in_specs=[nbs, nbs, nbs, nbs, nbs,
                  wbs((d, d)), wbs((1, d)), wbs((d, 1)), wbs((d, d)), wbs((1, d))],
        out_specs=[nbs, nbs, nbs, nbs, nbs, obs],
        out_shape=[nds, nds, nds, nds, nds,
                   jax.ShapeDtypeStruct((n, 1), jnp.float32)],
    )(p1, p1n, p3n0, p3n1, p3n2, out_Wd, out_b2, ow2col, pp_W, pp_b2)


def _node_tc_d1(p1, p1n, p3n0, p3n1, p3n2, o_prev, out_Wd, out_b2, ow2col):
    n, d = p1.shape
    bn = 2000
    assert n % bn == 0

    def body(p1_r, p1n_r, a_r, b_r, c_r, op_r, ow_r, ob_r, ow2_r, o_r):
        a, b, c = a_r[...], b_r[...], c_r[...]
        p1t1 = a * a + b * b + c * c + p1n_r[...]
        p1new = p1_r[...] + p1t1
        o = jnp.tanh(_dot(p1new, ow_r[...]) + ob_r[...])
        o_r[...] = op_r[...] + _dot(o, ow2_r[...])

    nbs = pl.BlockSpec((bn, d), lambda i: (i, 0))
    obs = pl.BlockSpec((bn, 1), lambda i: (i, 0))
    wbs = lambda s: pl.BlockSpec(s, lambda i: (0, 0))
    return pl.pallas_call(
        body,
        grid=(n // bn,),
        in_specs=[nbs, nbs, nbs, nbs, nbs, obs,
                  wbs((d, d)), wbs((1, d)), wbs((d, 1))],
        out_specs=obs,
        out_shape=jax.ShapeDtypeStruct((n, 1), jnp.float32),
    )(p1, p1n, p3n0, p3n1, p3n2, o_prev, out_Wd, out_b2, ow2col)



def _sc_gather(p1c, p3, ind_i, ind_j):
    n, d = p1c.shape
    e = ind_i.shape[0]
    assert e % WIN == 0
    nwin = e // WIN
    niter = (nwin + NWK - 1) // NWK
    has_p3 = p3 is not None
    mesh = plsc.VectorSubcoreMesh(core_axis_name="c", subcore_axis_name="s")

    eds = jax.ShapeDtypeStruct((e, d), jnp.float32)
    out_type = [eds, eds] + ([eds, eds, eds] if has_p3 else [])
    scratch = [pltpu.VMEM((WIN,), jnp.int32), pltpu.VMEM((WIN,), jnp.int32),
               pltpu.VMEM((WIN, d), jnp.float32), pltpu.VMEM((WIN, d), jnp.float32)]
    if has_p3:
        scratch += [pltpu.VMEM((WIN, d), jnp.float32)] * 3
    scratch += [pltpu.SemaphoreType.DMA]

    def body(*refs):
        if has_p3:
            (p1c_h, p30_h, p31_h, p32_h, ii_h, ij_h,
             oi_h, oj_h, o30_h, o31_h, o32_h,
             ivi, ivj, bi, bj, b0, b1, b2, sem) = refs
        else:
            (p1c_h, ii_h, ij_h, oi_h, oj_h, ivi, ivj, bi, bj, sem) = refs
        wid = lax.axis_index("s") * NC + lax.axis_index("c")

        @pl.loop(0, niter)
        def _(t):
            w = t * NWK + wid

            @pl.when(w < nwin)
            def _():
                base = w * WIN
                pltpu.sync_copy(ii_h.at[pl.ds(base, WIN)], ivi)
                pltpu.sync_copy(ij_h.at[pl.ds(base, WIN)], ivj)
                cps = [pltpu.async_copy(p1c_h.at[ivi], bi, sem),
                       pltpu.async_copy(p1c_h.at[ivj], bj, sem)]
                if has_p3:
                    cps += [pltpu.async_copy(p30_h.at[ivj], b0, sem),
                            pltpu.async_copy(p31_h.at[ivj], b1, sem),
                            pltpu.async_copy(p32_h.at[ivj], b2, sem)]
                for cp in cps:
                    cp.wait()
                pltpu.sync_copy(bi, oi_h.at[pl.ds(base, WIN)])
                pltpu.sync_copy(bj, oj_h.at[pl.ds(base, WIN)])
                if has_p3:
                    pltpu.sync_copy(b0, o30_h.at[pl.ds(base, WIN)])
                    pltpu.sync_copy(b1, o31_h.at[pl.ds(base, WIN)])
                    pltpu.sync_copy(b2, o32_h.at[pl.ds(base, WIN)])

    args = [p1c] + (list(p3) if has_p3 else []) + [ind_i, ind_j]
    return pl.kernel(body, out_type=out_type, mesh=mesh,
                     scratch_types=scratch,
                     compiler_params=pltpu.CompilerParams(
                         use_tc_tiling_on_sc=False))(*args)



def _sc_scatter(ind_i, v1, i30, i31, i32, n):
    e, d = v1.shape
    assert e % WIN == 0
    nwin = e // WIN
    niter = (nwin + NS - 1) // NS
    rows = n // NS
    zrows = 625
    assert n % NS == 0 and rows % zrows == 0
    mesh = plsc.VectorSubcoreMesh(core_axis_name="c", subcore_axis_name="s")
    nds = jax.ShapeDtypeStruct((n, d), jnp.float32)

    def body(ii_h, v1_h, i30_h, i31_h, i32_h,
             p1n_h, o30_h, o31_h, o32_h,
             accA, accB, zb, iv, va, vb):
        cid = lax.axis_index("c")
        sid = lax.axis_index("s")

        @pl.loop(0, zrows)
        def _(r):
            zb[r, :] = jnp.zeros((d,), jnp.float32)

        @pl.loop(0, rows // zrows)
        def _(k):
            off = sid * rows + k * zrows
            pltpu.sync_copy(zb, accA.at[pl.ds(off, zrows)])
            pltpu.sync_copy(zb, accB.at[pl.ds(off, zrows)])

        plsc.subcore_barrier()

        @pl.loop(0, niter)
        def _(t):
            w = t * NS + sid

            @pl.when(w < nwin)
            def _():
                base = w * WIN
                pltpu.sync_copy(ii_h.at[pl.ds(base, WIN)], iv)

                @pl.when(cid == 0)
                def _():
                    pltpu.sync_copy(v1_h.at[pl.ds(base, WIN)], va)
                    pltpu.sync_copy(i30_h.at[pl.ds(base, WIN)], vb)

                @pl.when(cid == 1)
                def _():
                    pltpu.sync_copy(i31_h.at[pl.ds(base, WIN)], va)
                    pltpu.sync_copy(i32_h.at[pl.ds(base, WIN)], vb)

                pltpu.sync_copy(va, accA.at[iv], add=True)
                pltpu.sync_copy(vb, accB.at[iv], add=True)

        plsc.subcore_barrier()

        off = sid * rows

        @pl.when(cid == 0)
        def _():
            pltpu.sync_copy(accA.at[pl.ds(off, rows)], p1n_h.at[pl.ds(off, rows)])
            pltpu.sync_copy(accB.at[pl.ds(off, rows)], o30_h.at[pl.ds(off, rows)])

        @pl.when(cid == 1)
        def _():
            pltpu.sync_copy(accA.at[pl.ds(off, rows)], o31_h.at[pl.ds(off, rows)])
            pltpu.sync_copy(accB.at[pl.ds(off, rows)], o32_h.at[pl.ds(off, rows)])

    return pl.kernel(
        body,
        out_type=[nds, nds, nds, nds],
        mesh=mesh,
        scratch_types=[
            pltpu.VMEM_SHARED((n, d), jnp.float32),
            pltpu.VMEM_SHARED((n, d), jnp.float32),
            pltpu.VMEM((zrows, d), jnp.float32),
            pltpu.VMEM((WIN,), jnp.int32),
            pltpu.VMEM((WIN, d), jnp.float32),
            pltpu.VMEM((WIN, d), jnp.float32),
        ],
        compiler_params=pltpu.CompilerParams(use_tc_tiling_on_sc=False),
    )(ind_i, v1, i30, i31, i32)



def kernel(prop, diff, ind_2, pp_W, pp_b, pi_W, pi_b, ii_W, out_W, out_b, out_w2):
    n, d = prop.shape
    ind_i = ind_2[:, 0]
    ind_j = ind_2[:, 1]

    perm = jnp.arange(d * NB).reshape(d, NB).T.reshape(-1)
    pi_Wp = pi_W[:, :, perm]
    pi_bp = pi_b[:, perm]

    e = diff.shape[0]
    fc = _cutoff_tc(diff[:, 0].reshape(e // 128, 128),
                    diff[:, 1].reshape(e // 128, 128),
                    diff[:, 2].reshape(e // 128, 128)).reshape(e, 1)

    p1ci, p1cj = _sc_gather(prop, None, ind_i, ind_j)
    i1_2, i30, i31, i32 = _edge_tc(
        p1ci, p1cj, None, diff, fc, pi_Wp[0][:d], pi_Wp[0][d:], pi_bp[0][None],
        ii_W[0][:, :d], ii_W[0][:, d:2 * d], ii_W[0][:, 2 * d:])
    p1n, p3n0, p3n1, p3n2 = _sc_scatter(ind_i, i1_2, i30, i31, i32, n)
    p1, p30, p31, p32, p1c, o = _node_tc_d0(
        prop, p1n, p3n0, p3n1, p3n2,
        out_W[0], out_b[0][None], out_w2[0], pp_W, pp_b[None])

    p1ci, p1cj, p3j0, p3j1, p3j2 = _sc_gather(p1c, (p30, p31, p32), ind_i, ind_j)
    i1_2, i30, i31, i32 = _edge_tc(
        p1ci, p1cj, (p3j0, p3j1, p3j2), diff, fc, pi_Wp[1][:d], pi_Wp[1][d:],
        pi_bp[1][None], ii_W[1][:, :d], ii_W[1][:, d:2 * d], ii_W[1][:, 2 * d:])
    p1n, p3n0, p3n1, p3n2 = _sc_scatter(ind_i, i1_2, i30, i31, i32, n)
    return _node_tc_d1(p1, p1n, p3n0, p3n1, p3n2, o,
                       out_W[1], out_b[1][None], out_w2[1])

# --- scband reference (transcript-rebuilt; emitter-appended) ---
"""Pipeline reference for scband-pi-net2-64776696759043 (READ-ONLY COPY).

The authoritative reference and input builder live on the scoring server;
editing this copy changes nothing except your own understanding.
"""

import jax, jax.numpy as jnp
import numpy as np

N = 50000
E = 800000
D = 16
NB = 4
DEPTH = 2
RC = 5.0


def setup_inputs(seed: int = 0):
    key = jax.random.key(seed)
    ks = jax.random.split(key, 12)
    prop = jax.random.normal(ks[0], (N, D), dtype=jnp.float32)
    diff = jax.random.normal(ks[1], (E, 3), dtype=jnp.float32)
    ind_2 = jax.random.randint(ks[2], (E, 2), 0, N, dtype=jnp.int32)
    pp_W = 0.1 * jax.random.normal(ks[3], (D, D), dtype=jnp.float32)
    pp_b = jnp.zeros((D,), dtype=jnp.float32)
    pi_W = 0.1 * jax.random.normal(ks[4], (DEPTH, 2 * D, D * NB), dtype=jnp.float32)
    pi_b = jnp.zeros((DEPTH, D * NB), dtype=jnp.float32)
    ii_W = 0.1 * jax.random.normal(ks[5], (DEPTH, D, 3 * D), dtype=jnp.float32)
    out_W = 0.1 * jax.random.normal(ks[6], (DEPTH, D, D), dtype=jnp.float32)
    out_b = jnp.zeros((DEPTH, D), dtype=jnp.float32)
    out_w2 = 0.1 * jax.random.normal(ks[7], (DEPTH, D, 1), dtype=jnp.float32)
    return {"prop": prop, "diff": diff, "ind_2": ind_2, "pp_W": pp_W, "pp_b": pp_b,
            "pi_W": pi_W, "pi_b": pi_b, "ii_W": ii_W, "out_W": out_W, "out_b": out_b,
            "out_w2": out_w2}


def reference(prop, diff, ind_2, pp_W, pp_b, pi_W, pi_b, ii_W, out_W, out_b, out_w2):
    n = prop.shape[0]
    ind_i = ind_2[:, 0]
    ind_j = ind_2[:, 1]
    # CutoffFunc (f1) + PolynomialBasis on pair distances
    dist = jnp.sqrt(jnp.sum(diff * diff, axis=-1) + 1e-12)
    fc = jnp.where(dist < RC, 0.5 * (jnp.cos(jnp.pi * dist / RC) + 1.0), 0.0)
    basis = jnp.stack([fc ** (k + 1) for k in range(NB)], axis=-1)  # (E, NB)

    p1 = prop
    p3 = jnp.zeros((n, 3, D), dtype=prop.dtype)
    output = jnp.zeros((n, 1), dtype=prop.dtype)

    for d in range(DEPTH):
        # PP layer (FFLayer); first block has pp_nodes=[] -> identity
        if d > 0:
            p1c = jnp.tanh(p1 @ pp_W + pp_b)
        else:
            p1c = p1
        # PILayer: gather endpoints, concat, dense to D*NB, contract with basis
        inter = jnp.concatenate([p1c[ind_i], p1c[ind_j]], axis=-1)  # (E, 2D)
        inter = jnp.tanh(inter @ pi_W[d] + pi_b[d])  # (E, D*NB)
        inter = inter.reshape(-1, D, NB)
        i1 = jnp.einsum('pcb,pb->pc', inter, basis)  # (E, D)
        # IILayer (bias-free dense to 3*D)
        i1 = i1 @ ii_W[d]  # (E, 3D)
        i1_1, i1_2, i1_3 = jnp.split(i1, 3, axis=-1)
        # IPLayer: scatter-add interactions to destination atoms
        p1n = jnp.zeros((n, D), dtype=prop.dtype).at[ind_i].add(i1_2)
        # PIXLayer + ScaleLayers on equivariant channel
        i3 = p3[ind_j]  # (E, 3, D)
        i3 = i3 * i1_3[:, None, :]
        i3 = i3 + diff[:, :, None] * i1_1[:, None, :]
        p3n = jnp.zeros((n, 3, D), dtype=prop.dtype).at[ind_i].add(i3)
        # DotLayer + scale
        p1t1 = jnp.einsum('ixr,ixr->ir', p3n, p3n) + p1n
        p3t1 = p3n * p1t1[:, None, :]
        # ResUpdate
        p1 = p1 + p1t1
        p3 = p3 + p3t1
        # OutLayer accumulation
        o = jnp.tanh(p1 @ out_W[d] + out_b[d])
        output = output + o @ out_w2[d]
    return output

if __name__ == "__main__":
    import jax
    _d = setup_inputs()
    print(jax.jit(kernel)(*tuple(_d.values())))

</pallas_src>

<mosaic_0001>
#map = affine_map<(d0, d1) -> (0)>
#map1 = affine_map<(d0, d1) -> (0, 0)>
module attributes {stable_mosaic.version = 14 : i64} {
  func.func @body(%arg0: i32, %arg1: i32, %arg2: memref<800000xi32, #tpu.memory_space<hbm>>, %arg3: memref<800000x16xf32, #tpu.memory_space<hbm>>, %arg4: memref<800000x16xf32, #tpu.memory_space<hbm>>, %arg5: memref<800000x16xf32, #tpu.memory_space<hbm>>, %arg6: memref<800000x16xf32, #tpu.memory_space<hbm>>, %arg7: memref<50000x16xf32, #tpu.memory_space<hbm>>, %arg8: memref<50000x16xf32, #tpu.memory_space<hbm>>, %arg9: memref<50000x16xf32, #tpu.memory_space<hbm>>, %arg10: memref<50000x16xf32, #tpu.memory_space<hbm>>, %arg11: memref<50000x16xf32, #tpu.memory_space<vmem_shared>>, %arg12: memref<50000x16xf32, #tpu.memory_space<vmem_shared>>, %arg13: memref<625x16xf32, #tpu.memory_space<vmem>>, %arg14: memref<400xi32, #tpu.memory_space<vmem>>, %arg15: memref<400x16xf32, #tpu.memory_space<vmem>>, %arg16: memref<400x16xf32, #tpu.memory_space<vmem>>) attributes {dimension_semantics = [#tpu.dimension_semantics<core_parallel>, #tpu.dimension_semantics<subcore_parallel>], iteration_bounds = array<i64: 2, 16>, scalar_prefetch = 0 : i64, scratch_operands = 6 : i64, tpu.core_type = #tpu.core_type<sc_vector_subcore>, window_params = [{transform_indices = #map}, {transform_indices = #map1}, {transform_indices = #map1}, {transform_indices = #map1}, {transform_indices = #map1}, {transform_indices = #map1}, {transform_indices = #map1}, {transform_indices = #map1}, {transform_indices = #map1}]} {
    %scan3A = arith.constant 0 : i32
    %scan3A_0 = arith.constant 625 : i32
    %scan3A_1 = arith.addi %scan3A, %scan3A_0 : i32
    %scan3A_2 = arith.constant 1 : i32
    scf.for %scan3A_23 = %scan3A to %scan3A_1 step %scan3A_2  : i32 {
      %mul3A_24 = arith.constant 1 : i32
      %mul3A_25 = arith.muli %scan3A_23, %mul3A_24 : i32
      %add3A = arith.constant 0 : i32
      %add3A_26 = arith.addi %add3A, %mul3A_25 : i32
      %broadcast_in_dim3A = arith.constant 0.000000e+00 : f32
      %broadcast_in_dim3A_27 = vector.broadcast %broadcast_in_dim3A : f32 to vector<16xf32>
      %swap3A = arith.index_cast %add3A_26 : i32 to index
      %swap3A_28 = arith.constant 0 : index
      %swap3A_29 = tpu.vector_load %arg13[%swap3A, %swap3A_28] {strides = array<i32>} : memref<625x16xf32, #tpu.memory_space<vmem>>, vector<1x16xf32>,
      %swap3A_30 = vector.shape_cast %swap3A_29 : vector<1x16xf32> to vector<16xf32>
      %swap3A_31 = vector.shape_cast %broadcast_in_dim3A_27 : vector<16xf32> to vector<1x16xf32>
      tpu.vector_store %arg13[%swap3A, %swap3A_28], %swap3A_31 {strides = array<i32>} : memref<625x16xf32, #tpu.memory_space<vmem>>, vector<1x16xf32>,
    }
    %scan3A_3 = arith.constant 625 : i32
    %scan3A_4 = arith.constant 0 : i32
    %scan3A_5 = arith.constant 5 : i32
    %scan3A_6 = arith.addi %scan3A_4, %scan3A_5 : i32
    %scan3A_7 = arith.constant 1 : i32
    scf.for %scan3A_23 = %scan3A_4 to %scan3A_6 step %scan3A_7  : i32 {
      %mul3A_24 = arith.constant 1 : i32
      %mul3A_25 = arith.muli %scan3A_23, %mul3A_24 : i32
      %add3A = arith.constant 0 : i32
      %add3A_26 = arith.addi %add3A, %mul3A_25 : i32
      %mul3A_27 = arith.constant 3125 : i32
      %mul3A_28 = arith.muli %arg1, %mul3A_27 : i32
      %mul3A_29 = arith.constant 625 : i32
      %mul3A_30 = arith.muli %add3A_26, %mul3A_29 : i32
      %add3A_31 = arith.addi %mul3A_28, %mul3A_30 : i32
      "tpu.region"() ({
        %run_scoped3A = tpu.sem_alloc : memref<!tpu.dma_semaphore, #tpu.memory_space<semaphore_mem>>
        %dma_start3A = arith.constant 0 : i32
        %dma_start3A_32 = tpu.memref_slice %arg11[%add3A_31, %dma_start3A] : memref<50000x16xf32, #tpu.memory_space<vmem_shared>> -> memref<625x16xf32, #tpu.memory_space<vmem_shared>>
        %dma_start3A_33 = arith.constant 0 : i32
        %dma_start3A_34 = tpu.memref_slice %arg11[%add3A_31, %dma_start3A_33] : memref<50000x16xf32, #tpu.memory_space<vmem_shared>> -> memref<625x16xf32, #tpu.memory_space<vmem_shared>>
        tpu.enqueue_dma source(%arg13 : memref<625x16xf32, #tpu.memory_space<vmem>>) target(%dma_start3A_34 : memref<625x16xf32, #tpu.memory_space<vmem_shared>>) target_semaphore(%run_scoped3A : memref<!tpu.dma_semaphore, #tpu.memory_space<semaphore_mem>>)
        %dma_wait3A = arith.constant 0 : i32
        %dma_wait3A_35 = tpu.memref_slice %arg11[%add3A_31, %dma_wait3A] : memref<50000x16xf32, #tpu.memory_space<vmem_shared>> -> memref<625x16xf32, #tpu.memory_space<vmem_shared>>
        %dma_wait3A_36 = arith.constant 0 : i32
        %dma_wait3A_37 = tpu.memref_slice %arg11[%add3A_31, %dma_wait3A_36] : memref<50000x16xf32, #tpu.memory_space<vmem_shared>> -> memref<625x16xf32, #tpu.memory_space<vmem_shared>>
        tpu.wait_dma2 semaphore(%run_scoped3A : memref<!tpu.dma_semaphore, #tpu.memory_space<semaphore_mem>>) src(%arg13 : memref<625x16xf32, #tpu.memory_space<vmem>>) dst(%dma_wait3A_37 : memref<625x16xf32, #tpu.memory_space<vmem_shared>>)
        tpu.yield
      }) : () -> ()
      "tpu.region"() ({
        %run_scoped3A = tpu.sem_alloc : memref<!tpu.dma_semaphore, #tpu.memory_space<semaphore_mem>>
        %dma_start3A = arith.constant 0 : i32
        %dma_start3A_32 = tpu.memref_slice %arg12[%add3A_31, %dma_start3A] : memref<50000x16xf32, #tpu.memory_space<vmem_shared>> -> memref<625x16xf32, #tpu.memory_space<vmem_shared>>
        %dma_start3A_33 = arith.constant 0 : i32
        %dma_start3A_34 = tpu.memref_slice %arg12[%add3A_31, %dma_start3A_33] : memref<50000x16xf32, #tpu.memory_space<vmem_shared>> -> memref<625x16xf32, #tpu.memory_space<vmem_shared>>
        tpu.enqueue_dma source(%arg13 : memref<625x16xf32, #tpu.memory_space<vmem>>) target(%dma_start3A_34 : memref<625x16xf32, #tpu.memory_space<vmem_shared>>) target_semaphore(%run_scoped3A : memref<!tpu.dma_semaphore, #tpu.memory_space<semaphore_mem>>)
        %dma_wait3A = arith.constant 0 : i32
        %dma_wait3A_35 = tpu.memref_slice %arg12[%add3A_31, %dma_wait3A] : memref<50000x16xf32, #tpu.memory_space<vmem_shared>> -> memref<625x16xf32, #tpu.memory_space<vmem_shared>>
        %dma_wait3A_36 = arith.constant 0 : i32
        %dma_wait3A_37 = tpu.memref_slice %arg12[%add3A_31, %dma_wait3A_36] : memref<50000x16xf32, #tpu.memory_space<vmem_shared>> -> memref<625x16xf32, #tpu.memory_space<vmem_shared>>
        tpu.wait_dma2 semaphore(%run_scoped3A : memref<!tpu.dma_semaphore, #tpu.memory_space<semaphore_mem>>) src(%arg13 : memref<625x16xf32, #tpu.memory_space<vmem>>) dst(%dma_wait3A_37 : memref<625x16xf32, #tpu.memory_space<vmem_shared>>)
        tpu.yield
      }) : () -> ()
    }
    %scan3A_8 = arith.constant 5 : i32
    %barrier3A = arith.constant 0 : index
    tpu.barrier barrier_id(%barrier3A)
    %scan3A_9 = arith.constant 0 : i32
    %scan3A_10 = arith.constant 125 : i32
    %scan3A_11 = arith.addi %scan3A_9, %scan3A_10 : i32
    %scan3A_12 = arith.constant 1 : i32
    scf.for %scan3A_23 = %scan3A_9 to %scan3A_11 step %scan3A_12  : i32 {
      %mul3A_24 = arith.constant 1 : i32
      %mul3A_25 = arith.muli %scan3A_23, %mul3A_24 : i32
      %add3A = arith.constant 0 : i32
      %add3A_26 = arith.addi %add3A, %mul3A_25 : i32
      %mul3A_27 = arith.constant 16 : i32
      %mul3A_28 = arith.muli %add3A_26, %mul3A_27 : i32
      %add3A_29 = arith.addi %mul3A_28, %arg1 : i32
      %lt3A = arith.constant 2000 : i32
      %lt3A_30 = arith.cmpi slt, %add3A_29, %lt3A : i32
      %convert_element_type3A_31 = arith.extui %lt3A_30 : i1 to i32
      %cond3A_32 = arith.constant 0 : i32
      %cond3A_33 = arith.cmpi ne, %convert_element_type3A_31, %cond3A_32 : i32
      scf.if %cond3A_33 {
        %mul3A_34 = arith.constant 400 : i32
        %mul3A_35 = arith.muli %add3A_29, %mul3A_34 : i32
        "tpu.region"() ({
          %run_scoped3A = tpu.sem_alloc : memref<!tpu.dma_semaphore, #tpu.memory_space<semaphore_mem>>
          %dma_start3A = tpu.memref_slice %arg2[%mul3A_35] : memref<800000xi32, #tpu.memory_space<hbm>> -> memref<400xi32, #tpu.memory_space<hbm>>
          %dma_start3A_46 = tpu.memref_slice %arg2[%mul3A_35] : memref<800000xi32, #tpu.memory_space<hbm>> -> memref<400xi32, #tpu.memory_space<hbm>>
          tpu.enqueue_dma source(%dma_start3A_46 : memref<400xi32, #tpu.memory_space<hbm>>) target(%arg14 : memref<400xi32, #tpu.memory_space<vmem>>) target_semaphore(%run_scoped3A : memref<!tpu.dma_semaphore, #tpu.memory_space<semaphore_mem>>)
          %dma_wait3A = tpu.memref_slice %arg2[%mul3A_35] : memref<800000xi32, #tpu.memory_space<hbm>> -> memref<400xi32, #tpu.memory_space<hbm>>
          %dma_wait3A_47 = tpu.memref_slice %arg2[%mul3A_35] : memref<800000xi32, #tpu.memory_space<hbm>> -> memref<400xi32, #tpu.memory_space<hbm>>
          tpu.wait_dma2 semaphore(%run_scoped3A : memref<!tpu.dma_semaphore, #tpu.memory_space<semaphore_mem>>) src(%dma_wait3A_47 : memref<400xi32, #tpu.memory_space<hbm>>) dst(%arg14 : memref<400xi32, #tpu.memory_space<vmem>>)
          tpu.yield
        }) : () -> ()
        %eq3A_36 = arith.constant 0 : i32
        %eq3A_37 = arith.cmpi eq, %arg0, %eq3A_36 : i32
        %convert_element_type3A_38 = arith.extui %eq3A_37 : i1 to i32
        %cond3A_39 = arith.constant 0 : i32
        %cond3A_40 = arith.cmpi ne, %convert_element_type3A_38, %cond3A_39 : i32
        scf.if %cond3A_40 {
          "tpu.region"() ({
            %run_scoped3A = tpu.sem_alloc : memref<!tpu.dma_semaphore, #tpu.memory_space<semaphore_mem>>
            %dma_start3A = arith.constant 0 : i32
            %dma_start3A_46 = tpu.memref_slice %arg3[%mul3A_35, %dma_start3A] : memref<800000x16xf32, #tpu.memory_space<hbm>> -> memref<400x16xf32, #tpu.memory_space<hbm>>
            %dma_start3A_47 = arith.constant 0 : i32
            %dma_start3A_48 = tpu.memref_slice %arg3[%mul3A_35, %dma_start3A_47] : memref<800000x16xf32, #tpu.memory_space<hbm>> -> memref<400x16xf32, #tpu.memory_space<hbm>>
            tpu.enqueue_dma source(%dma_start3A_48 : memref<400x16xf32, #tpu.memory_space<hbm>>) target(%arg15 : memref<400x16xf32, #tpu.memory_space<vmem>>) target_semaphore(%run_scoped3A : memref<!tpu.dma_semaphore, #tpu.memory_space<semaphore_mem>>)
            %dma_wait3A = arith.constant 0 : i32
            %dma_wait3A_49 = tpu.memref_slice %arg3[%mul3A_35, %dma_wait3A] : memref<800000x16xf32, #tpu.memory_space<hbm>> -> memref<400x16xf32, #tpu.memory_space<hbm>>
            %dma_wait3A_50 = arith.constant 0 : i32
            %dma_wait3A_51 = tpu.memref_slice %arg3[%mul3A_35, %dma_wait3A_50] : memref<800000x16xf32, #tpu.memory_space<hbm>> -> memref<400x16xf32, #tpu.memory_space<hbm>>
            tpu.wait_dma2 semaphore(%run_scoped3A : memref<!tpu.dma_semaphore, #tpu.memory_space<semaphore_mem>>) src(%dma_wait3A_51 : memref<400x16xf32, #tpu.memory_space<hbm>>) dst(%arg15 : memref<400x16xf32, #tpu.memory_space<vmem>>)
            tpu.yield
          }) : () -> ()
          "tpu.region"() ({
            %run_scoped3A = tpu.sem_alloc : memref<!tpu.dma_semaphore, #tpu.memory_space<semaphore_mem>>
            %dma_start3A = arith.constant 0 : i32
            %dma_start3A_46 = tpu.memref_slice %arg4[%mul3A_35, %dma_start3A] : memref<800000x16xf32, #tpu.memory_space<hbm>> -> memref<400x16xf32, #tpu.memory_space<hbm>>
            %dma_start3A_47 = arith.constant 0 : i32
            %dma_start3A_48 = tpu.memref_slice %arg4[%mul3A_35, %dma_start3A_47] : memref<800000x16xf32, #tpu.memory_space<hbm>> -> memref<400x16xf32, #tpu.memory_space<hbm>>
            tpu.enqueue_dma source(%dma_start3A_48 : memref<400x16xf32, #tpu.memory_space<hbm>>) target(%arg16 : memref<400x16xf32, #tpu.memory_space<vmem>>) target_semaphore(%run_scoped3A : memref<!tpu.dma_semaphore, #tpu.memory_space<semaphore_mem>>)
            %dma_wait3A = arith.constant 0 : i32
            %dma_wait3A_49 = tpu.memref_slice %arg4[%mul3A_35, %dma_wait3A] : memref<800000x16xf32, #tpu.memory_space<hbm>> -> memref<400x16xf32, #tpu.memory_space<hbm>>
            %dma_wait3A_50 = arith.constant 0 : i32
            %dma_wait3A_51 = tpu.memref_slice %arg4[%mul3A_35, %dma_wait3A_50] : memref<800000x16xf32, #tpu.memory_space<hbm>> -> memref<400x16xf32, #tpu.memory_space<hbm>>
            tpu.wait_dma2 semaphore(%run_scoped3A : memref<!tpu.dma_semaphore, #tpu.memory_space<semaphore_mem>>) src(%dma_wait3A_51 : memref<400x16xf32, #tpu.memory_space<hbm>>) dst(%arg16 : memref<400x16xf32, #tpu.memory_space<vmem>>)
            tpu.yield
          }) : () -> ()
        } else {
        }
        %eq3A_41 = arith.constant 1 : i32
        %eq3A_42 = arith.cmpi eq, %arg0, %eq3A_41 : i32
        %convert_element_type3A_43 = arith.extui %eq3A_42 : i1 to i32
        %cond3A_44 = arith.constant 0 : i32
        %cond3A_45 = arith.cmpi ne, %convert_element_type3A_43, %cond3A_44 : i32
        scf.if %cond3A_45 {
          "tpu.region"() ({
            %run_scoped3A = tpu.sem_alloc : memref<!tpu.dma_semaphore, #tpu.memory_space<semaphore_mem>>
            %dma_start3A = arith.constant 0 : i32
            %dma_start3A_46 = tpu.memref_slice %arg5[%mul3A_35, %dma_start3A] : memref<800000x16xf32, #tpu.memory_space<hbm>> -> memref<400x16xf32, #tpu.memory_space<hbm>>
            %dma_start3A_47 = arith.constant 0 : i32
            %dma_start3A_48 = tpu.memref_slice %arg5[%mul3A_35, %dma_start3A_47] : memref<800000x16xf32, #tpu.memory_space<hbm>> -> memref<400x16xf32, #tpu.memory_space<hbm>>
            tpu.enqueue_dma source(%dma_start3A_48 : memref<400x16xf32, #tpu.memory_space<hbm>>) target(%arg15 : memref<400x16xf32, #tpu.memory_space<vmem>>) target_semaphore(%run_scoped3A : memref<!tpu.dma_semaphore, #tpu.memory_space<semaphore_mem>>)
            %dma_wait3A = arith.constant 0 : i32
            %dma_wait3A_49 = tpu.memref_slice %arg5[%mul3A_35, %dma_wait3A] : memref<800000x16xf32, #tpu.memory_space<hbm>> -> memref<400x16xf32, #tpu.memory_space<hbm>>
            %dma_wait3A_50 = arith.constant 0 : i32
            %dma_wait3A_51 = tpu.memref_slice %arg5[%mul3A_35, %dma_wait3A_50] : memref<800000x16xf32, #tpu.memory_space<hbm>> -> memref<400x16xf32, #tpu.memory_space<hbm>>
            tpu.wait_dma2 semaphore(%run_scoped3A : memref<!tpu.dma_semaphore, #tpu.memory_space<semaphore_mem>>) src(%dma_wait3A_51 : memref<400x16xf32, #tpu.memory_space<hbm>>) dst(%arg15 : memref<400x16xf32, #tpu.memory_space<vmem>>)
            tpu.yield
          }) : () -> ()
          "tpu.region"() ({
            %run_scoped3A = tpu.sem_alloc : memref<!tpu.dma_semaphore, #tpu.memory_space<semaphore_mem>>
            %dma_start3A = arith.constant 0 : i32
            %dma_start3A_46 = tpu.memref_slice %arg6[%mul3A_35, %dma_start3A] : memref<800000x16xf32, #tpu.memory_space<hbm>> -> memref<400x16xf32, #tpu.memory_space<hbm>>
            %dma_start3A_47 = arith.constant 0 : i32
            %dma_start3A_48 = tpu.memref_slice %arg6[%mul3A_35, %dma_start3A_47] : memref<800000x16xf32, #tpu.memory_space<hbm>> -> memref<400x16xf32, #tpu.memory_space<hbm>>
            tpu.enqueue_dma source(%dma_start3A_48 : memref<400x16xf32, #tpu.memory_space<hbm>>) target(%arg16 : memref<400x16xf32, #tpu.memory_space<vmem>>) target_semaphore(%run_scoped3A : memref<!tpu.dma_semaphore, #tpu.memory_space<semaphore_mem>>)
            %dma_wait3A = arith.constant 0 : i32
            %dma_wait3A_49 = tpu.memref_slice %arg6[%mul3A_35, %dma_wait3A] : memref<800000x16xf32, #tpu.memory_space<hbm>> -> memref<400x16xf32, #tpu.memory_space<hbm>>
            %dma_wait3A_50 = arith.constant 0 : i32
            %dma_wait3A_51 = tpu.memref_slice %arg6[%mul3A_35, %dma_wait3A_50] : memref<800000x16xf32, #tpu.memory_space<hbm>> -> memref<400x16xf32, #tpu.memory_space<hbm>>
            tpu.wait_dma2 semaphore(%run_scoped3A : memref<!tpu.dma_semaphore, #tpu.memory_space<semaphore_mem>>) src(%dma_wait3A_51 : memref<400x16xf32, #tpu.memory_space<hbm>>) dst(%arg16 : memref<400x16xf32, #tpu.memory_space<vmem>>)
            tpu.yield
          }) : () -> ()
        } else {
        }
        "tpu.region"() ({
          %run_scoped3A = tpu.sem_alloc : memref<!tpu.dma_semaphore, #tpu.memory_space<semaphore_mem>>
          %dma_start3A = arith.constant 0 : i32
          %dma_start3A_46 = arith.constant 0 : i32
          %dma_start3A_47 = tpu.memref_slice %arg11[%dma_start3A, %dma_start3A_46] : memref<50000x16xf32, #tpu.memory_space<vmem_shared>> -> memref<50000x16xf32, #tpu.memory_space<vmem_shared>>
          tpu.enqueue_indirect_dma source(%arg15 : memref<400x16xf32, #tpu.memory_space<vmem>>) target(%dma_start3A_47 : memref<50000x16xf32, #tpu.memory_space<vmem_shared>>) offsets(%arg14 : memref<400xi32, #tpu.memory_space<vmem>>) semaphore(%run_scoped3A : memref<!tpu.dma_semaphore, #tpu.memory_space<semaphore_mem>>) {add = true}
          %dma_wait3A = arith.constant 0 : i32
          %dma_wait3A_48 = arith.constant 0 : i32
          %dma_wait3A_49 = tpu.memref_slice %arg11[%dma_wait3A, %dma_wait3A_48] : memref<50000x16xf32, #tpu.memory_space<vmem_shared>> -> memref<50000x16xf32, #tpu.memory_space<vmem_shared>>
          tpu.wait_indirect_dma semaphore(%run_scoped3A : memref<!tpu.dma_semaphore, #tpu.memory_space<semaphore_mem>>) src(%arg15 : memref<400x16xf32, #tpu.memory_space<vmem>>) dst(%dma_wait3A_49 : memref<50000x16xf32, #tpu.memory_space<vmem_shared>>)
          tpu.yield
        }) : () -> ()
        "tpu.region"() ({
          %run_scoped3A = tpu.sem_alloc : memref<!tpu.dma_semaphore, #tpu.memory_space<semaphore_mem>>
          %dma_start3A = arith.constant 0 : i32
          %dma_start3A_46 = arith.constant 0 : i32
          %dma_start3A_47 = tpu.memref_slice %arg12[%dma_start3A, %dma_start3A_46] : memref<50000x16xf32, #tpu.memory_space<vmem_shared>> -> memref<50000x16xf32, #tpu.memory_space<vmem_shared>>
          tpu.enqueue_indirect_dma source(%arg16 : memref<400x16xf32, #tpu.memory_space<vmem>>) target(%dma_start3A_47 : memref<50000x16xf32, #tpu.memory_space<vmem_shared>>) offsets(%arg14 : memref<400xi32, #tpu.memory_space<vmem>>) semaphore(%run_scoped3A : memref<!tpu.dma_semaphore, #tpu.memory_space<semaphore_mem>>) {add = true}
          %dma_wait3A = arith.constant 0 : i32
          %dma_wait3A_48 = arith.constant 0 : i32
          %dma_wait3A_49 = tpu.memref_slice %arg12[%dma_wait3A, %dma_wait3A_48] : memref<50000x16xf32, #tpu.memory_space<vmem_shared>> -> memref<50000x16xf32, #tpu.memory_space<vmem_shared>>
          tpu.wait_indirect_dma semaphore(%run_scoped3A : memref<!tpu.dma_semaphore, #tpu.memory_space<semaphore_mem>>) src(%arg16 : memref<400x16xf32, #tpu.memory_space<vmem>>) dst(%dma_wait3A_49 : memref<50000x16xf32, #tpu.memory_space<vmem_shared>>)
          tpu.yield
        }) : () -> ()
      } else {
      }
    }
    %scan3A_13 = arith.constant 125 : i32
    %barrier3A_14 = arith.constant 0 : index
    tpu.barrier barrier_id(%barrier3A_14)
    %mul3A = arith.constant 3125 : i32
    %mul3A_15 = arith.muli %arg1, %mul3A : i32
    %eq3A = arith.constant 0 : i32
    %eq3A_16 = arith.cmpi eq, %arg0, %eq3A : i32
    %convert_element_type3A = arith.extui %eq3A_16 : i1 to i32
    %cond3A = arith.constant 0 : i32
    %cond3A_17 = arith.cmpi ne, %convert_element_type3A, %cond3A : i32
    scf.if %cond3A_17 {
      "tpu.region"() ({
        %run_scoped3A = tpu.sem_alloc : memref<!tpu.dma_semaphore, #tpu.memory_space<semaphore_mem>>
        %dma_start3A = arith.constant 0 : i32
        %dma_start3A_23 = tpu.memref_slice %arg7[%mul3A_15, %dma_start3A] : memref<50000x16xf32, #tpu.memory_space<hbm>> -> memref<3125x16xf32, #tpu.memory_space<hbm>>
        %dma_start3A_24 = arith.constant 0 : i32
        %dma_start3A_25 = tpu.memref_slice %arg11[%mul3A_15, %dma_start3A_24] : memref<50000x16xf32, #tpu.memory_space<vmem_shared>> -> memref<3125x16xf32, #tpu.memory_space<vmem_shared>>
        tpu.enqueue_dma source(%dma_start3A_25 : memref<3125x16xf32, #tpu.memory_space<vmem_shared>>) target(%dma_start3A_23 : memref<3125x16xf32, #tpu.memory_space<hbm>>) target_semaphore(%run_scoped3A : memref<!tpu.dma_semaphore, #tpu.memory_space<semaphore_mem>>)
        %dma_wait3A = arith.constant 0 : i32
        %dma_wait3A_26 = tpu.memref_slice %arg7[%mul3A_15, %dma_wait3A] : memref<50000x16xf32, #tpu.memory_space<hbm>> -> memref<3125x16xf32, #tpu.memory_space<hbm>>
        %dma_wait3A_27 = arith.constant 0 : i32
        %dma_wait3A_28 = tpu.memref_slice %arg11[%mul3A_15, %dma_wait3A_27] : memref<50000x16xf32, #tpu.memory_space<vmem_shared>> -> memref<3125x16xf32, #tpu.memory_space<vmem_shared>>
        tpu.wait_dma2 semaphore(%run_scoped3A : memref<!tpu.dma_semaphore, #tpu.memory_space<semaphore_mem>>) src(%dma_wait3A_28 : memref<3125x16xf32, #tpu.memory_space<vmem_shared>>) dst(%dma_wait3A_26 : memref<3125x16xf32, #tpu.memory_space<hbm>>)
        tpu.yield
      }) : () -> ()
      "tpu.region"() ({
        %run_scoped3A = tpu.sem_alloc : memref<!tpu.dma_semaphore, #tpu.memory_space<semaphore_mem>>
        %dma_start3A = arith.constant 0 : i32
        %dma_start3A_23 = tpu.memref_slice %arg8[%mul3A_15, %dma_start3A] : memref<50000x16xf32, #tpu.memory_space<hbm>> -> memref<3125x16xf32, #tpu.memory_space<hbm>>
        %dma_start3A_24 = arith.constant 0 : i32
        %dma_start3A_25 = tpu.memref_slice %arg12[%mul3A_15, %dma_start3A_24] : memref<50000x16xf32, #tpu.memory_space<vmem_shared>> -> memref<3125x16xf32, #tpu.memory_space<vmem_shared>>
        tpu.enqueue_dma source(%dma_start3A_25 : memref<3125x16xf32, #tpu.memory_space<vmem_shared>>) target(%dma_start3A_23 : memref<3125x16xf32, #tpu.memory_space<hbm>>) target_semaphore(%run_scoped3A : memref<!tpu.dma_semaphore, #tpu.memory_space<semaphore_mem>>)
        %dma_wait3A = arith.constant 0 : i32
        %dma_wait3A_26 = tpu.memref_slice %arg8[%mul3A_15, %dma_wait3A] : memref<50000x16xf32, #tpu.memory_space<hbm>> -> memref<3125x16xf32, #tpu.memory_space<hbm>>
        %dma_wait3A_27 = arith.constant 0 : i32
        %dma_wait3A_28 = tpu.memref_slice %arg12[%mul3A_15, %dma_wait3A_27] : memref<50000x16xf32, #tpu.memory_space<vmem_shared>> -> memref<3125x16xf32, #tpu.memory_space<vmem_shared>>
        tpu.wait_dma2 semaphore(%run_scoped3A : memref<!tpu.dma_semaphore, #tpu.memory_space<semaphore_mem>>) src(%dma_wait3A_28 : memref<3125x16xf32, #tpu.memory_space<vmem_shared>>) dst(%dma_wait3A_26 : memref<3125x16xf32, #tpu.memory_space<hbm>>)
        tpu.yield
      }) : () -> ()
    } else {
    }
    %eq3A_18 = arith.constant 1 : i32
    %eq3A_19 = arith.cmpi eq, %arg0, %eq3A_18 : i32
    %convert_element_type3A_20 = arith.extui %eq3A_19 : i1 to i32
    %cond3A_21 = arith.constant 0 : i32
    %cond3A_22 = arith.cmpi ne, %convert_element_type3A_20, %cond3A_21 : i32
    scf.if %cond3A_22 {
      "tpu.region"() ({
        %run_scoped3A = tpu.sem_alloc : memref<!tpu.dma_semaphore, #tpu.memory_space<semaphore_mem>>
        %dma_start3A = arith.constant 0 : i32
        %dma_start3A_23 = tpu.memref_slice %arg9[%mul3A_15, %dma_start3A] : memref<50000x16xf32, #tpu.memory_space<hbm>> -> memref<3125x16xf32, #tpu.memory_space<hbm>>
        %dma_start3A_24 = arith.constant 0 : i32
        %dma_start3A_25 = tpu.memref_slice %arg11[%mul3A_15, %dma_start3A_24] : memref<50000x16xf32, #tpu.memory_space<vmem_shared>> -> memref<3125x16xf32, #tpu.memory_space<vmem_shared>>
        tpu.enqueue_dma source(%dma_start3A_25 : memref<3125x16xf32, #tpu.memory_space<vmem_shared>>) target(%dma_start3A_23 : memref<3125x16xf32, #tpu.memory_space<hbm>>) target_semaphore(%run_scoped3A : memref<!tpu.dma_semaphore, #tpu.memory_space<semaphore_mem>>)
        %dma_wait3A = arith.constant 0 : i32
        %dma_wait3A_26 = tpu.memref_slice %arg9[%mul3A_15, %dma_wait3A] : memref<50000x16xf32, #tpu.memory_space<hbm>> -> memref<3125x16xf32, #tpu.memory_space<hbm>>
        %dma_wait3A_27 = arith.constant 0 : i32
        %dma_wait3A_28 = tpu.memref_slice %arg11[%mul3A_15, %dma_wait3A_27] : memref<50000x16xf32, #tpu.memory_space<vmem_shared>> -> memref<3125x16xf32, #tpu.memory_space<vmem_shared>>
        tpu.wait_dma2 semaphore(%run_scoped3A : memref<!tpu.dma_semaphore, #tpu.memory_space<semaphore_mem>>) src(%dma_wait3A_28 : memref<3125x16xf32, #tpu.memory_space<vmem_shared>>) dst(%dma_wait3A_26 : memref<3125x16xf32, #tpu.memory_space<hbm>>)
        tpu.yield
      }) : () -> ()
      "tpu.region"() ({
        %run_scoped3A = tpu.sem_alloc : memref<!tpu.dma_semaphore, #tpu.memory_space<semaphore_mem>>
        %dma_start3A = arith.constant 0 : i32
        %dma_start3A_23 = tpu.memref_slice %arg10[%mul3A_15, %dma_start3A] : memref<50000x16xf32, #tpu.memory_space<hbm>> -> memref<3125x16xf32, #tpu.memory_space<hbm>>
        %dma_start3A_24 = arith.constant 0 : i32
        %dma_start3A_25 = tpu.memref_slice %arg12[%mul3A_15, %dma_start3A_24] : memref<50000x16xf32, #tpu.memory_space<vmem_shared>> -> memref<3125x16xf32, #tpu.memory_space<vmem_shared>>
        tpu.enqueue_dma source(%dma_start3A_25 : memref<3125x16xf32, #tpu.memory_space<vmem_shared>>) target(%dma_start3A_23 : memref<3125x16xf32, #tpu.memory_space<hbm>>) target_semaphore(%run_scoped3A : memref<!tpu.dma_semaphore, #tpu.memory_space<semaphore_mem>>)
        %dma_wait3A = arith.constant 0 : i32
        %dma_wait3A_26 = tpu.memref_slice %arg10[%mul3A_15, %dma_wait3A] : memref<50000x16xf32, #tpu.memory_space<hbm>> -> memref<3125x16xf32, #tpu.memory_space<hbm>>
        %dma_wait3A_27 = arith.constant 0 : i32
        %dma_wait3A_28 = tpu.memref_slice %arg12[%mul3A_15, %dma_wait3A_27] : memref<50000x16xf32, #tpu.memory_space<vmem_shared>> -> memref<3125x16xf32, #tpu.memory_space<vmem_shared>>
        tpu.wait_dma2 semaphore(%run_scoped3A : memref<!tpu.dma_semaphore, #tpu.memory_space<semaphore_mem>>) src(%dma_wait3A_28 : memref<3125x16xf32, #tpu.memory_space<vmem_shared>>) dst(%dma_wait3A_26 : memref<3125x16xf32, #tpu.memory_space<hbm>>)
        tpu.yield
      }) : () -> ()
    } else {
    }
    return
  }
}

#map = affine_map<(d0, d1) -> (0, 0)>
#map1 = affine_map<(d0, d1) -> (0)>
module attributes {stable_mosaic.version = 14 : i64} {
  func.func @body(%arg0: i32, %arg1: i32, %arg2: memref<50000x16xf32, #tpu.memory_space<hbm>>, %arg3: memref<800000xi32, #tpu.memory_space<hbm>>, %arg4: memref<800000xi32, #tpu.memory_space<hbm>>, %arg5: memref<800000x16xf32, #tpu.memory_space<hbm>>, %arg6: memref<800000x16xf32, #tpu.memory_space<hbm>>, %arg7: memref<400xi32, #tpu.memory_space<vmem>>, %arg8: memref<400xi32, #tpu.memory_space<vmem>>, %arg9: memref<400x16xf32, #tpu.memory_space<vmem>>, %arg10: memref<400x16xf32, #tpu.memory_space<vmem>>, %arg11: memref<!tpu.dma_semaphore, #tpu.memory_space<semaphore_mem>>) attributes {dimension_semantics = [#tpu.dimension_semantics<core_parallel>, #tpu.dimension_semantics<subcore_parallel>], iteration_bounds = array<i64: 2, 16>, scalar_prefetch = 0 : i64, scratch_operands = 5 : i64, tpu.core_type = #tpu.core_type<sc_vector_subcore>, window_params = [{transform_indices = #map}, {transform_indices = #map1}, {transform_indices = #map1}, {transform_indices = #map}, {transform_indices = #map}]} {
    %mul3A = arith.constant 2 : i32
    %mul3A_0 = arith.muli %arg1, %mul3A : i32
    %add3A = arith.addi %mul3A_0, %arg0 : i32
    %scan3A = arith.constant 0 : i32
    %scan3A_1 = arith.constant 63 : i32
    %scan3A_2 = arith.addi %scan3A, %scan3A_1 : i32
    %scan3A_3 = arith.constant 1 : i32
    scf.for %scan3A_5 = %scan3A to %scan3A_2 step %scan3A_3  : i32 {
      %mul3A_6 = arith.constant 1 : i32
      %mul3A_7 = arith.muli %scan3A_5, %mul3A_6 : i32
      %add3A_8 = arith.constant 0 : i32
      %add3A_9 = arith.addi %add3A_8, %mul3A_7 : i32
      %mul3A_10 = arith.constant 32 : i32
      %mul3A_11 = arith.muli %add3A_9, %mul3A_10 : i32
      %add3A_12 = arith.addi %mul3A_11, %add3A : i32
      %lt3A = arith.constant 2000 : i32
      %lt3A_13 = arith.cmpi slt, %add3A_12, %lt3A : i32
      %convert_element_type3A = arith.extui %lt3A_13 : i1 to i32
      %cond3A = arith.constant 0 : i32
      %cond3A_14 = arith.cmpi ne, %convert_element_type3A, %cond3A : i32
      scf.if %cond3A_14 {
        %mul3A_15 = arith.constant 400 : i32
        %mul3A_16 = arith.muli %add3A_12, %mul3A_15 : i32
        "tpu.region"() ({
          %run_scoped3A = tpu.sem_alloc : memref<!tpu.dma_semaphore, #tpu.memory_space<semaphore_mem>>
          %dma_start3A_27 = tpu.memref_slice %arg3[%mul3A_16] : memref<800000xi32, #tpu.memory_space<hbm>> -> memref<400xi32, #tpu.memory_space<hbm>>
          %dma_start3A_28 = tpu.memref_slice %arg3[%mul3A_16] : memref<800000xi32, #tpu.memory_space<hbm>> -> memref<400xi32, #tpu.memory_space<hbm>>
          tpu.enqueue_dma source(%dma_start3A_28 : memref<400xi32, #tpu.memory_space<hbm>>) target(%arg7 : memref<400xi32, #tpu.memory_space<vmem>>) target_semaphore(%run_scoped3A : memref<!tpu.dma_semaphore, #tpu.memory_space<semaphore_mem>>)
          %dma_wait3A_29 = tpu.memref_slice %arg3[%mul3A_16] : memref<800000xi32, #tpu.memory_space<hbm>> -> memref<400xi32, #tpu.memory_space<hbm>>
          %dma_wait3A_30 = tpu.memref_slice %arg3[%mul3A_16] : memref<800000xi32, #tpu.memory_space<hbm>> -> memref<400xi32, #tpu.memory_space<hbm>>
          tpu.wait_dma2 semaphore(%run_scoped3A : memref<!tpu.dma_semaphore, #tpu.memory_space<semaphore_mem>>) src(%dma_wait3A_30 : memref<400xi32, #tpu.memory_space<hbm>>) dst(%arg7 : memref<400xi32, #tpu.memory_space<vmem>>)
          tpu.yield
        }) : () -> ()
        "tpu.region"() ({
          %run_scoped3A = tpu.sem_alloc : memref<!tpu.dma_semaphore, #tpu.memory_space<semaphore_mem>>
          %dma_start3A_27 = tpu.memref_slice %arg4[%mul3A_16] : memref<800000xi32, #tpu.memory_space<hbm>> -> memref<400xi32, #tpu.memory_space<hbm>>
          %dma_start3A_28 = tpu.memref_slice %arg4[%mul3A_16] : memref<800000xi32, #tpu.memory_space<hbm>> -> memref<400xi32, #tpu.memory_space<hbm>>
          tpu.enqueue_dma source(%dma_start3A_28 : memref<400xi32, #tpu.memory_space<hbm>>) target(%arg8 : memref<400xi32, #tpu.memory_space<vmem>>) target_semaphore(%run_scoped3A : memref<!tpu.dma_semaphore, #tpu.memory_space<semaphore_mem>>)
          %dma_wait3A_29 = tpu.memref_slice %arg4[%mul3A_16] : memref<800000xi32, #tpu.memory_space<hbm>> -> memref<400xi32, #tpu.memory_space<hbm>>
          %dma_wait3A_30 = tpu.memref_slice %arg4[%mul3A_16] : memref<800000xi32, #tpu.memory_space<hbm>> -> memref<400xi32, #tpu.memory_space<hbm>>
          tpu.wait_dma2 semaphore(%run_scoped3A : memref<!tpu.dma_semaphore, #tpu.memory_space<semaphore_mem>>) src(%dma_wait3A_30 : memref<400xi32, #tpu.memory_space<hbm>>) dst(%arg8 : memref<400xi32, #tpu.memory_space<vmem>>)
          tpu.yield
        }) : () -> ()
        %dma_start3A = arith.constant 0 : i32
        %dma_start3A_17 = arith.constant 0 : i32
        %dma_start3A_18 = tpu.memref_slice %arg2[%dma_start3A, %dma_start3A_17] : memref<50000x16xf32, #tpu.memory_space<hbm>> -> memref<50000x16xf32, #tpu.memory_space<hbm>>
        tpu.enqueue_indirect_dma source(%dma_start3A_18 : memref<50000x16xf32, #tpu.memory_space<hbm>>) target(%arg9 : memref<400x16xf32, #tpu.memory_space<vmem>>) offsets(%arg7 : memref<400xi32, #tpu.memory_space<vmem>>) semaphore(%arg11 : memref<!tpu.dma_semaphore, #tpu.memory_space<semaphore_mem>>)
        %dma_start3A_19 = arith.constant 0 : i32
        %dma_start3A_20 = arith.constant 0 : i32
        %dma_start3A_21 = tpu.memref_slice %arg2[%dma_start3A_19, %dma_start3A_20] : memref<50000x16xf32, #tpu.memory_space<hbm>> -> memref<50000x16xf32, #tpu.memory_space<hbm>>
        tpu.enqueue_indirect_dma source(%dma_start3A_21 : memref<50000x16xf32, #tpu.memory_space<hbm>>) target(%arg10 : memref<400x16xf32, #tpu.memory_space<vmem>>) offsets(%arg8 : memref<400xi32, #tpu.memory_space<vmem>>) semaphore(%arg11 : memref<!tpu.dma_semaphore, #tpu.memory_space<semaphore_mem>>)
        %dma_wait3A = arith.constant 0 : i32
        %dma_wait3A_22 = arith.constant 0 : i32
        %dma_wait3A_23 = tpu.memref_slice %arg2[%dma_wait3A, %dma_wait3A_22] : memref<50000x16xf32, #tpu.memory_space<hbm>> -> memref<50000x16xf32, #tpu.memory_space<hbm>>
        tpu.wait_indirect_dma semaphore(%arg11 : memref<!tpu.dma_semaphore, #tpu.memory_space<semaphore_mem>>) src(%dma_wait3A_23 : memref<50000x16xf32, #tpu.memory_space<hbm>>) dst(%arg9 : memref<400x16xf32, #tpu.memory_space<vmem>>)
        %dma_wait3A_24 = arith.constant 0 : i32
        %dma_wait3A_25 = arith.constant 0 : i32
        %dma_wait3A_26 = tpu.memref_slice %arg2[%dma_wait3A_24, %dma_wait3A_25] : memref<50000x16xf32, #tpu.memory_space<hbm>> -> memref<50000x16xf32, #tpu.memory_space<hbm>>
        tpu.wait_indirect_dma semaphore(%arg11 : memref<!tpu.dma_semaphore, #tpu.memory_space<semaphore_mem>>) src(%dma_wait3A_26 : memref<50000x16xf32, #tpu.memory_space<hbm>>) dst(%arg10 : memref<400x16xf32, #tpu.memory_space<vmem>>)
        "tpu.region"() ({
          %run_scoped3A = tpu.sem_alloc : memref<!tpu.dma_semaphore, #tpu.memory_space<semaphore_mem>>
          %dma_start3A_27 = arith.constant 0 : i32
          %dma_start3A_28 = tpu.memref_slice %arg5[%mul3A_16, %dma_start3A_27] : memref<800000x16xf32, #tpu.memory_space<hbm>> -> memref<400x16xf32, #tpu.memory_space<hbm>>
          %dma_start3A_29 = arith.constant 0 : i32
          %dma_start3A_30 = tpu.memref_slice %arg5[%mul3A_16, %dma_start3A_29] : memref<800000x16xf32, #tpu.memory_space<hbm>> -> memref<400x16xf32, #tpu.memory_space<hbm>>
          tpu.enqueue_dma source(%arg9 : memref<400x16xf32, #tpu.memory_space<vmem>>) target(%dma_start3A_30 : memref<400x16xf32, #tpu.memory_space<hbm>>) target_semaphore(%run_scoped3A : memref<!tpu.dma_semaphore, #tpu.memory_space<semaphore_mem>>)
          %dma_wait3A_31 = arith.constant 0 : i32
          %dma_wait3A_32 = tpu.memref_slice %arg5[%mul3A_16, %dma_wait3A_31] : memref<800000x16xf32, #tpu.memory_space<hbm>> -> memref<400x16xf32, #tpu.memory_space<hbm>>
          %dma_wait3A_33 = arith.constant 0 : i32
          %dma_wait3A_34 = tpu.memref_slice %arg5[%mul3A_16, %dma_wait3A_33] : memref<800000x16xf32, #tpu.memory_space<hbm>> -> memref<400x16xf32, #tpu.memory_space<hbm>>
          tpu.wait_dma2 semaphore(%run_scoped3A : memref<!tpu.dma_semaphore, #tpu.memory_space<semaphore_mem>>) src(%arg9 : memref<400x16xf32, #tpu.memory_space<vmem>>) dst(%dma_wait3A_34 : memref<400x16xf32, #tpu.memory_space<hbm>>)
          tpu.yield
        }) : () -> ()
        "tpu.region"() ({
          %run_scoped3A = tpu.sem_alloc : memref<!tpu.dma_semaphore, #tpu.memory_space<semaphore_mem>>
          %dma_start3A_27 = arith.constant 0 : i32
          %dma_start3A_28 = tpu.memref_slice %arg6[%mul3A_16, %dma_start3A_27] : memref<800000x16xf32, #tpu.memory_space<hbm>> -> memref<400x16xf32, #tpu.memory_space<hbm>>
          %dma_start3A_29 = arith.constant 0 : i32
          %dma_start3A_30 = tpu.memref_slice %arg6[%mul3A_16, %dma_start3A_29] : memref<800000x16xf32, #tpu.memory_space<hbm>> -> memref<400x16xf32, #tpu.memory_space<hbm>>
          tpu.enqueue_dma source(%arg10 : memref<400x16xf32, #tpu.memory_space<vmem>>) target(%dma_start3A_30 : memref<400x16xf32, #tpu.memory_space<hbm>>) target_semaphore(%run_scoped3A : memref<!tpu.dma_semaphore, #tpu.memory_space<semaphore_mem>>)
          %dma_wait3A_31 = arith.constant 0 : i32
          %dma_wait3A_32 = tpu.memref_slice %arg6[%mul3A_16, %dma_wait3A_31] : memref<800000x16xf32, #tpu.memory_space<hbm>> -> memref<400x16xf32, #tpu.memory_space<hbm>>
          %dma_wait3A_33 = arith.constant 0 : i32
          %dma_wait3A_34 = tpu.memref_slice %arg6[%mul3A_16, %dma_wait3A_33] : memref<800000x16xf32, #tpu.memory_space<hbm>> -> memref<400x16xf32, #tpu.memory_space<hbm>>
          tpu.wait_dma2 semaphore(%run_scoped3A : memref<!tpu.dma_semaphore, #tpu.memory_space<semaphore_mem>>) src(%arg10 : memref<400x16xf32, #tpu.memory_space<vmem>>) dst(%dma_wait3A_34 : memref<400x16xf32, #tpu.memory_space<hbm>>)
          tpu.yield
        }) : () -> ()
      } else {
      }
    }
    %scan3A_4 = arith.constant 63 : i32
    return
  }
}

#map = affine_map<(d0, d1) -> (0, 0)>
#map1 = affine_map<(d0, d1) -> (0)>
module attributes {stable_mosaic.version = 14 : i64} {
  func.func @body(%arg0: i32, %arg1: i32, %arg2: memref<50000x16xf32, #tpu.memory_space<hbm>>, %arg3: memref<50000x16xf32, #tpu.memory_space<hbm>>, %arg4: memref<50000x16xf32, #tpu.memory_space<hbm>>, %arg5: memref<50000x16xf32, #tpu.memory_space<hbm>>, %arg6: memref<800000xi32, #tpu.memory_space<hbm>>, %arg7: memref<800000xi32, #tpu.memory_space<hbm>>, %arg8: memref<800000x16xf32, #tpu.memory_space<hbm>>, %arg9: memref<800000x16xf32, #tpu.memory_space<hbm>>, %arg10: memref<800000x16xf32, #tpu.memory_space<hbm>>, %arg11: memref<800000x16xf32, #tpu.memory_space<hbm>>, %arg12: memref<800000x16xf32, #tpu.memory_space<hbm>>, %arg13: memref<400xi32, #tpu.memory_space<vmem>>, %arg14: memref<400xi32, #tpu.memory_space<vmem>>, %arg15: memref<400x16xf32, #tpu.memory_space<vmem>>, %arg16: memref<400x16xf32, #tpu.memory_space<vmem>>, %arg17: memref<400x16xf32, #tpu.memory_space<vmem>>, %arg18: memref<400x16xf32, #tpu.memory_space<vmem>>, %arg19: memref<400x16xf32, #tpu.memory_space<vmem>>, %arg20: memref<!tpu.dma_semaphore, #tpu.memory_space<semaphore_mem>>) attributes {dimension_semantics = [#tpu.dimension_semantics<core_parallel>, #tpu.dimension_semantics<subcore_parallel>], iteration_bounds = array<i64: 2, 16>, scalar_prefetch = 0 : i64, scratch_operands = 8 : i64, tpu.core_type = #tpu.core_type<sc_vector_subcore>, window_params = [{transform_indices = #map}, {transform_indices = #map}, {transform_indices = #map}, {transform_indices = #map}, {transform_indices = #map1}, {transform_indices = #map1}, {transform_indices = #map}, {transform_indices = #map}, {transform_indices = #map}, {transform_indices = #map}, {transform_indices = #map}]} {
    %mul3A = arith.constant 2 : i32
    %mul3A_0 = arith.muli %arg1, %mul3A : i32
    %add3A = arith.addi %mul3A_0, %arg0 : i32
    %scan3A = arith.constant 0 : i32
    %scan3A_1 = arith.constant 63 : i32
    %scan3A_2 = arith.addi %scan3A, %scan3A_1 : i32
    %scan3A_3 = arith.constant 1 : i32
    scf.for %scan3A_5 = %scan3A to %scan3A_2 step %scan3A_3  : i32 {
      %mul3A_6 = arith.constant 1 : i32
      %mul3A_7 = arith.muli %scan3A_5, %mul3A_6 : i32
      %add3A_8 = arith.constant 0 : i32
      %add3A_9 = arith.addi %add3A_8, %mul3A_7 : i32
      %mul3A_10 = arith.constant 32 : i32
      %mul3A_11 = arith.muli %add3A_9, %mul3A_10 : i32
      %add3A_12 = arith.addi %mul3A_11, %add3A : i32
      %lt3A = arith.constant 2000 : i32
      %lt3A_13 = arith.cmpi slt, %add3A_12, %lt3A : i32
      %convert_element_type3A = arith.extui %lt3A_13 : i1 to i32
      %cond3A = arith.constant 0 : i32
      %cond3A_14 = arith.cmpi ne, %convert_element_type3A, %cond3A : i32
      scf.if %cond3A_14 {
        %mul3A_15 = arith.constant 400 : i32
        %mul3A_16 = arith.muli %add3A_12, %mul3A_15 : i32
        "tpu.region"() ({
          %run_scoped3A = tpu.sem_alloc : memref<!tpu.dma_semaphore, #tpu.memory_space<semaphore_mem>>
          %dma_start3A_45 = tpu.memref_slice %arg6[%mul3A_16] : memref<800000xi32, #tpu.memory_space<hbm>> -> memref<400xi32, #tpu.memory_space<hbm>>
          %dma_start3A_46 = tpu.memref_slice %arg6[%mul3A_16] : memref<800000xi32, #tpu.memory_space<hbm>> -> memref<400xi32, #tpu.memory_space<hbm>>
          tpu.enqueue_dma source(%dma_start3A_46 : memref<400xi32, #tpu.memory_space<hbm>>) target(%arg13 : memref<400xi32, #tpu.memory_space<vmem>>) target_semaphore(%run_scoped3A : memref<!tpu.dma_semaphore, #tpu.memory_space<semaphore_mem>>)
          %dma_wait3A_47 = tpu.memref_slice %arg6[%mul3A_16] : memref<800000xi32, #tpu.memory_space<hbm>> -> memref<400xi32, #tpu.memory_space<hbm>>
          %dma_wait3A_48 = tpu.memref_slice %arg6[%mul3A_16] : memref<800000xi32, #tpu.memory_space<hbm>> -> memref<400xi32, #tpu.memory_space<hbm>>
          tpu.wait_dma2 semaphore(%run_scoped3A : memref<!tpu.dma_semaphore, #tpu.memory_space<semaphore_mem>>) src(%dma_wait3A_48 : memref<400xi32, #tpu.memory_space<hbm>>) dst(%arg13 : memref<400xi32, #tpu.memory_space<vmem>>)
          tpu.yield
        }) : () -> ()
        "tpu.region"() ({
          %run_scoped3A = tpu.sem_alloc : memref<!tpu.dma_semaphore, #tpu.memory_space<semaphore_mem>>
          %dma_start3A_45 = tpu.memref_slice %arg7[%mul3A_16] : memref<800000xi32, #tpu.memory_space<hbm>> -> memref<400xi32, #tpu.memory_space<hbm>>
          %dma_start3A_46 = tpu.memref_slice %arg7[%mul3A_16] : memref<800000xi32, #tpu.memory_space<hbm>> -> memref<400xi32, #tpu.memory_space<hbm>>
          tpu.enqueue_dma source(%dma_start3A_46 : memref<400xi32, #tpu.memory_space<hbm>>) target(%arg14 : memref<400xi32, #tpu.memory_space<vmem>>) target_semaphore(%run_scoped3A : memref<!tpu.dma_semaphore, #tpu.memory_space<semaphore_mem>>)
          %dma_wait3A_47 = tpu.memref_slice %arg7[%mul3A_16] : memref<800000xi32, #tpu.memory_space<hbm>> -> memref<400xi32, #tpu.memory_space<hbm>>
          %dma_wait3A_48 = tpu.memref_slice %arg7[%mul3A_16] : memref<800000xi32, #tpu.memory_space<hbm>> -> memref<400xi32, #tpu.memory_space<hbm>>
          tpu.wait_dma2 semaphore(%run_scoped3A : memref<!tpu.dma_semaphore, #tpu.memory_space<semaphore_mem>>) src(%dma_wait3A_48 : memref<400xi32, #tpu.memory_space<hbm>>) dst(%arg14 : memref<400xi32, #tpu.memory_space<vmem>>)
          tpu.yield
        }) : () -> ()
        %dma_start3A = arith.constant 0 : i32
        %dma_start3A_17 = arith.constant 0 : i32
        %dma_start3A_18 = tpu.memref_slice %arg2[%dma_start3A, %dma_start3A_17] : memref<50000x16xf32, #tpu.memory_space<hbm>> -> memref<50000x16xf32, #tpu.memory_space<hbm>>
        tpu.enqueue_indirect_dma source(%dma_start3A_18 : memref<50000x16xf32, #tpu.memory_space<hbm>>) target(%arg15 : memref<400x16xf32, #tpu.memory_space<vmem>>) offsets(%arg13 : memref<400xi32, #tpu.memory_space<vmem>>) semaphore(%arg20 : memref<!tpu.dma_semaphore, #tpu.memory_space<semaphore_mem>>)
        %dma_start3A_19 = arith.constant 0 : i32
        %dma_start3A_20 = arith.constant 0 : i32
        %dma_start3A_21 = tpu.memref_slice %arg2[%dma_start3A_19, %dma_start3A_20] : memref<50000x16xf32, #tpu.memory_space<hbm>> -> memref<50000x16xf32, #tpu.memory_space<hbm>>
        tpu.enqueue_indirect_dma source(%dma_start3A_21 : memref<50000x16xf32, #tpu.memory_space<hbm>>) target(%arg16 : memref<400x16xf32, #tpu.memory_space<vmem>>) offsets(%arg14 : memref<400xi32, #tpu.memory_space<vmem>>) semaphore(%arg20 : memref<!tpu.dma_semaphore, #tpu.memory_space<semaphore_mem>>)
        %dma_start3A_22 = arith.constant 0 : i32
        %dma_start3A_23 = arith.constant 0 : i32
        %dma_start3A_24 = tpu.memref_slice %arg3[%dma_start3A_22, %dma_start3A_23] : memref<50000x16xf32, #tpu.memory_space<hbm>> -> memref<50000x16xf32, #tpu.memory_space<hbm>>
        tpu.enqueue_indirect_dma source(%dma_start3A_24 : memref<50000x16xf32, #tpu.memory_space<hbm>>) target(%arg17 : memref<400x16xf32, #tpu.memory_space<vmem>>) offsets(%arg14 : memref<400xi32, #tpu.memory_space<vmem>>) semaphore(%arg20 : memref<!tpu.dma_semaphore, #tpu.memory_space<semaphore_mem>>)
        %dma_start3A_25 = arith.constant 0 : i32
        %dma_start3A_26 = arith.constant 0 : i32
        %dma_start3A_27 = tpu.memref_slice %arg4[%dma_start3A_25, %dma_start3A_26] : memref<50000x16xf32, #tpu.memory_space<hbm>> -> memref<50000x16xf32, #tpu.memory_space<hbm>>
        tpu.enqueue_indirect_dma source(%dma_start3A_27 : memref<50000x16xf32, #tpu.memory_space<hbm>>) target(%arg18 : memref<400x16xf32, #tpu.memory_space<vmem>>) offsets(%arg14 : memref<400xi32, #tpu.memory_space<vmem>>) semaphore(%arg20 : memref<!tpu.dma_semaphore, #tpu.memory_space<semaphore_mem>>)
        %dma_start3A_28 = arith.constant 0 : i32
        %dma_start3A_29 = arith.constant 0 : i32
        %dma_start3A_30 = tpu.memref_slice %arg5[%dma_start3A_28, %dma_start3A_29] : memref<50000x16xf32, #tpu.memory_space<hbm>> -> memref<50000x16xf32, #tpu.memory_space<hbm>>
        tpu.enqueue_indirect_dma source(%dma_start3A_30 : memref<50000x16xf32, #tpu.memory_space<hbm>>) target(%arg19 : memref<400x16xf32, #tpu.memory_space<vmem>>) offsets(%arg14 : memref<400xi32, #tpu.memory_space<vmem>>) semaphore(%arg20 : memref<!tpu.dma_semaphore, #tpu.memory_space<semaphore_mem>>)
        %dma_wait3A = arith.constant 0 : i32
        %dma_wait3A_31 = arith.constant 0 : i32
        %dma_wait3A_32 = tpu.memref_slice %arg2[%dma_wait3A, %dma_wait3A_31] : memref<50000x16xf32, #tpu.memory_space<hbm>> -> memref<50000x16xf32, #tpu.memory_space<hbm>>
        tpu.wait_indirect_dma semaphore(%arg20 : memref<!tpu.dma_semaphore, #tpu.memory_space<semaphore_mem>>) src(%dma_wait3A_32 : memref<50000x16xf32, #tpu.memory_space<hbm>>) dst(%arg15 : memref<400x16xf32, #tpu.memory_space<vmem>>)
        %dma_wait3A_33 = arith.constant 0 : i32
        %dma_wait3A_34 = arith.constant 0 : i32
        %dma_wait3A_35 = tpu.memref_slice %arg2[%dma_wait3A_33, %dma_wait3A_34] : memref<50000x16xf32, #tpu.memory_space<hbm>> -> memref<50000x16xf32, #tpu.memory_space<hbm>>
        tpu.wait_indirect_dma semaphore(%arg20 : memref<!tpu.dma_semaphore, #tpu.memory_space<semaphore_mem>>) src(%dma_wait3A_35 : memref<50000x16xf32, #tpu.memory_space<hbm>>) dst(%arg16 : memref<400x16xf32, #tpu.memory_space<vmem>>)
        %dma_wait3A_36 = arith.constant 0 : i32
        %dma_wait3A_37 = arith.constant 0 : i32
        %dma_wait3A_38 = tpu.memref_slice %arg3[%dma_wait3A_36, %dma_wait3A_37] : memref<50000x16xf32, #tpu.memory_space<hbm>> -> memref<50000x16xf32, #tpu.memory_space<hbm>>
        tpu.wait_indirect_dma semaphore(%arg20 : memref<!tpu.dma_semaphore, #tpu.memory_space<semaphore_mem>>) src(%dma_wait3A_38 : memref<50000x16xf32, #tpu.memory_space<hbm>>) dst(%arg17 : memref<400x16xf32, #tpu.memory_space<vmem>>)
        %dma_wait3A_39 = arith.constant 0 : i32
        %dma_wait3A_40 = arith.constant 0 : i32
        %dma_wait3A_41 = tpu.memref_slice %arg4[%dma_wait3A_39, %dma_wait3A_40] : memref<50000x16xf32, #tpu.memory_space<hbm>> -> memref<50000x16xf32, #tpu.memory_space<hbm>>
        tpu.wait_indirect_dma semaphore(%arg20 : memref<!tpu.dma_semaphore, #tpu.memory_space<semaphore_mem>>) src(%dma_wait3A_41 : memref<50000x16xf32, #tpu.memory_space<hbm>>) dst(%arg18 : memref<400x16xf32, #tpu.memory_space<vmem>>)
        %dma_wait3A_42 = arith.constant 0 : i32
        %dma_wait3A_43 = arith.constant 0 : i32
        %dma_wait3A_44 = tpu.memref_slice %arg5[%dma_wait3A_42, %dma_wait3A_43] : memref<50000x16xf32, #tpu.memory_space<hbm>> -> memref<50000x16xf32, #tpu.memory_space<hbm>>
        tpu.wait_indirect_dma semaphore(%arg20 : memref<!tpu.dma_semaphore, #tpu.memory_space<semaphore_mem>>) src(%dma_wait3A_44 : memref<50000x16xf32, #tpu.memory_space<hbm>>) dst(%arg19 : memref<400x16xf32, #tpu.memory_space<vmem>>)
        "tpu.region"() ({
          %run_scoped3A = tpu.sem_alloc : memref<!tpu.dma_semaphore, #tpu.memory_space<semaphore_mem>>
          %dma_start3A_45 = arith.constant 0 : i32
          %dma_start3A_46 = tpu.memref_slice %arg8[%mul3A_16, %dma_start3A_45] : memref<800000x16xf32, #tpu.memory_space<hbm>> -> memref<400x16xf32, #tpu.memory_space<hbm>>
          %dma_start3A_47 = arith.constant 0 : i32
          %dma_start3A_48 = tpu.memref_slice %arg8[%mul3A_16, %dma_start3A_47] : memref<800000x16xf32, #tpu.memory_space<hbm>> -> memref<400x16xf32, #tpu.memory_space<hbm>>
          tpu.enqueue_dma source(%arg15 : memref<400x16xf32, #tpu.memory_space<vmem>>) target(%dma_start3A_48 : memref<400x16xf32, #tpu.memory_space<hbm>>) target_semaphore(%run_scoped3A : memref<!tpu.dma_semaphore, #tpu.memory_space<semaphore_mem>>)
          %dma_wait3A_49 = arith.constant 0 : i32
          %dma_wait3A_50 = tpu.memref_slice %arg8[%mul3A_16, %dma_wait3A_49] : memref<800000x16xf32, #tpu.memory_space<hbm>> -> memref<400x16xf32, #tpu.memory_space<hbm>>
          %dma_wait3A_51 = arith.constant 0 : i32
          %dma_wait3A_52 = tpu.memref_slice %arg8[%mul3A_16, %dma_wait3A_51] : memref<800000x16xf32, #tpu.memory_space<hbm>> -> memref<400x16xf32, #tpu.memory_space<hbm>>
          tpu.wait_dma2 semaphore(%run_scoped3A : memref<!tpu.dma_semaphore, #tpu.memory_space<semaphore_mem>>) src(%arg15 : memref<400x16xf32, #tpu.memory_space<vmem>>) dst(%dma_wait3A_52 : memref<400x16xf32, #tpu.memory_space<hbm>>)
          tpu.yield
        }) : () -> ()
        "tpu.region"() ({
          %run_scoped3A = tpu.sem_alloc : memref<!tpu.dma_semaphore, #tpu.memory_space<semaphore_mem>>
          %dma_start3A_45 = arith.constant 0 : i32
          %dma_start3A_46 = tpu.memref_slice %arg9[%mul3A_16, %dma_start3A_45] : memref<800000x16xf32, #tpu.memory_space<hbm>> -> memref<400x16xf32, #tpu.memory_space<hbm>>
          %dma_start3A_47 = arith.constant 0 : i32
          %dma_start3A_48 = tpu.memref_slice %arg9[%mul3A_16, %dma_start3A_47] : memref<800000x16xf32, #tpu.memory_space<hbm>> -> memref<400x16xf32, #tpu.memory_space<hbm>>
          tpu.enqueue_dma source(%arg16 : memref<400x16xf32, #tpu.memory_space<vmem>>) target(%dma_start3A_48 : memref<400x16xf32, #tpu.memory_space<hbm>>) target_semaphore(%run_scoped3A : memref<!tpu.dma_semaphore, #tpu.memory_space<semaphore_mem>>)
          %dma_wait3A_49 = arith.constant 0 : i32
          %dma_wait3A_50 = tpu.memref_slice %arg9[%mul3A_16, %dma_wait3A_49] : memref<800000x16xf32, #tpu.memory_space<hbm>> -> memref<400x16xf32, #tpu.memory_space<hbm>>
          %dma_wait3A_51 = arith.constant 0 : i32
          %dma_wait3A_52 = tpu.memref_slice %arg9[%mul3A_16, %dma_wait3A_51] : memref<800000x16xf32, #tpu.memory_space<hbm>> -> memref<400x16xf32, #tpu.memory_space<hbm>>
          tpu.wait_dma2 semaphore(%run_scoped3A : memref<!tpu.dma_semaphore, #tpu.memory_space<semaphore_mem>>) src(%arg16 : memref<400x16xf32, #tpu.memory_space<vmem>>) dst(%dma_wait3A_52 : memref<400x16xf32, #tpu.memory_space<hbm>>)
          tpu.yield
        }) : () -> ()
        "tpu.region"() ({
          %run_scoped3A = tpu.sem_alloc : memref<!tpu.dma_semaphore, #tpu.memory_space<semaphore_mem>>
          %dma_start3A_45 = arith.constant 0 : i32
          %dma_start3A_46 = tpu.memref_slice %arg10[%mul3A_16, %dma_start3A_45] : memref<800000x16xf32, #tpu.memory_space<hbm>> -> memref<400x16xf32, #tpu.memory_space<hbm>>
          %dma_start3A_47 = arith.constant 0 : i32
          %dma_start3A_48 = tpu.memref_slice %arg10[%mul3A_16, %dma_start3A_47] : memref<800000x16xf32, #tpu.memory_space<hbm>> -> memref<400x16xf32, #tpu.memory_space<hbm>>
          tpu.enqueue_dma source(%arg17 : memref<400x16xf32, #tpu.memory_space<vmem>>) target(%dma_start3A_48 : memref<400x16xf32, #tpu.memory_space<hbm>>) target_semaphore(%run_scoped3A : memref<!tpu.dma_semaphore, #tpu.memory_space<semaphore_mem>>)
          %dma_wait3A_49 = arith.constant 0 : i32
          %dma_wait3A_50 = tpu.memref_slice %arg10[%mul3A_16, %dma_wait3A_49] : memref<800000x16xf32, #tpu.memory_space<hbm>> -> memref<400x16xf32, #tpu.memory_space<hbm>>
          %dma_wait3A_51 = arith.constant 0 : i32
          %dma_wait3A_52 = tpu.memref_slice %arg10[%mul3A_16, %dma_wait3A_51] : memref<800000x16xf32, #tpu.memory_space<hbm>> -> memref<400x16xf32, #tpu.memory_space<hbm>>
          tpu.wait_dma2 semaphore(%run_scoped3A : memref<!tpu.dma_semaphore, #tpu.memory_space<semaphore_mem>>) src(%arg17 : memref<400x16xf32, #tpu.memory_space<vmem>>) dst(%dma_wait3A_52 : memref<400x16xf32, #tpu.memory_space<hbm>>)
          tpu.yield
        }) : () -> ()
        "tpu.region"() ({
          %run_scoped3A = tpu.sem_alloc : memref<!tpu.dma_semaphore, #tpu.memory_space<semaphore_mem>>
          %dma_start3A_45 = arith.constant 0 : i32
          %dma_start3A_46 = tpu.memref_slice %arg11[%mul3A_16, %dma_start3A_45] : memref<800000x16xf32, #tpu.memory_space<hbm>> -> memref<400x16xf32, #tpu.memory_space<hbm>>
          %dma_start3A_47 = arith.constant 0 : i32
          %dma_start3A_48 = tpu.memref_slice %arg11[%mul3A_16, %dma_start3A_47] : memref<800000x16xf32, #tpu.memory_space<hbm>> -> memref<400x16xf32, #tpu.memory_space<hbm>>
          tpu.enqueue_dma source(%arg18 : memref<400x16xf32, #tpu.memory_space<vmem>>) target(%dma_start3A_48 : memref<400x16xf32, #tpu.memory_space<hbm>>) target_semaphore(%run_scoped3A : memref<!tpu.dma_semaphore, #tpu.memory_space<semaphore_mem>>)
          %dma_wait3A_49 = arith.constant 0 : i32
          %dma_wait3A_50 = tpu.memref_slice %arg11[%mul3A_16, %dma_wait3A_49] : memref<800000x16xf32, #tpu.memory_space<hbm>> -> memref<400x16xf32, #tpu.memory_space<hbm>>
          %dma_wait3A_51 = arith.constant 0 : i32
          %dma_wait3A_52 = tpu.memref_slice %arg11[%mul3A_16, %dma_wait3A_51] : memref<800000x16xf32, #tpu.memory_space<hbm>> -> memref<400x16xf32, #tpu.memory_space<hbm>>
          tpu.wait_dma2 semaphore(%run_scoped3A : memref<!tpu.dma_semaphore, #tpu.memory_space<semaphore_mem>>) src(%arg18 : memref<400x16xf32, #tpu.memory_space<vmem>>) dst(%dma_wait3A_52 : memref<400x16xf32, #tpu.memory_space<hbm>>)
          tpu.yield
        }) : () -> ()
        "tpu.region"() ({
          %run_scoped3A = tpu.sem_alloc : memref<!tpu.dma_semaphore, #tpu.memory_space<semaphore_mem>>
          %dma_start3A_45 = arith.constant 0 : i32
          %dma_start3A_46 = tpu.memref_slice %arg12[%mul3A_16, %dma_start3A_45] : memref<800000x16xf32, #tpu.memory_space<hbm>> -> memref<400x16xf32, #tpu.memory_space<hbm>>
          %dma_start3A_47 = arith.constant 0 : i32
          %dma_start3A_48 = tpu.memref_slice %arg12[%mul3A_16, %dma_start3A_47] : memref<800000x16xf32, #tpu.memory_space<hbm>> -> memref<400x16xf32, #tpu.memory_space<hbm>>
          tpu.enqueue_dma source(%arg19 : memref<400x16xf32, #tpu.memory_space<vmem>>) target(%dma_start3A_48 : memref<400x16xf32, #tpu.memory_space<hbm>>) target_semaphore(%run_scoped3A : memref<!tpu.dma_semaphore, #tpu.memory_space<semaphore_mem>>)
          %dma_wait3A_49 = arith.constant 0 : i32
          %dma_wait3A_50 = tpu.memref_slice %arg12[%mul3A_16, %dma_wait3A_49] : memref<800000x16xf32, #tpu.memory_space<hbm>> -> memref<400x16xf32, #tpu.memory_space<hbm>>
          %dma_wait3A_51 = arith.constant 0 : i32
          %dma_wait3A_52 = tpu.memref_slice %arg12[%mul3A_16, %dma_wait3A_51] : memref<800000x16xf32, #tpu.memory_space<hbm>> -> memref<400x16xf32, #tpu.memory_space<hbm>>
          tpu.wait_dma2 semaphore(%run_scoped3A : memref<!tpu.dma_semaphore, #tpu.memory_space<semaphore_mem>>) src(%arg19 : memref<400x16xf32, #tpu.memory_space<vmem>>) dst(%dma_wait3A_52 : memref<400x16xf32, #tpu.memory_space<hbm>>)
          tpu.yield
        }) : () -> ()
      } else {
      }
    }
    %scan3A_4 = arith.constant 63 : i32
    return
  }
}

#map = affine_map<(d0, d1) -> (0)>
#map1 = affine_map<(d0, d1) -> (0, 0)>
module attributes {stable_mosaic.version = 14 : i64} {
  func.func @body(%arg0: i32, %arg1: i32, %arg2: memref<800000xi32, #tpu.memory_space<hbm>>, %arg3: memref<800000x16xf32, #tpu.memory_space<hbm>>, %arg4: memref<800000x16xf32, #tpu.memory_space<hbm>>, %arg5: memref<800000x16xf32, #tpu.memory_space<hbm>>, %arg6: memref<800000x16xf32, #tpu.memory_space<hbm>>, %arg7: memref<50000x16xf32, #tpu.memory_space<hbm>>, %arg8: memref<50000x16xf32, #tpu.memory_space<hbm>>, %arg9: memref<50000x16xf32, #tpu.memory_space<hbm>>, %arg10: memref<50000x16xf32, #tpu.memory_space<hbm>>, %arg11: memref<50000x16xf32, #tpu.memory_space<vmem_shared>>, %arg12: memref<50000x16xf32, #tpu.memory_space<vmem_shared>>, %arg13: memref<625x16xf32, #tpu.memory_space<vmem>>, %arg14: memref<400xi32, #tpu.memory_space<vmem>>, %arg15: memref<400x16xf32, #tpu.memory_space<vmem>>, %arg16: memref<400x16xf32, #tpu.memory_space<vmem>>) attributes {dimension_semantics = [#tpu.dimension_semantics<core_parallel>, #tpu.dimension_semantics<subcore_parallel>], iteration_bounds = array<i64: 2, 16>, scalar_prefetch = 0 : i64, scratch_operands = 6 : i64, tpu.core_type = #tpu.core_type<sc_vector_subcore>, window_params = [{transform_indices = #map}, {transform_indices = #map1}, {transform_indices = #map1}, {transform_indices = #map1}, {transform_indices = #map1}, {transform_indices = #map1}, {transform_indices = #map1}, {transform_indices = #map1}, {transform_indices = #map1}]} {
    %scan3A = arith.constant 0 : i32
    %scan3A_0 = arith.constant 625 : i32
    %scan3A_1 = arith.addi %scan3A, %scan3A_0 : i32
    %scan3A_2 = arith.constant 1 : i32
    scf.for %scan3A_23 = %scan3A to %scan3A_1 step %scan3A_2  : i32 {
      %mul3A_24 = arith.constant 1 : i32
      %mul3A_25 = arith.muli %scan3A_23, %mul3A_24 : i32
      %add3A = arith.constant 0 : i32
      %add3A_26 = arith.addi %add3A, %mul3A_25 : i32
      %broadcast_in_dim3A = arith.constant 0.000000e+00 : f32
      %broadcast_in_dim3A_27 = vector.broadcast %broadcast_in_dim3A : f32 to vector<16xf32>
      %swap3A = arith.index_cast %add3A_26 : i32 to index
      %swap3A_28 = arith.constant 0 : index
      %swap3A_29 = tpu.vector_load %arg13[%swap3A, %swap3A_28] {strides = array<i32>} : memref<625x16xf32, #tpu.memory_space<vmem>>, vector<1x16xf32>,
      %swap3A_30 = vector.shape_cast %swap3A_29 : vector<1x16xf32> to vector<16xf32>
      %swap3A_31 = vector.shape_cast %broadcast_in_dim3A_27 : vector<16xf32> to vector<1x16xf32>
      tpu.vector_store %arg13[%swap3A, %swap3A_28], %swap3A_31 {strides = array<i32>} : memref<625x16xf32, #tpu.memory_space<vmem>>, vector<1x16xf32>,
    }
    %scan3A_3 = arith.constant 625 : i32
    %scan3A_4 = arith.constant 0 : i32
    %scan3A_5 = arith.constant 5 : i32
    %scan3A_6 = arith.addi %scan3A_4, %scan3A_5 : i32
    %scan3A_7 = arith.constant 1 : i32
    scf.for %scan3A_23 = %scan3A_4 to %scan3A_6 step %scan3A_7  : i32 {
      %mul3A_24 = arith.constant 1 : i32
      %mul3A_25 = arith.muli %scan3A_23, %mul3A_24 : i32
      %add3A = arith.constant 0 : i32
      %add3A_26 = arith.addi %add3A, %mul3A_25 : i32
      %mul3A_27 = arith.constant 3125 : i32
      %mul3A_28 = arith.muli %arg1, %mul3A_27 : i32
      %mul3A_29 = arith.constant 625 : i32
      %mul3A_30 = arith.muli %add3A_26, %mul3A_29 : i32
      %add3A_31 = arith.addi %mul3A_28, %mul3A_30 : i32
      "tpu.region"() ({
        %run_scoped3A = tpu.sem_alloc : memref<!tpu.dma_semaphore, #tpu.memory_space<semaphore_mem>>
        %dma_start3A = arith.constant 0 : i32
        %dma_start3A_32 = tpu.memref_slice %arg11[%add3A_31, %dma_start3A] : memref<50000x16xf32, #tpu.memory_space<vmem_shared>> -> memref<625x16xf32, #tpu.memory_space<vmem_shared>>
        %dma_start3A_33 = arith.constant 0 : i32
        %dma_start3A_34 = tpu.memref_slice %arg11[%add3A_31, %dma_start3A_33] : memref<50000x16xf32, #tpu.memory_space<vmem_shared>> -> memref<625x16xf32, #tpu.memory_space<vmem_shared>>
        tpu.enqueue_dma source(%arg13 : memref<625x16xf32, #tpu.memory_space<vmem>>) target(%dma_start3A_34 : memref<625x16xf32, #tpu.memory_space<vmem_shared>>) target_semaphore(%run_scoped3A : memref<!tpu.dma_semaphore, #tpu.memory_space<semaphore_mem>>)
        %dma_wait3A = arith.constant 0 : i32
        %dma_wait3A_35 = tpu.memref_slice %arg11[%add3A_31, %dma_wait3A] : memref<50000x16xf32, #tpu.memory_space<vmem_shared>> -> memref<625x16xf32, #tpu.memory_space<vmem_shared>>
        %dma_wait3A_36 = arith.constant 0 : i32
        %dma_wait3A_37 = tpu.memref_slice %arg11[%add3A_31, %dma_wait3A_36] : memref<50000x16xf32, #tpu.memory_space<vmem_shared>> -> memref<625x16xf32, #tpu.memory_space<vmem_shared>>
        tpu.wait_dma2 semaphore(%run_scoped3A : memref<!tpu.dma_semaphore, #tpu.memory_space<semaphore_mem>>) src(%arg13 : memref<625x16xf32, #tpu.memory_space<vmem>>) dst(%dma_wait3A_37 : memref<625x16xf32, #tpu.memory_space<vmem_shared>>)
        tpu.yield
      }) : () -> ()
      "tpu.region"() ({
        %run_scoped3A = tpu.sem_alloc : memref<!tpu.dma_semaphore, #tpu.memory_space<semaphore_mem>>
        %dma_start3A = arith.constant 0 : i32
        %dma_start3A_32 = tpu.memref_slice %arg12[%add3A_31, %dma_start3A] : memref<50000x16xf32, #tpu.memory_space<vmem_shared>> -> memref<625x16xf32, #tpu.memory_space<vmem_shared>>
        %dma_start3A_33 = arith.constant 0 : i32
        %dma_start3A_34 = tpu.memref_slice %arg12[%add3A_31, %dma_start3A_33] : memref<50000x16xf32, #tpu.memory_space<vmem_shared>> -> memref<625x16xf32, #tpu.memory_space<vmem_shared>>
        tpu.enqueue_dma source(%arg13 : memref<625x16xf32, #tpu.memory_space<vmem>>) target(%dma_start3A_34 : memref<625x16xf32, #tpu.memory_space<vmem_shared>>) target_semaphore(%run_scoped3A : memref<!tpu.dma_semaphore, #tpu.memory_space<semaphore_mem>>)
        %dma_wait3A = arith.constant 0 : i32
        %dma_wait3A_35 = tpu.memref_slice %arg12[%add3A_31, %dma_wait3A] : memref<50000x16xf32, #tpu.memory_space<vmem_shared>> -> memref<625x16xf32, #tpu.memory_space<vmem_shared>>
        %dma_wait3A_36 = arith.constant 0 : i32
        %dma_wait3A_37 = tpu.memref_slice %arg12[%add3A_31, %dma_wait3A_36] : memref<50000x16xf32, #tpu.memory_space<vmem_shared>> -> memref<625x16xf32, #tpu.memory_space<vmem_shared>>
        tpu.wait_dma2 semaphore(%run_scoped3A : memref<!tpu.dma_semaphore, #tpu.memory_space<semaphore_mem>>) src(%arg13 : memref<625x16xf32, #tpu.memory_space<vmem>>) dst(%dma_wait3A_37 : memref<625x16xf32, #tpu.memory_space<vmem_shared>>)
        tpu.yield
      }) : () -> ()
    }
    %scan3A_8 = arith.constant 5 : i32
    %barrier3A = arith.constant 0 : index
    tpu.barrier barrier_id(%barrier3A)
    %scan3A_9 = arith.constant 0 : i32
    %scan3A_10 = arith.constant 125 : i32
    %scan3A_11 = arith.addi %scan3A_9, %scan3A_10 : i32
    %scan3A_12 = arith.constant 1 : i32
    scf.for %scan3A_23 = %scan3A_9 to %scan3A_11 step %scan3A_12  : i32 {
      %mul3A_24 = arith.constant 1 : i32
      %mul3A_25 = arith.muli %scan3A_23, %mul3A_24 : i32
      %add3A = arith.constant 0 : i32
      %add3A_26 = arith.addi %add3A, %mul3A_25 : i32
      %mul3A_27 = arith.constant 16 : i32
      %mul3A_28 = arith.muli %add3A_26, %mul3A_27 : i32
      %add3A_29 = arith.addi %mul3A_28, %arg1 : i32
      %lt3A = arith.constant 2000 : i32
      %lt3A_30 = arith.cmpi slt, %add3A_29, %lt3A : i32
      %convert_element_type3A_31 = arith.extui %lt3A_30 : i1 to i32
      %cond3A_32 = arith.constant 0 : i32
      %cond3A_33 = arith.cmpi ne, %convert_element_type3A_31, %cond3A_32 : i32
      scf.if %cond3A_33 {
        %mul3A_34 = arith.constant 400 : i32
        %mul3A_35 = arith.muli %add3A_29, %mul3A_34 : i32
        "tpu.region"() ({
          %run_scoped3A = tpu.sem_alloc : memref<!tpu.dma_semaphore, #tpu.memory_space<semaphore_mem>>
          %dma_start3A = tpu.memref_slice %arg2[%mul3A_35] : memref<800000xi32, #tpu.memory_space<hbm>> -> memref<400xi32, #tpu.memory_space<hbm>>
          %dma_start3A_46 = tpu.memref_slice %arg2[%mul3A_35] : memref<800000xi32, #tpu.memory_space<hbm>> -> memref<400xi32, #tpu.memory_space<hbm>>
          tpu.enqueue_dma source(%dma_start3A_46 : memref<400xi32, #tpu.memory_space<hbm>>) target(%arg14 : memref<400xi32, #tpu.memory_space<vmem>>) target_semaphore(%run_scoped3A : memref<!tpu.dma_semaphore, #tpu.memory_space<semaphore_mem>>)
          %dma_wait3A = tpu.memref_slice %arg2[%mul3A_35] : memref<800000xi32, #tpu.memory_space<hbm>> -> memref<400xi32, #tpu.memory_space<hbm>>
          %dma_wait3A_47 = tpu.memref_slice %arg2[%mul3A_35] : memref<800000xi32, #tpu.memory_space<hbm>> -> memref<400xi32, #tpu.memory_space<hbm>>
          tpu.wait_dma2 semaphore(%run_scoped3A : memref<!tpu.dma_semaphore, #tpu.memory_space<semaphore_mem>>) src(%dma_wait3A_47 : memref<400xi32, #tpu.memory_space<hbm>>) dst(%arg14 : memref<400xi32, #tpu.memory_space<vmem>>)
          tpu.yield
        }) : () -> ()
        %eq3A_36 = arith.constant 0 : i32
        %eq3A_37 = arith.cmpi eq, %arg0, %eq3A_36 : i32
        %convert_element_type3A_38 = arith.extui %eq3A_37 : i1 to i32
        %cond3A_39 = arith.constant 0 : i32
        %cond3A_40 = arith.cmpi ne, %convert_element_type3A_38, %cond3A_39 : i32
        scf.if %cond3A_40 {
          "tpu.region"() ({
            %run_scoped3A = tpu.sem_alloc : memref<!tpu.dma_semaphore, #tpu.memory_space<semaphore_mem>>
            %dma_start3A = arith.constant 0 : i32
            %dma_start3A_46 = tpu.memref_slice %arg3[%mul3A_35, %dma_start3A] : memref<800000x16xf32, #tpu.memory_space<hbm>> -> memref<400x16xf32, #tpu.memory_space<hbm>>
            %dma_start3A_47 = arith.constant 0 : i32
            %dma_start3A_48 = tpu.memref_slice %arg3[%mul3A_35, %dma_start3A_47] : memref<800000x16xf32, #tpu.memory_space<hbm>> -> memref<400x16xf32, #tpu.memory_space<hbm>>
            tpu.enqueue_dma source(%dma_start3A_48 : memref<400x16xf32, #tpu.memory_space<hbm>>) target(%arg15 : memref<400x16xf32, #tpu.memory_space<vmem>>) target_semaphore(%run_scoped3A : memref<!tpu.dma_semaphore, #tpu.memory_space<semaphore_mem>>)
            %dma_wait3A = arith.constant 0 : i32
            %dma_wait3A_49 = tpu.memref_slice %arg3[%mul3A_35, %dma_wait3A] : memref<800000x16xf32, #tpu.memory_space<hbm>> -> memref<400x16xf32, #tpu.memory_space<hbm>>
            %dma_wait3A_50 = arith.constant 0 : i32
            %dma_wait3A_51 = tpu.memref_slice %arg3[%mul3A_35, %dma_wait3A_50] : memref<800000x16xf32, #tpu.memory_space<hbm>> -> memref<400x16xf32, #tpu.memory_space<hbm>>
            tpu.wait_dma2 semaphore(%run_scoped3A : memref<!tpu.dma_semaphore, #tpu.memory_space<semaphore_mem>>) src(%dma_wait3A_51 : memref<400x16xf32, #tpu.memory_space<hbm>>) dst(%arg15 : memref<400x16xf32, #tpu.memory_space<vmem>>)
            tpu.yield
          }) : () -> ()
          "tpu.region"() ({
            %run_scoped3A = tpu.sem_alloc : memref<!tpu.dma_semaphore, #tpu.memory_space<semaphore_mem>>
            %dma_start3A = arith.constant 0 : i32
            %dma_start3A_46 = tpu.memref_slice %arg4[%mul3A_35, %dma_start3A] : memref<800000x16xf32, #tpu.memory_space<hbm>> -> memref<400x16xf32, #tpu.memory_space<hbm>>
            %dma_start3A_47 = arith.constant 0 : i32
            %dma_start3A_48 = tpu.memref_slice %arg4[%mul3A_35, %dma_start3A_47] : memref<800000x16xf32, #tpu.memory_space<hbm>> -> memref<400x16xf32, #tpu.memory_space<hbm>>
            tpu.enqueue_dma source(%dma_start3A_48 : memref<400x16xf32, #tpu.memory_space<hbm>>) target(%arg16 : memref<400x16xf32, #tpu.memory_space<vmem>>) target_semaphore(%run_scoped3A : memref<!tpu.dma_semaphore, #tpu.memory_space<semaphore_mem>>)
            %dma_wait3A = arith.constant 0 : i32
            %dma_wait3A_49 = tpu.memref_slice %arg4[%mul3A_35, %dma_wait3A] : memref<800000x16xf32, #tpu.memory_space<hbm>> -> memref<400x16xf32, #tpu.memory_space<hbm>>
            %dma_wait3A_50 = arith.constant 0 : i32
            %dma_wait3A_51 = tpu.memref_slice %arg4[%mul3A_35, %dma_wait3A_50] : memref<800000x16xf32, #tpu.memory_space<hbm>> -> memref<400x16xf32, #tpu.memory_space<hbm>>
            tpu.wait_dma2 semaphore(%run_scoped3A : memref<!tpu.dma_semaphore, #tpu.memory_space<semaphore_mem>>) src(%dma_wait3A_51 : memref<400x16xf32, #tpu.memory_space<hbm>>) dst(%arg16 : memref<400x16xf32, #tpu.memory_space<vmem>>)
            tpu.yield
          }) : () -> ()
        } else {
        }
        %eq3A_41 = arith.constant 1 : i32
        %eq3A_42 = arith.cmpi eq, %arg0, %eq3A_41 : i32
        %convert_element_type3A_43 = arith.extui %eq3A_42 : i1 to i32
        %cond3A_44 = arith.constant 0 : i32
        %cond3A_45 = arith.cmpi ne, %convert_element_type3A_43, %cond3A_44 : i32
        scf.if %cond3A_45 {
          "tpu.region"() ({
            %run_scoped3A = tpu.sem_alloc : memref<!tpu.dma_semaphore, #tpu.memory_space<semaphore_mem>>
            %dma_start3A = arith.constant 0 : i32
            %dma_start3A_46 = tpu.memref_slice %arg5[%mul3A_35, %dma_start3A] : memref<800000x16xf32, #tpu.memory_space<hbm>> -> memref<400x16xf32, #tpu.memory_space<hbm>>
            %dma_start3A_47 = arith.constant 0 : i32
            %dma_start3A_48 = tpu.memref_slice %arg5[%mul3A_35, %dma_start3A_47] : memref<800000x16xf32, #tpu.memory_space<hbm>> -> memref<400x16xf32, #tpu.memory_space<hbm>>
            tpu.enqueue_dma source(%dma_start3A_48 : memref<400x16xf32, #tpu.memory_space<hbm>>) target(%arg15 : memref<400x16xf32, #tpu.memory_space<vmem>>) target_semaphore(%run_scoped3A : memref<!tpu.dma_semaphore, #tpu.memory_space<semaphore_mem>>)
            %dma_wait3A = arith.constant 0 : i32
            %dma_wait3A_49 = tpu.memref_slice %arg5[%mul3A_35, %dma_wait3A] : memref<800000x16xf32, #tpu.memory_space<hbm>> -> memref<400x16xf32, #tpu.memory_space<hbm>>
            %dma_wait3A_50 = arith.constant 0 : i32
            %dma_wait3A_51 = tpu.memref_slice %arg5[%mul3A_35, %dma_wait3A_50] : memref<800000x16xf32, #tpu.memory_space<hbm>> -> memref<400x16xf32, #tpu.memory_space<hbm>>
            tpu.wait_dma2 semaphore(%run_scoped3A : memref<!tpu.dma_semaphore, #tpu.memory_space<semaphore_mem>>) src(%dma_wait3A_51 : memref<400x16xf32, #tpu.memory_space<hbm>>) dst(%arg15 : memref<400x16xf32, #tpu.memory_space<vmem>>)
            tpu.yield
          }) : () -> ()
          "tpu.region"() ({
            %run_scoped3A = tpu.sem_alloc : memref<!tpu.dma_semaphore, #tpu.memory_space<semaphore_mem>>
            %dma_start3A = arith.constant 0 : i32
            %dma_start3A_46 = tpu.memref_slice %arg6[%mul3A_35, %dma_start3A] : memref<800000x16xf32, #tpu.memory_space<hbm>> -> memref<400x16xf32, #tpu.memory_space<hbm>>
            %dma_start3A_47 = arith.constant 0 : i32
            %dma_start3A_48 = tpu.memref_slice %arg6[%mul3A_35, %dma_start3A_47] : memref<800000x16xf32, #tpu.memory_space<hbm>> -> memref<400x16xf32, #tpu.memory_space<hbm>>
            tpu.enqueue_dma source(%dma_start3A_48 : memref<400x16xf32, #tpu.memory_space<hbm>>) target(%arg16 : memref<400x16xf32, #tpu.memory_space<vmem>>) target_semaphore(%run_scoped3A : memref<!tpu.dma_semaphore, #tpu.memory_space<semaphore_mem>>)
            %dma_wait3A = arith.constant 0 : i32
            %dma_wait3A_49 = tpu.memref_slice %arg6[%mul3A_35, %dma_wait3A] : memref<800000x16xf32, #tpu.memory_space<hbm>> -> memref<400x16xf32, #tpu.memory_space<hbm>>
            %dma_wait3A_50 = arith.constant 0 : i32
            %dma_wait3A_51 = tpu.memref_slice %arg6[%mul3A_35, %dma_wait3A_50] : memref<800000x16xf32, #tpu.memory_space<hbm>> -> memref<400x16xf32, #tpu.memory_space<hbm>>
            tpu.wait_dma2 semaphore(%run_scoped3A : memref<!tpu.dma_semaphore, #tpu.memory_space<semaphore_mem>>) src(%dma_wait3A_51 : memref<400x16xf32, #tpu.memory_space<hbm>>) dst(%arg16 : memref<400x16xf32, #tpu.memory_space<vmem>>)
            tpu.yield
          }) : () -> ()
        } else {
        }
        "tpu.region"() ({
          %run_scoped3A = tpu.sem_alloc : memref<!tpu.dma_semaphore, #tpu.memory_space<semaphore_mem>>
          %dma_start3A = arith.constant 0 : i32
          %dma_start3A_46 = arith.constant 0 : i32
          %dma_start3A_47 = tpu.memref_slice %arg11[%dma_start3A, %dma_start3A_46] : memref<50000x16xf32, #tpu.memory_space<vmem_shared>> -> memref<50000x16xf32, #tpu.memory_space<vmem_shared>>
          tpu.enqueue_indirect_dma source(%arg15 : memref<400x16xf32, #tpu.memory_space<vmem>>) target(%dma_start3A_47 : memref<50000x16xf32, #tpu.memory_space<vmem_shared>>) offsets(%arg14 : memref<400xi32, #tpu.memory_space<vmem>>) semaphore(%run_scoped3A : memref<!tpu.dma_semaphore, #tpu.memory_space<semaphore_mem>>) {add = true}
          %dma_wait3A = arith.constant 0 : i32
          %dma_wait3A_48 = arith.constant 0 : i32
          %dma_wait3A_49 = tpu.memref_slice %arg11[%dma_wait3A, %dma_wait3A_48] : memref<50000x16xf32, #tpu.memory_space<vmem_shared>> -> memref<50000x16xf32, #tpu.memory_space<vmem_shared>>
          tpu.wait_indirect_dma semaphore(%run_scoped3A : memref<!tpu.dma_semaphore, #tpu.memory_space<semaphore_mem>>) src(%arg15 : memref<400x16xf32, #tpu.memory_space<vmem>>) dst(%dma_wait3A_49 : memref<50000x16xf32, #tpu.memory_space<vmem_shared>>)
          tpu.yield
        }) : () -> ()
        "tpu.region"() ({
          %run_scoped3A = tpu.sem_alloc : memref<!tpu.dma_semaphore, #tpu.memory_space<semaphore_mem>>
          %dma_start3A = arith.constant 0 : i32
          %dma_start3A_46 = arith.constant 0 : i32
          %dma_start3A_47 = tpu.memref_slice %arg12[%dma_start3A, %dma_start3A_46] : memref<50000x16xf32, #tpu.memory_space<vmem_shared>> -> memref<50000x16xf32, #tpu.memory_space<vmem_shared>>
          tpu.enqueue_indirect_dma source(%arg16 : memref<400x16xf32, #tpu.memory_space<vmem>>) target(%dma_start3A_47 : memref<50000x16xf32, #tpu.memory_space<vmem_shared>>) offsets(%arg14 : memref<400xi32, #tpu.memory_space<vmem>>) semaphore(%run_scoped3A : memref<!tpu.dma_semaphore, #tpu.memory_space<semaphore_mem>>) {add = true}
          %dma_wait3A = arith.constant 0 : i32
          %dma_wait3A_48 = arith.constant 0 : i32
          %dma_wait3A_49 = tpu.memref_slice %arg12[%dma_wait3A, %dma_wait3A_48] : memref<50000x16xf32, #tpu.memory_space<vmem_shared>> -> memref<50000x16xf32, #tpu.memory_space<vmem_shared>>
          tpu.wait_indirect_dma semaphore(%run_scoped3A : memref<!tpu.dma_semaphore, #tpu.memory_space<semaphore_mem>>) src(%arg16 : memref<400x16xf32, #tpu.memory_space<vmem>>) dst(%dma_wait3A_49 : memref<50000x16xf32, #tpu.memory_space<vmem_shared>>)
          tpu.yield
        }) : () -> ()
      } else {
      }
    }
    %scan3A_13 = arith.constant 125 : i32
    %barrier3A_14 = arith.constant 0 : index
    tpu.barrier barrier_id(%barrier3A_14)
    %mul3A = arith.constant 3125 : i32
    %mul3A_15 = arith.muli %arg1, %mul3A : i32
    %eq3A = arith.constant 0 : i32
    %eq3A_16 = arith.cmpi eq, %arg0, %eq3A : i32
    %convert_element_type3A = arith.extui %eq3A_16 : i1 to i32
    %cond3A = arith.constant 0 : i32
    %cond3A_17 = arith.cmpi ne, %convert_element_type3A, %cond3A : i32
    scf.if %cond3A_17 {
      "tpu.region"() ({
        %run_scoped3A = tpu.sem_alloc : memref<!tpu.dma_semaphore, #tpu.memory_space<semaphore_mem>>
        %dma_start3A = arith.constant 0 : i32
        %dma_start3A_23 = tpu.memref_slice %arg7[%mul3A_15, %dma_start3A] : memref<50000x16xf32, #tpu.memory_space<hbm>> -> memref<3125x16xf32, #tpu.memory_space<hbm>>
        %dma_start3A_24 = arith.constant 0 : i32
        %dma_start3A_25 = tpu.memref_slice %arg11[%mul3A_15, %dma_start3A_24] : memref<50000x16xf32, #tpu.memory_space<vmem_shared>> -> memref<3125x16xf32, #tpu.memory_space<vmem_shared>>
        tpu.enqueue_dma source(%dma_start3A_25 : memref<3125x16xf32, #tpu.memory_space<vmem_shared>>) target(%dma_start3A_23 : memref<3125x16xf32, #tpu.memory_space<hbm>>) target_semaphore(%run_scoped3A : memref<!tpu.dma_semaphore, #tpu.memory_space<semaphore_mem>>)
        %dma_wait3A = arith.constant 0 : i32
        %dma_wait3A_26 = tpu.memref_slice %arg7[%mul3A_15, %dma_wait3A] : memref<50000x16xf32, #tpu.memory_space<hbm>> -> memref<3125x16xf32, #tpu.memory_space<hbm>>
        %dma_wait3A_27 = arith.constant 0 : i32
        %dma_wait3A_28 = tpu.memref_slice %arg11[%mul3A_15, %dma_wait3A_27] : memref<50000x16xf32, #tpu.memory_space<vmem_shared>> -> memref<3125x16xf32, #tpu.memory_space<vmem_shared>>
        tpu.wait_dma2 semaphore(%run_scoped3A : memref<!tpu.dma_semaphore, #tpu.memory_space<semaphore_mem>>) src(%dma_wait3A_28 : memref<3125x16xf32, #tpu.memory_space<vmem_shared>>) dst(%dma_wait3A_26 : memref<3125x16xf32, #tpu.memory_space<hbm>>)
        tpu.yield
      }) : () -> ()
      "tpu.region"() ({
        %run_scoped3A = tpu.sem_alloc : memref<!tpu.dma_semaphore, #tpu.memory_space<semaphore_mem>>
        %dma_start3A = arith.constant 0 : i32
        %dma_start3A_23 = tpu.memref_slice %arg8[%mul3A_15, %dma_start3A] : memref<50000x16xf32, #tpu.memory_space<hbm>> -> memref<3125x16xf32, #tpu.memory_space<hbm>>
        %dma_start3A_24 = arith.constant 0 : i32
        %dma_start3A_25 = tpu.memref_slice %arg12[%mul3A_15, %dma_start3A_24] : memref<50000x16xf32, #tpu.memory_space<vmem_shared>> -> memref<3125x16xf32, #tpu.memory_space<vmem_shared>>
        tpu.enqueue_dma source(%dma_start3A_25 : memref<3125x16xf32, #tpu.memory_space<vmem_shared>>) target(%dma_start3A_23 : memref<3125x16xf32, #tpu.memory_space<hbm>>) target_semaphore(%run_scoped3A : memref<!tpu.dma_semaphore, #tpu.memory_space<semaphore_mem>>)
        %dma_wait3A = arith.constant 0 : i32
        %dma_wait3A_26 = tpu.memref_slice %arg8[%mul3A_15, %dma_wait3A] : memref<50000x16xf32, #tpu.memory_space<hbm>> -> memref<3125x16xf32, #tpu.memory_space<hbm>>
        %dma_wait3A_27 = arith.constant 0 : i32
        %dma_wait3A_28 = tpu.memref_slice %arg12[%mul3A_15, %dma_wait3A_27] : memref<50000x16xf32, #tpu.memory_space<vmem_shared>> -> memref<3125x16xf32, #tpu.memory_space<vmem_shared>>
        tpu.wait_dma2 semaphore(%run_scoped3A : memref<!tpu.dma_semaphore, #tpu.memory_space<semaphore_mem>>) src(%dma_wait3A_28 : memref<3125x16xf32, #tpu.memory_space<vmem_shared>>) dst(%dma_wait3A_26 : memref<3125x16xf32, #tpu.memory_space<hbm>>)
        tpu.yield
      }) : () -> ()
    } else {
    }
    %eq3A_18 = arith.constant 1 : i32
    %eq3A_19 = arith.cmpi eq, %arg0, %eq3A_18 : i32
    %convert_element_type3A_20 = arith.extui %eq3A_19 : i1 to i32
    %cond3A_21 = arith.constant 0 : i32
    %cond3A_22 = arith.cmpi ne, %convert_element_type3A_20, %cond3A_21 : i32
    scf.if %cond3A_22 {
      "tpu.region"() ({
        %run_scoped3A = tpu.sem_alloc : memref<!tpu.dma_semaphore, #tpu.memory_space<semaphore_mem>>
        %dma_start3A = arith.constant 0 : i32
        %dma_start3A_23 = tpu.memref_slice %arg9[%mul3A_15, %dma_start3A] : memref<50000x16xf32, #tpu.memory_space<hbm>> -> memref<3125x16xf32, #tpu.memory_space<hbm>>
        %dma_start3A_24 = arith.constant 0 : i32
        %dma_start3A_25 = tpu.memref_slice %arg11[%mul3A_15, %dma_start3A_24] : memref<50000x16xf32, #tpu.memory_space<vmem_shared>> -> memref<3125x16xf32, #tpu.memory_space<vmem_shared>>
        tpu.enqueue_dma source(%dma_start3A_25 : memref<3125x16xf32, #tpu.memory_space<vmem_shared>>) target(%dma_start3A_23 : memref<3125x16xf32, #tpu.memory_space<hbm>>) target_semaphore(%run_scoped3A : memref<!tpu.dma_semaphore, #tpu.memory_space<semaphore_mem>>)
        %dma_wait3A = arith.constant 0 : i32
        %dma_wait3A_26 = tpu.memref_slice %arg9[%mul3A_15, %dma_wait3A] : memref<50000x16xf32, #tpu.memory_space<hbm>> -> memref<3125x16xf32, #tpu.memory_space<hbm>>
        %dma_wait3A_27 = arith.constant 0 : i32
        %dma_wait3A_28 = tpu.memref_slice %arg11[%mul3A_15, %dma_wait3A_27] : memref<50000x16xf32, #tpu.memory_space<vmem_shared>> -> memref<3125x16xf32, #tpu.memory_space<vmem_shared>>
        tpu.wait_dma2 semaphore(%run_scoped3A : memref<!tpu.dma_semaphore, #tpu.memory_space<semaphore_mem>>) src(%dma_wait3A_28 : memref<3125x16xf32, #tpu.memory_space<vmem_shared>>) dst(%dma_wait3A_26 : memref<3125x16xf32, #tpu.memory_space<hbm>>)
        tpu.yield
      }) : () -> ()
      "tpu.region"() ({
        %run_scoped3A = tpu.sem_alloc : memref<!tpu.dma_semaphore, #tpu.memory_space<semaphore_mem>>
        %dma_start3A = arith.constant 0 : i32
        %dma_start3A_23 = tpu.memref_slice %arg10[%mul3A_15, %dma_start3A] : memref<50000x16xf32, #tpu.memory_space<hbm>> -> memref<3125x16xf32, #tpu.memory_space<hbm>>
        %dma_start3A_24 = arith.constant 0 : i32
        %dma_start3A_25 = tpu.memref_slice %arg12[%mul3A_15, %dma_start3A_24] : memref<50000x16xf32, #tpu.memory_space<vmem_shared>> -> memref<3125x16xf32, #tpu.memory_space<vmem_shared>>
        tpu.enqueue_dma source(%dma_start3A_25 : memref<3125x16xf32, #tpu.memory_space<vmem_shared>>) target(%dma_start3A_23 : memref<3125x16xf32, #tpu.memory_space<hbm>>) target_semaphore(%run_scoped3A : memref<!tpu.dma_semaphore, #tpu.memory_space<semaphore_mem>>)
        %dma_wait3A = arith.constant 0 : i32
        %dma_wait3A_26 = tpu.memref_slice %arg10[%mul3A_15, %dma_wait3A] : memref<50000x16xf32, #tpu.memory_space<hbm>> -> memref<3125x16xf32, #tpu.memory_space<hbm>>
        %dma_wait3A_27 = arith.constant 0 : i32
        %dma_wait3A_28 = tpu.memref_slice %arg12[%mul3A_15, %dma_wait3A_27] : memref<50000x16xf32, #tpu.memory_space<vmem_shared>> -> memref<3125x16xf32, #tpu.memory_space<vmem_shared>>
        tpu.wait_dma2 semaphore(%run_scoped3A : memref<!tpu.dma_semaphore, #tpu.memory_space<semaphore_mem>>) src(%dma_wait3A_28 : memref<3125x16xf32, #tpu.memory_space<vmem_shared>>) dst(%dma_wait3A_26 : memref<3125x16xf32, #tpu.memory_space<hbm>>)
        tpu.yield
      }) : () -> ()
    } else {
    }
    return
  }
}

module attributes {stable_mosaic.version = 14 : i64} {
  func.func @body(%arg0: memref<6250x128xf32, #tpu.memory_space<vmem>>, %arg1: memref<6250x128xf32, #tpu.memory_space<vmem>>, %arg2: memref<6250x128xf32, #tpu.memory_space<vmem>>, %arg3: memref<6250x128xf32, #tpu.memory_space<vmem>>) attributes {dimension_semantics = [], scalar_prefetch = 0 : i64, scratch_operands = 0 : i64, tpu.core_type = #tpu.core_type<tc>} {
    %get3A = arith.constant 0 : index
    %get3A_0 = arith.constant 0 : index
    %get3A_1 = vector.load %arg0[%get3A, %get3A_0] : memref<6250x128xf32, #tpu.memory_space<vmem>>, vector<6250x128xf32>
    %get3A_2 = arith.constant 0 : index
    %get3A_3 = arith.constant 0 : index
    %get3A_4 = vector.load %arg1[%get3A_2, %get3A_3] : memref<6250x128xf32, #tpu.memory_space<vmem>>, vector<6250x128xf32>
    %get3A_5 = arith.constant 0 : index
    %get3A_6 = arith.constant 0 : index
    %get3A_7 = vector.load %arg2[%get3A_5, %get3A_6] : memref<6250x128xf32, #tpu.memory_space<vmem>>, vector<6250x128xf32>
    %mul3A = arith.mulf %get3A_1, %get3A_1 : vector<6250x128xf32>
    %mul3A_8 = arith.mulf %get3A_4, %get3A_4 : vector<6250x128xf32>
    %add3A = arith.addf %mul3A, %mul3A_8 : vector<6250x128xf32>
    %mul3A_9 = arith.mulf %get3A_7, %get3A_7 : vector<6250x128xf32>
    %add3A_10 = arith.addf %add3A, %mul3A_9 : vector<6250x128xf32>
    %add3A_11 = arith.constant 9.99999996E-13 : f32
    %add3A_12 = vector.broadcast %add3A_11 : f32 to vector<6250x128xf32>
    %add3A_13 = arith.addf %add3A_10, %add3A_12 : vector<6250x128xf32>
    %sqrt3A = math.sqrt %add3A_13 : vector<6250x128xf32>
    %min3A = arith.constant 5.000000e+00 : f32
    %min3A_14 = vector.broadcast %min3A : f32 to vector<6250x128xf32>
    %min3A_15 = arith.minimumf %sqrt3A, %min3A_14 : vector<6250x128xf32>
    %mul3A_16 = arith.constant 0.628318548 : f32
    %mul3A_17 = vector.broadcast %mul3A_16 : f32 to vector<6250x128xf32>
    %mul3A_18 = arith.mulf %mul3A_17, %min3A_15 : vector<6250x128xf32>
    %cos3A = math.cos %mul3A_18 : vector<6250x128xf32>
    %mul3A_19 = arith.constant 5.000000e-01 : f32
    %mul3A_20 = vector.broadcast %mul3A_19 : f32 to vector<6250x128xf32>
    %mul3A_21 = arith.mulf %mul3A_20, %cos3A : vector<6250x128xf32>
    %add3A_22 = arith.constant 5.000000e-01 : f32
    %add3A_23 = vector.broadcast %add3A_22 : f32 to vector<6250x128xf32>
    %add3A_24 = arith.addf %mul3A_21, %add3A_23 : vector<6250x128xf32>
    %swap3A = arith.constant 0 : index
    %swap3A_25 = arith.constant 0 : index
    %swap3A_26 = vector.load %arg3[%swap3A, %swap3A_25] : memref<6250x128xf32, #tpu.memory_space<vmem>>, vector<6250x128xf32>
    tpu.vector_store %arg3[%swap3A, %swap3A_25], %add3A_24 {strides = array<i32>} : memref<6250x128xf32, #tpu.memory_space<vmem>>, vector<6250x128xf32>,
    return
  }
}

module attributes {stable_mosaic.version = 14 : i64} {
  func.func @body(%arg0: i32, %arg1: memref<2000x16xf32, #tpu.memory_space<vmem>>, %arg2: memref<2000x16xf32, #tpu.memory_space<vmem>>, %arg3: memref<2000x3xf32, #tpu.memory_space<vmem>>, %arg4: memref<2000x1xf32, #tpu.memory_space<vmem>>, %arg5: memref<16x64xf32, #tpu.memory_space<vmem>>, %arg6: memref<16x64xf32, #tpu.memory_space<vmem>>, %arg7: memref<1x64xf32, #tpu.memory_space<vmem>>, %arg8: memref<16x16xf32, #tpu.memory_space<vmem>>, %arg9: memref<16x16xf32, #tpu.memory_space<vmem>>, %arg10: memref<16x16xf32, #tpu.memory_space<vmem>>, %arg11: memref<2000x16xf32, #tpu.memory_space<vmem>>, %arg12: memref<2000x16xf32, #tpu.memory_space<vmem>>, %arg13: memref<2000x16xf32, #tpu.memory_space<vmem>>, %arg14: memref<2000x16xf32, #tpu.memory_space<vmem>>) attributes {dimension_semantics = [#tpu.dimension_semantics<arbitrary>], iteration_bounds = array<i64: 400>, scalar_prefetch = 0 : i64, scratch_operands = 0 : i64, tpu.core_type = #tpu.core_type<tc>, window_params = [{transform_indices = @transform_0, window_bounds = array<i64: 2000, 16>}, {transform_indices = @transform_1, window_bounds = array<i64: 2000, 16>}, {transform_indices = @transform_2, window_bounds = array<i64: 2000, 3>}, {transform_indices = @transform_3, window_bounds = array<i64: 2000, 1>}, {pipeline_mode = #tpu.pipeline_mode<synchronous>, transform_indices = @transform_4, window_bounds = array<i64: 16, 64>}, {pipeline_mode = #tpu.pipeline_mode<synchronous>, transform_indices = @transform_5, window_bounds = array<i64: 16, 64>}, {pipeline_mode = #tpu.pipeline_mode<synchronous>, transform_indices = @transform_6, window_bounds = array<i64: 1, 64>}, {pipeline_mode = #tpu.pipeline_mode<synchronous>, transform_indices = @transform_7, window_bounds = array<i64: 16, 16>}, {pipeline_mode = #tpu.pipeline_mode<synchronous>, transform_indices = @transform_8, window_bounds = array<i64: 16, 16>}, {pipeline_mode = #tpu.pipeline_mode<synchronous>, transform_indices = @transform_9, window_bounds = array<i64: 16, 16>}, {transform_indices = @transform_10, window_bounds = array<i64: 2000, 16>}, {transform_indices = @transform_11, window_bounds = array<i64: 2000, 16>}, {transform_indices = @transform_12, window_bounds = array<i64: 2000, 16>}, {transform_indices = @transform_13, window_bounds = array<i64: 2000, 16>}]} {
    %get3A = arith.constant 0 : index
    %get3A_0 = arith.constant 0 : index
    %get3A_1 = vector.load %arg3[%get3A, %get3A_0] : memref<2000x3xf32, #tpu.memory_space<vmem>>, vector<2000x3xf32>
    %slice3A = vector.extract_strided_slice %get3A_1 {offsets = [0, 0], sizes = [2000, 1], strides = [1, 1]} : vector<2000x3xf32> to vector<2000x1xf32>
    %slice3A_2 = vector.extract_strided_slice %get3A_1 {offsets = [0, 1], sizes = [2000, 1], strides = [1, 1]} : vector<2000x3xf32> to vector<2000x1xf32>
    %slice3A_3 = vector.extract_strided_slice %get3A_1 {offsets = [0, 2], sizes = [2000, 1], strides = [1, 1]} : vector<2000x3xf32> to vector<2000x1xf32>
    %get3A_4 = arith.constant 0 : index
    %get3A_5 = arith.constant 0 : index
    %get3A_6 = vector.load %arg4[%get3A_4, %get3A_5] : memref<2000x1xf32, #tpu.memory_space<vmem>>, vector<2000x1xf32>
    %broadcast_in_dim3A = vector.shape_cast %get3A_6 : vector<2000x1xf32> to vector<2000x1xf32>
    %broadcast_in_dim3A_7 = vector.broadcast %broadcast_in_dim3A : vector<2000x1xf32> to vector<2000x16xf32>
    %mul3A = arith.mulf %broadcast_in_dim3A_7, %broadcast_in_dim3A_7 : vector<2000x16xf32>
    %get3A_8 = arith.constant 0 : index
    %get3A_9 = arith.constant 0 : index
    %get3A_10 = vector.load %arg1[%get3A_8, %get3A_9] : memref<2000x16xf32, #tpu.memory_space<vmem>>, vector<2000x16xf32>
    %get3A_11 = arith.constant 0 : index
    %get3A_12 = arith.constant 0 : index
    %get3A_13 = vector.load %arg5[%get3A_11, %get3A_12] : memref<16x64xf32, #tpu.memory_space<vmem>>, vector<16x64xf32>
    %dot_general3A = arith.constant dense<0.000000e+00> : vector<2000x64xf32>
    %dot_general3A_14 = tpu.matmul %get3A_10, %get3A_13, %dot_general3A {dimension_numbers = #tpu.dot_dimension_numbers<[1], [0], [0], [1], [0, 0, 1, 1], [], []>, transpose_lhs_hint = false} : vector<2000x16xf32>, vector<16x64xf32>, vector<2000x64xf32> -> vector<2000x64xf32>
    %get3A_15 = arith.constant 0 : index
    %get3A_16 = arith.constant 0 : index
    %get3A_17 = vector.load %arg2[%get3A_15, %get3A_16] : memref<2000x16xf32, #tpu.memory_space<vmem>>, vector<2000x16xf32>
    %get3A_18 = arith.constant 0 : index
    %get3A_19 = arith.constant 0 : index
    %get3A_20 = vector.load %arg6[%get3A_18, %get3A_19] : memref<16x64xf32, #tpu.memory_space<vmem>>, vector<16x64xf32>
    %dot_general3A_21 = arith.constant dense<0.000000e+00> : vector<2000x64xf32>
    %dot_general3A_22 = tpu.matmul %get3A_17, %get3A_20, %dot_general3A_21 {dimension_numbers = #tpu.dot_dimension_numbers<[1], [0], [0], [1], [0, 0, 1, 1], [], []>, transpose_lhs_hint = false} : vector<2000x16xf32>, vector<16x64xf32>, vector<2000x64xf32> -> vector<2000x64xf32>
    %add3A = arith.addf %dot_general3A_14, %dot_general3A_22 : vector<2000x64xf32>
    %get3A_23 = arith.constant 0 : index
    %get3A_24 = arith.constant 0 : index
    %get3A_25 = vector.load %arg7[%get3A_23, %get3A_24] : memref<1x64xf32, #tpu.memory_space<vmem>>, vector<1x64xf32>
    %add3A_26 = vector.broadcast %get3A_25 : vector<1x64xf32> to vector<2000x64xf32>
    %add3A_27 = arith.addf %add3A, %add3A_26 : vector<2000x64xf32>
    %tanh3A = math.tanh %add3A_27 : vector<2000x64xf32>
    %slice3A_28 = vector.extract_strided_slice %tanh3A {offsets = [0, 0], sizes = [2000, 16], strides = [1, 1]} : vector<2000x64xf32> to vector<2000x16xf32>
    %mul3A_29 = arith.mulf %slice3A_28, %broadcast_in_dim3A_7 : vector<2000x16xf32>
    %slice3A_30 = vector.extract_strided_slice %tanh3A {offsets = [0, 16], sizes = [2000, 16], strides = [1, 1]} : vector<2000x64xf32> to vector<2000x16xf32>
    %mul3A_31 = arith.mulf %slice3A_30, %mul3A : vector<2000x16xf32>
    %add3A_32 = arith.addf %mul3A_29, %mul3A_31 : vector<2000x16xf32>
    %slice3A_33 = vector.extract_strided_slice %tanh3A {offsets = [0, 32], sizes = [2000, 16], strides = [1, 1]} : vector<2000x64xf32> to vector<2000x16xf32>
    %mul3A_34 = arith.mulf %mul3A, %broadcast_in_dim3A_7 : vector<2000x16xf32>
    %mul3A_35 = arith.mulf %slice3A_33, %mul3A_34 : vector<2000x16xf32>
    %add3A_36 = arith.addf %add3A_32, %mul3A_35 : vector<2000x16xf32>
    %slice3A_37 = vector.extract_strided_slice %tanh3A {offsets = [0, 48], sizes = [2000, 16], strides = [1, 1]} : vector<2000x64xf32> to vector<2000x16xf32>
    %mul3A_38 = arith.mulf %mul3A, %mul3A : vector<2000x16xf32>
    %mul3A_39 = arith.mulf %slice3A_37, %mul3A_38 : vector<2000x16xf32>
    %add3A_40 = arith.addf %add3A_36, %mul3A_39 : vector<2000x16xf32>
    %get3A_41 = arith.constant 0 : index
    %get3A_42 = arith.constant 0 : index
    %get3A_43 = vector.load %arg8[%get3A_41, %get3A_42] : memref<16x16xf32, #tpu.memory_space<vmem>>, vector<16x16xf32>
    %dot_general3A_44 = arith.constant dense<0.000000e+00> : vector<2000x16xf32>
    %dot_general3A_45 = tpu.matmul %add3A_40, %get3A_43, %dot_general3A_44 {dimension_numbers = #tpu.dot_dimension_numbers<[1], [0], [0], [1], [0, 0, 1, 1], [], []>, transpose_lhs_hint = false} : vector<2000x16xf32>, vector<16x16xf32>, vector<2000x16xf32> -> vector<2000x16xf32>
    %get3A_46 = arith.constant 0 : index
    %get3A_47 = arith.constant 0 : index
    %get3A_48 = vector.load %arg9[%get3A_46, %get3A_47] : memref<16x16xf32, #tpu.memory_space<vmem>>, vector<16x16xf32>
    %dot_general3A_49 = arith.constant dense<0.000000e+00> : vector<2000x16xf32>
    %dot_general3A_50 = tpu.matmul %add3A_40, %get3A_48, %dot_general3A_49 {dimension_numbers = #tpu.dot_dimension_numbers<[1], [0], [0], [1], [0, 0, 1, 1], [], []>, transpose_lhs_hint = false} : vector<2000x16xf32>, vector<16x16xf32>, vector<2000x16xf32> -> vector<2000x16xf32>
    %swap3A = arith.constant 0 : index
    %swap3A_51 = arith.constant 0 : index
    %swap3A_52 = vector.load %arg11[%swap3A, %swap3A_51] : memref<2000x16xf32, #tpu.memory_space<vmem>>, vector<2000x16xf32>
    tpu.vector_store %arg11[%swap3A, %swap3A_51], %dot_general3A_50 {strides = array<i32>} : memref<2000x16xf32, #tpu.memory_space<vmem>>, vector<2000x16xf32>,
    %mul3A_53 = vector.broadcast %slice3A : vector<2000x1xf32> to vector<2000x16xf32>
    %mul3A_54 = arith.mulf %mul3A_53, %dot_general3A_45 : vector<2000x16xf32>
    %swap3A_55 = arith.constant 0 : index
    %swap3A_56 = arith.constant 0 : index
    %swap3A_57 = vector.load %arg12[%swap3A_55, %swap3A_56] : memref<2000x16xf32, #tpu.memory_space<vmem>>, vector<2000x16xf32>
    tpu.vector_store %arg12[%swap3A_55, %swap3A_56], %mul3A_54 {strides = array<i32>} : memref<2000x16xf32, #tpu.memory_space<vmem>>, vector<2000x16xf32>,
    %mul3A_58 = vector.broadcast %slice3A_2 : vector<2000x1xf32> to vector<2000x16xf32>
    %mul3A_59 = arith.mulf %mul3A_58, %dot_general3A_45 : vector<2000x16xf32>
    %swap3A_60 = arith.constant 0 : index
    %swap3A_61 = arith.constant 0 : index
    %swap3A_62 = vector.load %arg13[%swap3A_60, %swap3A_61] : memref<2000x16xf32, #tpu.memory_space<vmem>>, vector<2000x16xf32>
    tpu.vector_store %arg13[%swap3A_60, %swap3A_61], %mul3A_59 {strides = array<i32>} : memref<2000x16xf32, #tpu.memory_space<vmem>>, vector<2000x16xf32>,
    %mul3A_63 = vector.broadcast %slice3A_3 : vector<2000x1xf32> to vector<2000x16xf32>
    %mul3A_64 = arith.mulf %mul3A_63, %dot_general3A_45 : vector<2000x16xf32>
    %swap3A_65 = arith.constant 0 : index
    %swap3A_66 = arith.constant 0 : index
    %swap3A_67 = vector.load %arg14[%swap3A_65, %swap3A_66] : memref<2000x16xf32, #tpu.memory_space<vmem>>, vector<2000x16xf32>
    tpu.vector_store %arg14[%swap3A_65, %swap3A_66], %mul3A_64 {strides = array<i32>} : memref<2000x16xf32, #tpu.memory_space<vmem>>, vector<2000x16xf32>,
    return
  }
  func.func @transform_0(%arg0: i32) -> (i32, i32) {
    %c0_i32 = arith.constant 0 : i32
    %c0_i32_0 = arith.constant 0 : i32
    return %arg0, %c0_i32 : i32, i32
  }
  func.func @transform_1(%arg0: i32) -> (i32, i32) {
    %c0_i32 = arith.constant 0 : i32
    %c0_i32_0 = arith.constant 0 : i32
    return %arg0, %c0_i32 : i32, i32
  }
  func.func @transform_2(%arg0: i32) -> (i32, i32) {
    %c0_i32 = arith.constant 0 : i32
    %c0_i32_0 = arith.constant 0 : i32
    return %arg0, %c0_i32 : i32, i32
  }
  func.func @transform_3(%arg0: i32) -> (i32, i32) {
    %c0_i32 = arith.constant 0 : i32
    %c0_i32_0 = arith.constant 0 : i32
    return %arg0, %c0_i32 : i32, i32
  }
  func.func @transform_4(%arg0: i32) -> (i32, i32) {
    %c0_i32 = arith.constant 0 : i32
    %c0_i32_0 = arith.constant 0 : i32
    %c0_i32_1 = arith.constant 0 : i32
    return %c0_i32, %c0_i32_0 : i32, i32
  }
  func.func @transform_5(%arg0: i32) -> (i32, i32) {
    %c0_i32 = arith.constant 0 : i32
    %c0_i32_0 = arith.constant 0 : i32
    %c0_i32_1 = arith.constant 0 : i32
    return %c0_i32, %c0_i32_0 : i32, i32
  }
  func.func @transform_6(%arg0: i32) -> (i32, i32) {
    %c0_i32 = arith.constant 0 : i32
    %c0_i32_0 = arith.constant 0 : i32
    %c0_i32_1 = arith.constant 0 : i32
    return %c0_i32, %c0_i32_0 : i32, i32
  }
  func.func @transform_7(%arg0: i32) -> (i32, i32) {
    %c0_i32 = arith.constant 0 : i32
    %c0_i32_0 = arith.constant 0 : i32
    %c0_i32_1 = arith.constant 0 : i32
    return %c0_i32, %c0_i32_0 : i32, i32
  }
  func.func @transform_8(%arg0: i32) -> (i32, i32) {
    %c0_i32 = arith.constant 0 : i32
    %c0_i32_0 = arith.constant 0 : i32
    %c0_i32_1 = arith.constant 0 : i32
    return %c0_i32, %c0_i32_0 : i32, i32
  }
  func.func @transform_9(%arg0: i32) -> (i32, i32) {
    %c0_i32 = arith.constant 0 : i32
    %c0_i32_0 = arith.constant 0 : i32
    %c0_i32_1 = arith.constant 0 : i32
    return %c0_i32, %c0_i32_0 : i32, i32
  }
  func.func @transform_10(%arg0: i32) -> (i32, i32) {
    %c0_i32 = arith.constant 0 : i32
    %c0_i32_0 = arith.constant 0 : i32
    return %arg0, %c0_i32 : i32, i32
  }
  func.func @transform_11(%arg0: i32) -> (i32, i32) {
    %c0_i32 = arith.constant 0 : i32
    %c0_i32_0 = arith.constant 0 : i32
    return %arg0, %c0_i32 : i32, i32
  }
  func.func @transform_12(%arg0: i32) -> (i32, i32) {
    %c0_i32 = arith.constant 0 : i32
    %c0_i32_0 = arith.constant 0 : i32
    return %arg0, %c0_i32 : i32, i32
  }
  func.func @transform_13(%arg0: i32) -> (i32, i32) {
    %c0_i32 = arith.constant 0 : i32
    %c0_i32_0 = arith.constant 0 : i32
    return %arg0, %c0_i32 : i32, i32
  }
}

module attributes {stable_mosaic.version = 14 : i64} {
  func.func @body(%arg0: i32, %arg1: memref<2000x16xf32, #tpu.memory_space<vmem>>, %arg2: memref<2000x16xf32, #tpu.memory_space<vmem>>, %arg3: memref<2000x16xf32, #tpu.memory_space<vmem>>, %arg4: memref<2000x16xf32, #tpu.memory_space<vmem>>, %arg5: memref<2000x16xf32, #tpu.memory_space<vmem>>, %arg6: memref<16x16xf32, #tpu.memory_space<vmem>>, %arg7: memref<1x16xf32, #tpu.memory_space<vmem>>, %arg8: memref<16x1xf32, #tpu.memory_space<vmem>>, %arg9: memref<16x16xf32, #tpu.memory_space<vmem>>, %arg10: memref<1x16xf32, #tpu.memory_space<vmem>>, %arg11: memref<2000x16xf32, #tpu.memory_space<vmem>>, %arg12: memref<2000x16xf32, #tpu.memory_space<vmem>>, %arg13: memref<2000x16xf32, #tpu.memory_space<vmem>>, %arg14: memref<2000x16xf32, #tpu.memory_space<vmem>>, %arg15: memref<2000x16xf32, #tpu.memory_space<vmem>>, %arg16: memref<2000x1xf32, #tpu.memory_space<vmem>>) attributes {dimension_semantics = [#tpu.dimension_semantics<arbitrary>], iteration_bounds = array<i64: 25>, scalar_prefetch = 0 : i64, scratch_operands = 0 : i64, tpu.core_type = #tpu.core_type<tc>, window_params = [{transform_indices = @transform_0, window_bounds = array<i64: 2000, 16>}, {transform_indices = @transform_1, window_bounds = array<i64: 2000, 16>}, {transform_indices = @transform_2, window_bounds = array<i64: 2000, 16>}, {transform_indices = @transform_3, window_bounds = array<i64: 2000, 16>}, {transform_indices = @transform_4, window_bounds = array<i64: 2000, 16>}, {pipeline_mode = #tpu.pipeline_mode<synchronous>, transform_indices = @transform_5, window_bounds = array<i64: 16, 16>}, {pipeline_mode = #tpu.pipeline_mode<synchronous>, transform_indices = @transform_6, window_bounds = array<i64: 1, 16>}, {pipeline_mode = #tpu.pipeline_mode<synchronous>, transform_indices = @transform_7, window_bounds = array<i64: 16, 1>}, {pipeline_mode = #tpu.pipeline_mode<synchronous>, transform_indices = @transform_8, window_bounds = array<i64: 16, 16>}, {pipeline_mode = #tpu.pipeline_mode<synchronous>, transform_indices = @transform_9, window_bounds = array<i64: 1, 16>}, {transform_indices = @transform_10, window_bounds = array<i64: 2000, 16>}, {transform_indices = @transform_11, window_bounds = array<i64: 2000, 16>}, {transform_indices = @transform_12, window_bounds = array<i64: 2000, 16>}, {transform_indices = @transform_13, window_bounds = array<i64: 2000, 16>}, {transform_indices = @transform_14, window_bounds = array<i64: 2000, 16>}, {transform_indices = @transform_15, window_bounds = array<i64: 2000, 1>}]} {
    %get3A = arith.constant 0 : index
    %get3A_0 = arith.constant 0 : index
    %get3A_1 = vector.load %arg3[%get3A, %get3A_0] : memref<2000x16xf32, #tpu.memory_space<vmem>>, vector<2000x16xf32>
    %get3A_2 = arith.constant 0 : index
    %get3A_3 = arith.constant 0 : index
    %get3A_4 = vector.load %arg4[%get3A_2, %get3A_3] : memref<2000x16xf32, #tpu.memory_space<vmem>>, vector<2000x16xf32>
    %get3A_5 = arith.constant 0 : index
    %get3A_6 = arith.constant 0 : index
    %get3A_7 = vector.load %arg5[%get3A_5, %get3A_6] : memref<2000x16xf32, #tpu.memory_space<vmem>>, vector<2000x16xf32>
    %mul3A = arith.mulf %get3A_1, %get3A_1 : vector<2000x16xf32>
    %mul3A_8 = arith.mulf %get3A_4, %get3A_4 : vector<2000x16xf32>
    %add3A = arith.addf %mul3A, %mul3A_8 : vector<2000x16xf32>
    %mul3A_9 = arith.mulf %get3A_7, %get3A_7 : vector<2000x16xf32>
    %add3A_10 = arith.addf %add3A, %mul3A_9 : vector<2000x16xf32>
    %get3A_11 = arith.constant 0 : index
    %get3A_12 = arith.constant 0 : index
    %get3A_13 = vector.load %arg2[%get3A_11, %get3A_12] : memref<2000x16xf32, #tpu.memory_space<vmem>>, vector<2000x16xf32>
    %add3A_14 = arith.addf %add3A_10, %get3A_13 : vector<2000x16xf32>
    %get3A_15 = arith.constant 0 : index
    %get3A_16 = arith.constant 0 : index
    %get3A_17 = vector.load %arg1[%get3A_15, %get3A_16] : memref<2000x16xf32, #tpu.memory_space<vmem>>, vector<2000x16xf32>
    %add3A_18 = arith.addf %get3A_17, %add3A_14 : vector<2000x16xf32>
    %swap3A = arith.constant 0 : index
    %swap3A_19 = arith.constant 0 : index
    %swap3A_20 = vector.load %arg11[%swap3A, %swap3A_19] : memref<2000x16xf32, #tpu.memory_space<vmem>>, vector<2000x16xf32>
    tpu.vector_store %arg11[%swap3A, %swap3A_19], %add3A_18 {strides = array<i32>} : memref<2000x16xf32, #tpu.memory_space<vmem>>, vector<2000x16xf32>,
    %mul3A_21 = arith.mulf %get3A_1, %add3A_14 : vector<2000x16xf32>
    %swap3A_22 = arith.constant 0 : index
    %swap3A_23 = arith.constant 0 : index
    %swap3A_24 = vector.load %arg12[%swap3A_22, %swap3A_23] : memref<2000x16xf32, #tpu.memory_space<vmem>>, vector<2000x16xf32>
    tpu.vector_store %arg12[%swap3A_22, %swap3A_23], %mul3A_21 {strides = array<i32>} : memref<2000x16xf32, #tpu.memory_space<vmem>>, vector<2000x16xf32>,
    %mul3A_25 = arith.mulf %get3A_4, %add3A_14 : vector<2000x16xf32>
    %swap3A_26 = arith.constant 0 : index
    %swap3A_27 = arith.constant 0 : index
    %swap3A_28 = vector.load %arg13[%swap3A_26, %swap3A_27] : memref<2000x16xf32, #tpu.memory_space<vmem>>, vector<2000x16xf32>
    tpu.vector_store %arg13[%swap3A_26, %swap3A_27], %mul3A_25 {strides = array<i32>} : memref<2000x16xf32, #tpu.memory_space<vmem>>, vector<2000x16xf32>,
    %mul3A_29 = arith.mulf %get3A_7, %add3A_14 : vector<2000x16xf32>
    %swap3A_30 = arith.constant 0 : index
    %swap3A_31 = arith.constant 0 : index
    %swap3A_32 = vector.load %arg14[%swap3A_30, %swap3A_31] : memref<2000x16xf32, #tpu.memory_space<vmem>>, vector<2000x16xf32>
    tpu.vector_store %arg14[%swap3A_30, %swap3A_31], %mul3A_29 {strides = array<i32>} : memref<2000x16xf32, #tpu.memory_space<vmem>>, vector<2000x16xf32>,
    %get3A_33 = arith.constant 0 : index
    %get3A_34 = arith.constant 0 : index
    %get3A_35 = vector.load %arg6[%get3A_33, %get3A_34] : memref<16x16xf32, #tpu.memory_space<vmem>>, vector<16x16xf32>
    %dot_general3A = arith.constant dense<0.000000e+00> : vector<2000x16xf32>
    %dot_general3A_36 = tpu.matmul %add3A_18, %get3A_35, %dot_general3A {dimension_numbers = #tpu.dot_dimension_numbers<[1], [0], [0], [1], [0, 0, 1, 1], [], []>, transpose_lhs_hint = false} : vector<2000x16xf32>, vector<16x16xf32>, vector<2000x16xf32> -> vector<2000x16xf32>
    %get3A_37 = arith.constant 0 : index
    %get3A_38 = arith.constant 0 : index
    %get3A_39 = vector.load %arg7[%get3A_37, %get3A_38] : memref<1x16xf32, #tpu.memory_space<vmem>>, vector<1x16xf32>
    %add3A_40 = vector.broadcast %get3A_39 : vector<1x16xf32> to vector<2000x16xf32>
    %add3A_41 = arith.addf %dot_general3A_36, %add3A_40 : vector<2000x16xf32>
    %tanh3A = math.tanh %add3A_41 : vector<2000x16xf32>
    %get3A_42 = arith.constant 0 : index
    %get3A_43 = arith.constant 0 : index
    %get3A_44 = vector.load %arg8[%get3A_42, %get3A_43] : memref<16x1xf32, #tpu.memory_space<vmem>>, vector<16x1xf32>
    %dot_general3A_45 = arith.constant dense<0.000000e+00> : vector<2000x1xf32>
    %dot_general3A_46 = tpu.matmul %tanh3A, %get3A_44, %dot_general3A_45 {dimension_numbers = #tpu.dot_dimension_numbers<[1], [0], [0], [1], [0, 0, 1, 1], [], []>, transpose_lhs_hint = false} : vector<2000x16xf32>, vector<16x1xf32>, vector<2000x1xf32> -> vector<2000x1xf32>
    %swap3A_47 = arith.constant 0 : index
    %swap3A_48 = arith.constant 0 : index
    %swap3A_49 = vector.load %arg16[%swap3A_47, %swap3A_48] : memref<2000x1xf32, #tpu.memory_space<vmem>>, vector<2000x1xf32>
    tpu.vector_store %arg16[%swap3A_47, %swap3A_48], %dot_general3A_46 {strides = array<i32>} : memref<2000x1xf32, #tpu.memory_space<vmem>>, vector<2000x1xf32>,
    %get3A_50 = arith.constant 0 : index
    %get3A_51 = arith.constant 0 : index
    %get3A_52 = vector.load %arg9[%get3A_50, %get3A_51] : memref<16x16xf32, #tpu.memory_space<vmem>>, vector<16x16xf32>
    %dot_general3A_53 = arith.constant dense<0.000000e+00> : vector<2000x16xf32>
    %dot_general3A_54 = tpu.matmul %add3A_18, %get3A_52, %dot_general3A_53 {dimension_numbers = #tpu.dot_dimension_numbers<[1], [0], [0], [1], [0, 0, 1, 1], [], []>, transpose_lhs_hint = false} : vector<2000x16xf32>, vector<16x16xf32>, vector<2000x16xf32> -> vector<2000x16xf32>
    %get3A_55 = arith.constant 0 : index
    %get3A_56 = arith.constant 0 : index
    %get3A_57 = vector.load %arg10[%get3A_55, %get3A_56] : memref<1x16xf32, #tpu.memory_space<vmem>>, vector<1x16xf32>
    %add3A_58 = vector.broadcast %get3A_57 : vector<1x16xf32> to vector<2000x16xf32>
    %add3A_59 = arith.addf %dot_general3A_54, %add3A_58 : vector<2000x16xf32>
    %tanh3A_60 = math.tanh %add3A_59 : vector<2000x16xf32>
    %swap3A_61 = arith.constant 0 : index
    %swap3A_62 = arith.constant 0 : index
    %swap3A_63 = vector.load %arg15[%swap3A_61, %swap3A_62] : memref<2000x16xf32, #tpu.memory_space<vmem>>, vector<2000x16xf32>
    tpu.vector_store %arg15[%swap3A_61, %swap3A_62], %tanh3A_60 {strides = array<i32>} : memref<2000x16xf32, #tpu.memory_space<vmem>>, vector<2000x16xf32>,
    return
  }
  func.func @transform_0(%arg0: i32) -> (i32, i32) {
    %c0_i32 = arith.constant 0 : i32
    %c0_i32_0 = arith.constant 0 : i32
    return %arg0, %c0_i32 : i32, i32
  }
  func.func @transform_1(%arg0: i32) -> (i32, i32) {
    %c0_i32 = arith.constant 0 : i32
    %c0_i32_0 = arith.constant 0 : i32
    return %arg0, %c0_i32 : i32, i32
  }
  func.func @transform_2(%arg0: i32) -> (i32, i32) {
    %c0_i32 = arith.constant 0 : i32
    %c0_i32_0 = arith.constant 0 : i32
    return %arg0, %c0_i32 : i32, i32
  }
  func.func @transform_3(%arg0: i32) -> (i32, i32) {
    %c0_i32 = arith.constant 0 : i32
    %c0_i32_0 = arith.constant 0 : i32
    return %arg0, %c0_i32 : i32, i32
  }
  func.func @transform_4(%arg0: i32) -> (i32, i32) {
    %c0_i32 = arith.constant 0 : i32
    %c0_i32_0 = arith.constant 0 : i32
    return %arg0, %c0_i32 : i32, i32
  }
  func.func @transform_5(%arg0: i32) -> (i32, i32) {
    %c0_i32 = arith.constant 0 : i32
    %c0_i32_0 = arith.constant 0 : i32
    %c0_i32_1 = arith.constant 0 : i32
    return %c0_i32, %c0_i32_0 : i32, i32
  }
  func.func @transform_6(%arg0: i32) -> (i32, i32) {
    %c0_i32 = arith.constant 0 : i32
    %c0_i32_0 = arith.constant 0 : i32
    %c0_i32_1 = arith.constant 0 : i32
    return %c0_i32, %c0_i32_0 : i32, i32
  }
  func.func @transform_7(%arg0: i32) -> (i32, i32) {
    %c0_i32 = arith.constant 0 : i32
    %c0_i32_0 = arith.constant 0 : i32
    %c0_i32_1 = arith.constant 0 : i32
    return %c0_i32, %c0_i32_0 : i32, i32
  }
  func.func @transform_8(%arg0: i32) -> (i32, i32) {
    %c0_i32 = arith.constant 0 : i32
    %c0_i32_0 = arith.constant 0 : i32
    %c0_i32_1 = arith.constant 0 : i32
    return %c0_i32, %c0_i32_0 : i32, i32
  }
  func.func @transform_9(%arg0: i32) -> (i32, i32) {
    %c0_i32 = arith.constant 0 : i32
    %c0_i32_0 = arith.constant 0 : i32
    %c0_i32_1 = arith.constant 0 : i32
    return %c0_i32, %c0_i32_0 : i32, i32
  }
  func.func @transform_10(%arg0: i32) -> (i32, i32) {
    %c0_i32 = arith.constant 0 : i32
    %c0_i32_0 = arith.constant 0 : i32
    return %arg0, %c0_i32 : i32, i32
  }
  func.func @transform_11(%arg0: i32) -> (i32, i32) {
    %c0_i32 = arith.constant 0 : i32
    %c0_i32_0 = arith.constant 0 : i32
    return %arg0, %c0_i32 : i32, i32
  }
  func.func @transform_12(%arg0: i32) -> (i32, i32) {
    %c0_i32 = arith.constant 0 : i32
    %c0_i32_0 = arith.constant 0 : i32
    return %arg0, %c0_i32 : i32, i32
  }
  func.func @transform_13(%arg0: i32) -> (i32, i32) {
    %c0_i32 = arith.constant 0 : i32
    %c0_i32_0 = arith.constant 0 : i32
    return %arg0, %c0_i32 : i32, i32
  }
  func.func @transform_14(%arg0: i32) -> (i32, i32) {
    %c0_i32 = arith.constant 0 : i32
    %c0_i32_0 = arith.constant 0 : i32
    return %arg0, %c0_i32 : i32, i32
  }
  func.func @transform_15(%arg0: i32) -> (i32, i32) {
    %c0_i32 = arith.constant 0 : i32
    %c0_i32_0 = arith.constant 0 : i32
    return %arg0, %c0_i32 : i32, i32
  }
}

module attributes {stable_mosaic.version = 14 : i64} {
  func.func @body(%arg0: i32, %arg1: memref<2000x16xf32, #tpu.memory_space<vmem>>, %arg2: memref<2000x16xf32, #tpu.memory_space<vmem>>, %arg3: memref<2000x16xf32, #tpu.memory_space<vmem>>, %arg4: memref<2000x16xf32, #tpu.memory_space<vmem>>, %arg5: memref<2000x16xf32, #tpu.memory_space<vmem>>, %arg6: memref<2000x3xf32, #tpu.memory_space<vmem>>, %arg7: memref<2000x1xf32, #tpu.memory_space<vmem>>, %arg8: memref<16x64xf32, #tpu.memory_space<vmem>>, %arg9: memref<16x64xf32, #tpu.memory_space<vmem>>, %arg10: memref<1x64xf32, #tpu.memory_space<vmem>>, %arg11: memref<16x16xf32, #tpu.memory_space<vmem>>, %arg12: memref<16x16xf32, #tpu.memory_space<vmem>>, %arg13: memref<16x16xf32, #tpu.memory_space<vmem>>, %arg14: memref<2000x16xf32, #tpu.memory_space<vmem>>, %arg15: memref<2000x16xf32, #tpu.memory_space<vmem>>, %arg16: memref<2000x16xf32, #tpu.memory_space<vmem>>, %arg17: memref<2000x16xf32, #tpu.memory_space<vmem>>) attributes {dimension_semantics = [#tpu.dimension_semantics<arbitrary>], iteration_bounds = array<i64: 400>, scalar_prefetch = 0 : i64, scratch_operands = 0 : i64, tpu.core_type = #tpu.core_type<tc>, window_params = [{transform_indices = @transform_0, window_bounds = array<i64: 2000, 16>}, {transform_indices = @transform_1, window_bounds = array<i64: 2000, 16>}, {transform_indices = @transform_2, window_bounds = array<i64: 2000, 16>}, {transform_indices = @transform_3, window_bounds = array<i64: 2000, 16>}, {transform_indices = @transform_4, window_bounds = array<i64: 2000, 16>}, {transform_indices = @transform_5, window_bounds = array<i64: 2000, 3>}, {transform_indices = @transform_6, window_bounds = array<i64: 2000, 1>}, {pipeline_mode = #tpu.pipeline_mode<synchronous>, transform_indices = @transform_7, window_bounds = array<i64: 16, 64>}, {pipeline_mode = #tpu.pipeline_mode<synchronous>, transform_indices = @transform_8, window_bounds = array<i64: 16, 64>}, {pipeline_mode = #tpu.pipeline_mode<synchronous>, transform_indices = @transform_9, window_bounds = array<i64: 1, 64>}, {pipeline_mode = #tpu.pipeline_mode<synchronous>, transform_indices = @transform_10, window_bounds = array<i64: 16, 16>}, {pipeline_mode = #tpu.pipeline_mode<synchronous>, transform_indices = @transform_11, window_bounds = array<i64: 16, 16>}, {pipeline_mode = #tpu.pipeline_mode<synchronous>, transform_indices = @transform_12, window_bounds = array<i64: 16, 16>}, {transform_indices = @transform_13, window_bounds = array<i64: 2000, 16>}, {transform_indices = @transform_14, window_bounds = array<i64: 2000, 16>}, {transform_indices = @transform_15, window_bounds = array<i64: 2000, 16>}, {transform_indices = @transform_16, window_bounds = array<i64: 2000, 16>}]} {
    %get3A = arith.constant 0 : index
    %get3A_0 = arith.constant 0 : index
    %get3A_1 = vector.load %arg6[%get3A, %get3A_0] : memref<2000x3xf32, #tpu.memory_space<vmem>>, vector<2000x3xf32>
    %slice3A = vector.extract_strided_slice %get3A_1 {offsets = [0, 0], sizes = [2000, 1], strides = [1, 1]} : vector<2000x3xf32> to vector<2000x1xf32>
    %slice3A_2 = vector.extract_strided_slice %get3A_1 {offsets = [0, 1], sizes = [2000, 1], strides = [1, 1]} : vector<2000x3xf32> to vector<2000x1xf32>
    %slice3A_3 = vector.extract_strided_slice %get3A_1 {offsets = [0, 2], sizes = [2000, 1], strides = [1, 1]} : vector<2000x3xf32> to vector<2000x1xf32>
    %get3A_4 = arith.constant 0 : index
    %get3A_5 = arith.constant 0 : index
    %get3A_6 = vector.load %arg7[%get3A_4, %get3A_5] : memref<2000x1xf32, #tpu.memory_space<vmem>>, vector<2000x1xf32>
    %broadcast_in_dim3A = vector.shape_cast %get3A_6 : vector<2000x1xf32> to vector<2000x1xf32>
    %broadcast_in_dim3A_7 = vector.broadcast %broadcast_in_dim3A : vector<2000x1xf32> to vector<2000x16xf32>
    %mul3A = arith.mulf %broadcast_in_dim3A_7, %broadcast_in_dim3A_7 : vector<2000x16xf32>
    %get3A_8 = arith.constant 0 : index
    %get3A_9 = arith.constant 0 : index
    %get3A_10 = vector.load %arg1[%get3A_8, %get3A_9] : memref<2000x16xf32, #tpu.memory_space<vmem>>, vector<2000x16xf32>
    %get3A_11 = arith.constant 0 : index
    %get3A_12 = arith.constant 0 : index
    %get3A_13 = vector.load %arg8[%get3A_11, %get3A_12] : memref<16x64xf32, #tpu.memory_space<vmem>>, vector<16x64xf32>
    %dot_general3A = arith.constant dense<0.000000e+00> : vector<2000x64xf32>
    %dot_general3A_14 = tpu.matmul %get3A_10, %get3A_13, %dot_general3A {dimension_numbers = #tpu.dot_dimension_numbers<[1], [0], [0], [1], [0, 0, 1, 1], [], []>, transpose_lhs_hint = false} : vector<2000x16xf32>, vector<16x64xf32>, vector<2000x64xf32> -> vector<2000x64xf32>
    %get3A_15 = arith.constant 0 : index
    %get3A_16 = arith.constant 0 : index
    %get3A_17 = vector.load %arg2[%get3A_15, %get3A_16] : memref<2000x16xf32, #tpu.memory_space<vmem>>, vector<2000x16xf32>
    %get3A_18 = arith.constant 0 : index
    %get3A_19 = arith.constant 0 : index
    %get3A_20 = vector.load %arg9[%get3A_18, %get3A_19] : memref<16x64xf32, #tpu.memory_space<vmem>>, vector<16x64xf32>
    %dot_general3A_21 = arith.constant dense<0.000000e+00> : vector<2000x64xf32>
    %dot_general3A_22 = tpu.matmul %get3A_17, %get3A_20, %dot_general3A_21 {dimension_numbers = #tpu.dot_dimension_numbers<[1], [0], [0], [1], [0, 0, 1, 1], [], []>, transpose_lhs_hint = false} : vector<2000x16xf32>, vector<16x64xf32>, vector<2000x64xf32> -> vector<2000x64xf32>
    %add3A = arith.addf %dot_general3A_14, %dot_general3A_22 : vector<2000x64xf32>
    %get3A_23 = arith.constant 0 : index
    %get3A_24 = arith.constant 0 : index
    %get3A_25 = vector.load %arg10[%get3A_23, %get3A_24] : memref<1x64xf32, #tpu.memory_space<vmem>>, vector<1x64xf32>
    %add3A_26 = vector.broadcast %get3A_25 : vector<1x64xf32> to vector<2000x64xf32>
    %add3A_27 = arith.addf %add3A, %add3A_26 : vector<2000x64xf32>
    %tanh3A = math.tanh %add3A_27 : vector<2000x64xf32>
    %slice3A_28 = vector.extract_strided_slice %tanh3A {offsets = [0, 0], sizes = [2000, 16], strides = [1, 1]} : vector<2000x64xf32> to vector<2000x16xf32>
    %mul3A_29 = arith.mulf %slice3A_28, %broadcast_in_dim3A_7 : vector<2000x16xf32>
    %slice3A_30 = vector.extract_strided_slice %tanh3A {offsets = [0, 16], sizes = [2000, 16], strides = [1, 1]} : vector<2000x64xf32> to vector<2000x16xf32>
    %mul3A_31 = arith.mulf %slice3A_30, %mul3A : vector<2000x16xf32>
    %add3A_32 = arith.addf %mul3A_29, %mul3A_31 : vector<2000x16xf32>
    %slice3A_33 = vector.extract_strided_slice %tanh3A {offsets = [0, 32], sizes = [2000, 16], strides = [1, 1]} : vector<2000x64xf32> to vector<2000x16xf32>
    %mul3A_34 = arith.mulf %mul3A, %broadcast_in_dim3A_7 : vector<2000x16xf32>
    %mul3A_35 = arith.mulf %slice3A_33, %mul3A_34 : vector<2000x16xf32>
    %add3A_36 = arith.addf %add3A_32, %mul3A_35 : vector<2000x16xf32>
    %slice3A_37 = vector.extract_strided_slice %tanh3A {offsets = [0, 48], sizes = [2000, 16], strides = [1, 1]} : vector<2000x64xf32> to vector<2000x16xf32>
    %mul3A_38 = arith.mulf %mul3A, %mul3A : vector<2000x16xf32>
    %mul3A_39 = arith.mulf %slice3A_37, %mul3A_38 : vector<2000x16xf32>
    %add3A_40 = arith.addf %add3A_36, %mul3A_39 : vector<2000x16xf32>
    %get3A_41 = arith.constant 0 : index
    %get3A_42 = arith.constant 0 : index
    %get3A_43 = vector.load %arg11[%get3A_41, %get3A_42] : memref<16x16xf32, #tpu.memory_space<vmem>>, vector<16x16xf32>
    %dot_general3A_44 = arith.constant dense<0.000000e+00> : vector<2000x16xf32>
    %dot_general3A_45 = tpu.matmul %add3A_40, %get3A_43, %dot_general3A_44 {dimension_numbers = #tpu.dot_dimension_numbers<[1], [0], [0], [1], [0, 0, 1, 1], [], []>, transpose_lhs_hint = false} : vector<2000x16xf32>, vector<16x16xf32>, vector<2000x16xf32> -> vector<2000x16xf32>
    %get3A_46 = arith.constant 0 : index
    %get3A_47 = arith.constant 0 : index
    %get3A_48 = vector.load %arg13[%get3A_46, %get3A_47] : memref<16x16xf32, #tpu.memory_space<vmem>>, vector<16x16xf32>
    %dot_general3A_49 = arith.constant dense<0.000000e+00> : vector<2000x16xf32>
    %dot_general3A_50 = tpu.matmul %add3A_40, %get3A_48, %dot_general3A_49 {dimension_numbers = #tpu.dot_dimension_numbers<[1], [0], [0], [1], [0, 0, 1, 1], [], []>, transpose_lhs_hint = false} : vector<2000x16xf32>, vector<16x16xf32>, vector<2000x16xf32> -> vector<2000x16xf32>
    %get3A_51 = arith.constant 0 : index
    %get3A_52 = arith.constant 0 : index
    %get3A_53 = vector.load %arg12[%get3A_51, %get3A_52] : memref<16x16xf32, #tpu.memory_space<vmem>>, vector<16x16xf32>
    %dot_general3A_54 = arith.constant dense<0.000000e+00> : vector<2000x16xf32>
    %dot_general3A_55 = tpu.matmul %add3A_40, %get3A_53, %dot_general3A_54 {dimension_numbers = #tpu.dot_dimension_numbers<[1], [0], [0], [1], [0, 0, 1, 1], [], []>, transpose_lhs_hint = false} : vector<2000x16xf32>, vector<16x16xf32>, vector<2000x16xf32> -> vector<2000x16xf32>
    %swap3A = arith.constant 0 : index
    %swap3A_56 = arith.constant 0 : index
    %swap3A_57 = vector.load %arg14[%swap3A, %swap3A_56] : memref<2000x16xf32, #tpu.memory_space<vmem>>, vector<2000x16xf32>
    tpu.vector_store %arg14[%swap3A, %swap3A_56], %dot_general3A_55 {strides = array<i32>} : memref<2000x16xf32, #tpu.memory_space<vmem>>, vector<2000x16xf32>,
    %mul3A_58 = vector.broadcast %slice3A : vector<2000x1xf32> to vector<2000x16xf32>
    %mul3A_59 = arith.mulf %mul3A_58, %dot_general3A_45 : vector<2000x16xf32>
    %get3A_60 = arith.constant 0 : index
    %get3A_61 = arith.constant 0 : index
    %get3A_62 = vector.load %arg3[%get3A_60, %get3A_61] : memref<2000x16xf32, #tpu.memory_space<vmem>>, vector<2000x16xf32>
    %mul3A_63 = arith.mulf %get3A_62, %dot_general3A_50 : vector<2000x16xf32>
    %add3A_64 = arith.addf %mul3A_59, %mul3A_63 : vector<2000x16xf32>
    %swap3A_65 = arith.constant 0 : index
    %swap3A_66 = arith.constant 0 : index
    %swap3A_67 = vector.load %arg15[%swap3A_65, %swap3A_66] : memref<2000x16xf32, #tpu.memory_space<vmem>>, vector<2000x16xf32>
    tpu.vector_store %arg15[%swap3A_65, %swap3A_66], %add3A_64 {strides = array<i32>} : memref<2000x16xf32, #tpu.memory_space<vmem>>, vector<2000x16xf32>,
    %mul3A_68 = vector.broadcast %slice3A_2 : vector<2000x1xf32> to vector<2000x16xf32>
    %mul3A_69 = arith.mulf %mul3A_68, %dot_general3A_45 : vector<2000x16xf32>
    %get3A_70 = arith.constant 0 : index
    %get3A_71 = arith.constant 0 : index
    %get3A_72 = vector.load %arg4[%get3A_70, %get3A_71] : memref<2000x16xf32, #tpu.memory_space<vmem>>, vector<2000x16xf32>
    %mul3A_73 = arith.mulf %get3A_72, %dot_general3A_50 : vector<2000x16xf32>
    %add3A_74 = arith.addf %mul3A_69, %mul3A_73 : vector<2000x16xf32>
    %swap3A_75 = arith.constant 0 : index
    %swap3A_76 = arith.constant 0 : index
    %swap3A_77 = vector.load %arg16[%swap3A_75, %swap3A_76] : memref<2000x16xf32, #tpu.memory_space<vmem>>, vector<2000x16xf32>
    tpu.vector_store %arg16[%swap3A_75, %swap3A_76], %add3A_74 {strides = array<i32>} : memref<2000x16xf32, #tpu.memory_space<vmem>>, vector<2000x16xf32>,
    %mul3A_78 = vector.broadcast %slice3A_3 : vector<2000x1xf32> to vector<2000x16xf32>
    %mul3A_79 = arith.mulf %mul3A_78, %dot_general3A_45 : vector<2000x16xf32>
    %get3A_80 = arith.constant 0 : index
    %get3A_81 = arith.constant 0 : index
    %get3A_82 = vector.load %arg5[%get3A_80, %get3A_81] : memref<2000x16xf32, #tpu.memory_space<vmem>>, vector<2000x16xf32>
    %mul3A_83 = arith.mulf %get3A_82, %dot_general3A_50 : vector<2000x16xf32>
    %add3A_84 = arith.addf %mul3A_79, %mul3A_83 : vector<2000x16xf32>
    %swap3A_85 = arith.constant 0 : index
    %swap3A_86 = arith.constant 0 : index
    %swap3A_87 = vector.load %arg17[%swap3A_85, %swap3A_86] : memref<2000x16xf32, #tpu.memory_space<vmem>>, vector<2000x16xf32>
    tpu.vector_store %arg17[%swap3A_85, %swap3A_86], %add3A_84 {strides = array<i32>} : memref<2000x16xf32, #tpu.memory_space<vmem>>, vector<2000x16xf32>,
    return
  }
  func.func @transform_0(%arg0: i32) -> (i32, i32) {
    %c0_i32 = arith.constant 0 : i32
    %c0_i32_0 = arith.constant 0 : i32
    return %arg0, %c0_i32 : i32, i32
  }
  func.func @transform_1(%arg0: i32) -> (i32, i32) {
    %c0_i32 = arith.constant 0 : i32
    %c0_i32_0 = arith.constant 0 : i32
    return %arg0, %c0_i32 : i32, i32
  }
  func.func @transform_2(%arg0: i32) -> (i32, i32) {
    %c0_i32 = arith.constant 0 : i32
    %c0_i32_0 = arith.constant 0 : i32
    return %arg0, %c0_i32 : i32, i32
  }
  func.func @transform_3(%arg0: i32) -> (i32, i32) {
    %c0_i32 = arith.constant 0 : i32
    %c0_i32_0 = arith.constant 0 : i32
    return %arg0, %c0_i32 : i32, i32
  }
  func.func @transform_4(%arg0: i32) -> (i32, i32) {
    %c0_i32 = arith.constant 0 : i32
    %c0_i32_0 = arith.constant 0 : i32
    return %arg0, %c0_i32 : i32, i32
  }
  func.func @transform_5(%arg0: i32) -> (i32, i32) {
    %c0_i32 = arith.constant 0 : i32
    %c0_i32_0 = arith.constant 0 : i32
    return %arg0, %c0_i32 : i32, i32
  }
  func.func @transform_6(%arg0: i32) -> (i32, i32) {
    %c0_i32 = arith.constant 0 : i32
    %c0_i32_0 = arith.constant 0 : i32
    return %arg0, %c0_i32 : i32, i32
  }
  func.func @transform_7(%arg0: i32) -> (i32, i32) {
    %c0_i32 = arith.constant 0 : i32
    %c0_i32_0 = arith.constant 0 : i32
    %c0_i32_1 = arith.constant 0 : i32
    return %c0_i32, %c0_i32_0 : i32, i32
  }
  func.func @transform_8(%arg0: i32) -> (i32, i32) {
    %c0_i32 = arith.constant 0 : i32
    %c0_i32_0 = arith.constant 0 : i32
    %c0_i32_1 = arith.constant 0 : i32
    return %c0_i32, %c0_i32_0 : i32, i32
  }
  func.func @transform_9(%arg0: i32) -> (i32, i32) {
    %c0_i32 = arith.constant 0 : i32
    %c0_i32_0 = arith.constant 0 : i32
    %c0_i32_1 = arith.constant 0 : i32
    return %c0_i32, %c0_i32_0 : i32, i32
  }
  func.func @transform_10(%arg0: i32) -> (i32, i32) {
    %c0_i32 = arith.constant 0 : i32
    %c0_i32_0 = arith.constant 0 : i32
    %c0_i32_1 = arith.constant 0 : i32
    return %c0_i32, %c0_i32_0 : i32, i32
  }
  func.func @transform_11(%arg0: i32) -> (i32, i32) {
    %c0_i32 = arith.constant 0 : i32
    %c0_i32_0 = arith.constant 0 : i32
    %c0_i32_1 = arith.constant 0 : i32
    return %c0_i32, %c0_i32_0 : i32, i32
  }
  func.func @transform_12(%arg0: i32) -> (i32, i32) {
    %c0_i32 = arith.constant 0 : i32
    %c0_i32_0 = arith.constant 0 : i32
    %c0_i32_1 = arith.constant 0 : i32
    return %c0_i32, %c0_i32_0 : i32, i32
  }
  func.func @transform_13(%arg0: i32) -> (i32, i32) {
    %c0_i32 = arith.constant 0 : i32
    %c0_i32_0 = arith.constant 0 : i32
    return %arg0, %c0_i32 : i32, i32
  }
  func.func @transform_14(%arg0: i32) -> (i32, i32) {
    %c0_i32 = arith.constant 0 : i32
    %c0_i32_0 = arith.constant 0 : i32
    return %arg0, %c0_i32 : i32, i32
  }
  func.func @transform_15(%arg0: i32) -> (i32, i32) {
    %c0_i32 = arith.constant 0 : i32
    %c0_i32_0 = arith.constant 0 : i32
    return %arg0, %c0_i32 : i32, i32
  }
  func.func @transform_16(%arg0: i32) -> (i32, i32) {
    %c0_i32 = arith.constant 0 : i32
    %c0_i32_0 = arith.constant 0 : i32
    return %arg0, %c0_i32 : i32, i32
  }
}

module attributes {stable_mosaic.version = 14 : i64} {
  func.func @body(%arg0: i32, %arg1: memref<2000x16xf32, #tpu.memory_space<vmem>>, %arg2: memref<2000x16xf32, #tpu.memory_space<vmem>>, %arg3: memref<2000x16xf32, #tpu.memory_space<vmem>>, %arg4: memref<2000x16xf32, #tpu.memory_space<vmem>>, %arg5: memref<2000x16xf32, #tpu.memory_space<vmem>>, %arg6: memref<2000x1xf32, #tpu.memory_space<vmem>>, %arg7: memref<16x16xf32, #tpu.memory_space<vmem>>, %arg8: memref<1x16xf32, #tpu.memory_space<vmem>>, %arg9: memref<16x1xf32, #tpu.memory_space<vmem>>, %arg10: memref<2000x1xf32, #tpu.memory_space<vmem>>) attributes {dimension_semantics = [#tpu.dimension_semantics<arbitrary>], iteration_bounds = array<i64: 25>, scalar_prefetch = 0 : i64, scratch_operands = 0 : i64, tpu.core_type = #tpu.core_type<tc>, window_params = [{transform_indices = @transform_0, window_bounds = array<i64: 2000, 16>}, {transform_indices = @transform_1, window_bounds = array<i64: 2000, 16>}, {transform_indices = @transform_2, window_bounds = array<i64: 2000, 16>}, {transform_indices = @transform_3, window_bounds = array<i64: 2000, 16>}, {transform_indices = @transform_4, window_bounds = array<i64: 2000, 16>}, {transform_indices = @transform_5, window_bounds = array<i64: 2000, 1>}, {pipeline_mode = #tpu.pipeline_mode<synchronous>, transform_indices = @transform_6, window_bounds = array<i64: 16, 16>}, {pipeline_mode = #tpu.pipeline_mode<synchronous>, transform_indices = @transform_7, window_bounds = array<i64: 1, 16>}, {pipeline_mode = #tpu.pipeline_mode<synchronous>, transform_indices = @transform_8, window_bounds = array<i64: 16, 1>}, {transform_indices = @transform_9, window_bounds = array<i64: 2000, 1>}]} {
    %get3A = arith.constant 0 : index
    %get3A_0 = arith.constant 0 : index
    %get3A_1 = vector.load %arg3[%get3A, %get3A_0] : memref<2000x16xf32, #tpu.memory_space<vmem>>, vector<2000x16xf32>
    %get3A_2 = arith.constant 0 : index
    %get3A_3 = arith.constant 0 : index
    %get3A_4 = vector.load %arg4[%get3A_2, %get3A_3] : memref<2000x16xf32, #tpu.memory_space<vmem>>, vector<2000x16xf32>
    %get3A_5 = arith.constant 0 : index
    %get3A_6 = arith.constant 0 : index
    %get3A_7 = vector.load %arg5[%get3A_5, %get3A_6] : memref<2000x16xf32, #tpu.memory_space<vmem>>, vector<2000x16xf32>
    %mul3A = arith.mulf %get3A_1, %get3A_1 : vector<2000x16xf32>
    %mul3A_8 = arith.mulf %get3A_4, %get3A_4 : vector<2000x16xf32>
    %add3A = arith.addf %mul3A, %mul3A_8 : vector<2000x16xf32>
    %mul3A_9 = arith.mulf %get3A_7, %get3A_7 : vector<2000x16xf32>
    %add3A_10 = arith.addf %add3A, %mul3A_9 : vector<2000x16xf32>
    %get3A_11 = arith.constant 0 : index
    %get3A_12 = arith.constant 0 : index
    %get3A_13 = vector.load %arg2[%get3A_11, %get3A_12] : memref<2000x16xf32, #tpu.memory_space<vmem>>, vector<2000x16xf32>
    %add3A_14 = arith.addf %add3A_10, %get3A_13 : vector<2000x16xf32>
    %get3A_15 = arith.constant 0 : index
    %get3A_16 = arith.constant 0 : index
    %get3A_17 = vector.load %arg1[%get3A_15, %get3A_16] : memref<2000x16xf32, #tpu.memory_space<vmem>>, vector<2000x16xf32>
    %add3A_18 = arith.addf %get3A_17, %add3A_14 : vector<2000x16xf32>
    %get3A_19 = arith.constant 0 : index
    %get3A_20 = arith.constant 0 : index
    %get3A_21 = vector.load %arg7[%get3A_19, %get3A_20] : memref<16x16xf32, #tpu.memory_space<vmem>>, vector<16x16xf32>
    %dot_general3A = arith.constant dense<0.000000e+00> : vector<2000x16xf32>
    %dot_general3A_22 = tpu.matmul %add3A_18, %get3A_21, %dot_general3A {dimension_numbers = #tpu.dot_dimension_numbers<[1], [0], [0], [1], [0, 0, 1, 1], [], []>, transpose_lhs_hint = false} : vector<2000x16xf32>, vector<16x16xf32>, vector<2000x16xf32> -> vector<2000x16xf32>
    %get3A_23 = arith.constant 0 : index
    %get3A_24 = arith.constant 0 : index
    %get3A_25 = vector.load %arg8[%get3A_23, %get3A_24] : memref<1x16xf32, #tpu.memory_space<vmem>>, vector<1x16xf32>
    %add3A_26 = vector.broadcast %get3A_25 : vector<1x16xf32> to vector<2000x16xf32>
    %add3A_27 = arith.addf %dot_general3A_22, %add3A_26 : vector<2000x16xf32>
    %tanh3A = math.tanh %add3A_27 : vector<2000x16xf32>
    %get3A_28 = arith.constant 0 : index
    %get3A_29 = arith.constant 0 : index
    %get3A_30 = vector.load %arg6[%get3A_28, %get3A_29] : memref<2000x1xf32, #tpu.memory_space<vmem>>, vector<2000x1xf32>
    %get3A_31 = arith.constant 0 : index
    %get3A_32 = arith.constant 0 : index
    %get3A_33 = vector.load %arg9[%get3A_31, %get3A_32] : memref<16x1xf32, #tpu.memory_space<vmem>>, vector<16x1xf32>
    %dot_general3A_34 = arith.constant dense<0.000000e+00> : vector<2000x1xf32>
    %dot_general3A_35 = tpu.matmul %tanh3A, %get3A_33, %dot_general3A_34 {dimension_numbers = #tpu.dot_dimension_numbers<[1], [0], [0], [1], [0, 0, 1, 1], [], []>, transpose_lhs_hint = false} : vector<2000x16xf32>, vector<16x1xf32>, vector<2000x1xf32> -> vector<2000x1xf32>
    %add3A_36 = arith.addf %get3A_30, %dot_general3A_35 : vector<2000x1xf32>
    %swap3A = arith.constant 0 : index
    %swap3A_37 = arith.constant 0 : index
    %swap3A_38 = vector.load %arg10[%swap3A, %swap3A_37] : memref<2000x1xf32, #tpu.memory_space<vmem>>, vector<2000x1xf32>
    tpu.vector_store %arg10[%swap3A, %swap3A_37], %add3A_36 {strides = array<i32>} : memref<2000x1xf32, #tpu.memory_space<vmem>>, vector<2000x1xf32>,
    return
  }
  func.func @transform_0(%arg0: i32) -> (i32, i32) {
    %c0_i32 = arith.constant 0 : i32
    %c0_i32_0 = arith.constant 0 : i32
    return %arg0, %c0_i32 : i32, i32
  }
  func.func @transform_1(%arg0: i32) -> (i32, i32) {
    %c0_i32 = arith.constant 0 : i32
    %c0_i32_0 = arith.constant 0 : i32
    return %arg0, %c0_i32 : i32, i32
  }
  func.func @transform_2(%arg0: i32) -> (i32, i32) {
    %c0_i32 = arith.constant 0 : i32
    %c0_i32_0 = arith.constant 0 : i32
    return %arg0, %c0_i32 : i32, i32
  }
  func.func @transform_3(%arg0: i32) -> (i32, i32) {
    %c0_i32 = arith.constant 0 : i32
    %c0_i32_0 = arith.constant 0 : i32
    return %arg0, %c0_i32 : i32, i32
  }
  func.func @transform_4(%arg0: i32) -> (i32, i32) {
    %c0_i32 = arith.constant 0 : i32
    %c0_i32_0 = arith.constant 0 : i32
    return %arg0, %c0_i32 : i32, i32
  }
  func.func @transform_5(%arg0: i32) -> (i32, i32) {
    %c0_i32 = arith.constant 0 : i32
    %c0_i32_0 = arith.constant 0 : i32
    return %arg0, %c0_i32 : i32, i32
  }
  func.func @transform_6(%arg0: i32) -> (i32, i32) {
    %c0_i32 = arith.constant 0 : i32
    %c0_i32_0 = arith.constant 0 : i32
    %c0_i32_1 = arith.constant 0 : i32
    return %c0_i32, %c0_i32_0 : i32, i32
  }
  func.func @transform_7(%arg0: i32) -> (i32, i32) {
    %c0_i32 = arith.constant 0 : i32
    %c0_i32_0 = arith.constant 0 : i32
    %c0_i32_1 = arith.constant 0 : i32
    return %c0_i32, %c0_i32_0 : i32, i32
  }
  func.func @transform_8(%arg0: i32) -> (i32, i32) {
    %c0_i32 = arith.constant 0 : i32
    %c0_i32_0 = arith.constant 0 : i32
    %c0_i32_1 = arith.constant 0 : i32
    return %c0_i32, %c0_i32_0 : i32, i32
  }
  func.func @transform_9(%arg0: i32) -> (i32, i32) {
    %c0_i32 = arith.constant 0 : i32
    %c0_i32_0 = arith.constant 0 : i32
    return %arg0, %c0_i32 : i32, i32
  }
}

</mosaic_0001>

<sc_bundles>
// kernel: kernel.11.cloned.1.call-start
scs
__scs_entry_jumppad:
0x0: {  	(pc) =	sbr.rel $0x88, $3  }
0x1: {  	(tag) =	ssettag $0x0;
	lr =	simm.s32 $0x1  }
0x2: {  	[smem:$0x3F96] =	sst lr;
	_ =	strace $0xD0000000  }
0x3: {  	_ = 	snop  }
0x4: {  	_ = 	snop  }
0x5: {  	_ = 	snop  }
0x6: {  	_ = 	snop  }
0x7: {  	_ = 	snop  }
__scs_overlays_trampoline_lowered:
0x8: {  	[smem:$0x3FA5] =	sst s0  }
0x9: {  	[smem:$0x3FA6] =	sst s1  }
0xa: {  	[smem:$0x3FA7] =	sst s2  }
0xb: {  	[smem:$0x3FA8] =	sst s3  }
0xc: {  	[smem:$0x3FA9] =	sst s4  }
0xd: {  	[smem:$0x3FAA] =	sst s5  }
0xe: {  	[smem:$0x3FAB] =	sst s6  }
0xf: {  	[smem:$0x3FAC] =	sst s7  }
0x10: {  	[smem:$0x3FAD] =	sst s8  }
0x11: {  	[smem:$0x3FAE] =	sst s9;
	s0 =	simm.s32 @!p0 $0x0  }
0x12: {  	s1 =	sld [smem:$0x3F94];
	s0 =	simm.s32 @p0 $0x1  }
0x13: {  	[smem:$0x3FAF] =	sst s0;
	s0 =	simm.s32 @!p1 $0x0  }
0x14: {  	s2 =	sld [smem:$0x3F93];
	s0 =	simm.s32 @p1 $0x1  }
0x15: {  	[smem:$0x3FB0] =	sst s0;
	s0 =	simm.s32 @!p2 $0x0  }
0x16: {  	s3 =	sld [smem:$0x3FDB];
	s0 =	simm.s32 @p2 $0x1  }
0x17: {  	s4 =	simm.s32 $0x1BF5;
	[smem:$0x3FB2] =	sst s0  }
0x18: {  	s0 =	sld [smem:$0x3F95];
	_ =	swait.ge [sflag:s4], $0x0  }
0x19: {  	s7 =	sld [smem:$0x3F96]  }
0x1a: {  	s8 =	sadd.s32 $0xFFFFE003, lr  }
0x1b: {  	s9 =	sadd.s32 $0xFFFFFEF7, lr;
	s5 =	simm.s32 $0xFFFFFFFF;
	p2 =	slt.u32 s8, $0xFFFFF086  }
0x1c: {  	p1 =	slt.u32 s9, $0xF7A;
	s5 =	simm.s32 @!p2 $0x0  }
0x1d: {  	s5 =	simm.s32 @p1 $0x1;
	p0 =	seq.s32 s7, s2  }
0x1e: {  	s7 =	smul.u32 @!p0 $0xF7A, s2;
	p2 =	seq.s32 @!p0 s5, $0x0  }
0x1f: {  	s9 =	smul.u32 $0xF7A, s1;
	s8 =	simm.s32 @!p0 $0x1BF5;
	p2 =	por !p2, p0  }
0x20: {  	[sflag:s8] =	ssyncset.s32 @!p0 $0xFFFFF086;
	s6 =	sadd.s32 @!p0 s3, s7;
	s7 =	simm.s32 @!p0 $0x108  }
0x21: {  	s3 =	sadd.s32 s3, s9;
	s6 =	sadd.s32 @!p0 $0x88, s6;
	s7 =	simm.s32 @p2 $0x1082  }
0x22: {  	[simem:s7], [sflag:s8] =	dma.local @!p0 [hbm:s6], $0xF7A  }
0x23: {  	s9 =	sor.u32 $0xD0000000, s2;
	s6 =	simm.s32 $0x108;
	_ =	swait.ge @!p0 [sflag:s8], $0x0  }
0x24: {  	s3 =	sadd.s32 $0x88, s3;
	s6 =	simm.s32 @!p1 $0x1082;
	[sflag:s4] =	ssyncset.s32 $0xFFFFF086  }
0x25: {  	[simem:s6], [sflag:s4] =	dma.local [hbm:s3], $0xF7A  }
0x26: {  	[smem:$0x3F96] =	sst s1;
	(tag) =	ssettag s2;
	_ =	strace s9  }
0x27: {  	s1 =	sld [smem:$0x3FA6]  }
0x28: {  	s2 =	sld [smem:$0x3FA7]  }
0x29: {  	s4 =	sld [smem:$0x3FA9]  }
0x2a: {  	p0 =	seq.s32 s5, $0x0;
	s5 =	sld [smem:$0x3FAA]  }
0x2b: {  	s6 =	sld [smem:$0x3FAB]  }
0x2c: {  	s7 =	sld [smem:$0x3FAC]  }
0x2d: {  	s3 =	simm.s32 $0x108;
	s8 =	sld [smem:$0x3FAD]  }
0x2e: {  	s3 =	simm.s32 @!p0 $0x1082;
	s9 =	sld [smem:$0x3FAE]  }
0x2f: {  	lr =	sadd.s32 s0, s3;
	s0 =	sld [smem:$0x3FA5]  }
0x30: {  	s3 =	sld [smem:$0x3FA8]  }
0x31: {  	[smem:$0x3FB1] =	sst s10  }
0x32: {  	s10 =	sld [smem:$0x3FAF];
	_ =	sdelay $0x3  }
0x33: {  	p0 =	seq.s32 s10, $0x1;
	s10 =	sld [smem:$0x3FB1];
	_ =	sdelay $0x3  }
0x34: {  	[smem:$0x3FB1] =	sst s10  }
0x35: {  	s10 =	sld [smem:$0x3FB0];
	_ =	sdelay $0x3  }
0x36: {  	p1 =	seq.s32 s10, $0x1;
	s10 =	sld [smem:$0x3FB1];
	_ =	sdelay $0x3  }
0x37: {  	[smem:$0x3FB1] =	sst s10  }
0x38: {  	s10 =	sld [smem:$0x3FB2]  }
0x39: {  	_ = 	snop;
	(pc) =	sbr.ind lr, $3  }
0x3a: {  	_ = 	snop  }
0x3b: {  	_ = 	snop  }
0x3c: {  	p2 =	seq.s32 s10, $0x1;
	s10 =	sld [smem:$0x3FB1]  }
0x3d: {  	_ =	shalt  }
0x3e: {  	_ =	shalt  }
0x3f: {  	_ =	shalt  }
0x40: {  	_ =	shalt  }
0x41: {  	_ =	shalt  }
0x42: {  	_ =	shalt  }
0x43: {  	_ =	shalt  }
0x44: {  	_ =	shalt  }
0x45: {  	_ =	shalt  }
0x46: {  	_ =	shalt  }
0x47: {  	_ =	shalt  }
0x48: {  	_ =	shalt  }
0x49: {  	_ =	shalt  }
0x4a: {  	_ =	shalt  }
0x4b: {  	_ =	shalt  }
0x4c: {  	_ =	shalt  }
0x4d: {  	_ =	shalt  }
0x4e: {  	_ =	shalt  }
0x4f: {  	_ =	shalt  }
0x50: {  	_ =	shalt  }
0x51: {  	_ =	shalt  }
0x52: {  	_ =	shalt  }
0x53: {  	_ =	shalt  }
0x54: {  	_ =	shalt  }
0x55: {  	_ =	shalt  }
0x56: {  	_ =	shalt  }
0x57: {  	_ =	shalt  }
0x58: {  	_ =	shalt  }
0x59: {  	_ =	shalt  }
0x5a: {  	_ =	shalt  }
0x5b: {  	_ =	shalt  }
0x5c: {  	_ =	shalt  }
0x5d: {  	_ =	shalt  }
0x5e: {  	_ =	shalt  }
0x5f: {  	_ =	shalt  }
0x60: {  	_ =	shalt  }
0x61: {  	_ =	shalt  }
0x62: {  	_ =	shalt  }
0x63: {  	_ =	shalt  }
0x64: {  	_ =	shalt  }
0x65: {  	_ =	shalt  }
0x66: {  	_ =	shalt  }
0x67: {  	_ =	shalt  }
0x68: {  	_ =	shalt  }
0x69: {  	_ =	shalt  }
0x6a: {  	_ =	shalt  }
0x6b: {  	_ =	shalt  }
0x6c: {  	_ =	shalt  }
0x6d: {  	_ =	shalt  }
0x6e: {  	_ =	shalt  }
0x6f: {  	_ =	shalt  }
0x70: {  	_ =	shalt  }
0x71: {  	_ =	shalt  }
0x72: {  	_ =	shalt  }
0x73: {  	_ =	shalt  }
0x74: {  	_ =	shalt  }
0x75: {  	_ =	shalt  }
0x76: {  	_ =	shalt  }
0x77: {  	_ =	shalt  }
0x78: {  	_ =	shalt  }
0x79: {  	_ =	shalt  }
0x7a: {  	_ =	shalt  }
0x7b: {  	_ =	shalt  }
0x7c: {  	_ =	shalt  }
0x7d: {  	_ =	shalt  }
0x7e: {  	_ =	shalt  }
0x7f: {  	_ =	shalt  }
0x80: {  	_ =	shalt  }
0x81: {  	_ =	shalt  }
0x82: {  	_ =	shalt  }
0x83: {  	_ =	shalt  }
0x84: {  	_ =	shalt  }
0x85: {  	_ =	shalt  }
0x86: {  	_ =	shalt  }
0x87: {  	_ =	shalt  }
.Lfunc_end0:
.L_simem_size_0:
called_computation_lowered:
.L_overlay_start_0:
0x88: {  	s2 =	sld [smem:$0x3FD9]  }
0x89: {  	s3 =	sld [smem:$0x3FFE];
	_ =	sdelay $0x1  }
0x8a: {  	s1 =	srdreg.scid  }
0x8b: {  	s0 =	sand.u32 $0x1, s1  }
0x8c: {  	s16 =	sshll.u32 s0, $0xA;
	s2 =	sadd.s32 s3, s2  }
0x8d: {  	s2 =	sadd.s32 s2, s16  }
0x8e: {  	[smem:$0x3FBD] =	sst s2  }
0x8f: {  	_ = 	snop  }
0x90: {  	(tm) =	ssettm $0x1  }
0x91: {  	s17 =	sld [smem:$0x3FFB];
	_ =	sdelay $0x3  }
0x92: {  	_ =	strace s17  }
0x93: {  	s2 =	sld [smem:$0x3FFC];
	_ =	sdelay $0x3  }
0x94: {  	_ =	strace s2  }
0x95: {  	s2 =	sld [smem:$0x3FFD];
	_ =	sdelay $0x3  }
0x96: {  	_ =	strace s2  }
0x97: {  	_ =	strace $0x8FFFFFFF  }
0x98: {  	s18 =	sld [smem:$0x3FDB];
	_ =	sdelay $0x1  }
0x99: {  	s19 =	simm.s32 $_scs_section_size  }
0x9a: {  	s4 =	simm.s32 $_size__tile_overlayer_lowered;
	s5 =	simm.s32 $_tile_overlayer_lowered  }
0x9b: {  	s22 =	simm.s32 $0x1BFF;
	s21 =	sshll.u32 s5, $0x1;
	s2 =	sadd.s32 s19, s18  }
0x9c: {  	s6 =	simm.s32 $0x0;
	s20 =	sshll.u32 s4, $0x1;
	s4 =	sadd.s32 s21, s2  }
0x9d: {  	[timem:s6], [sflag:s22] =	dma.local [hbm:s4], s20  }
0x9e: {  	_ =	swait.ge [sflag:s22], s20  }
0x9f: {  	s3 =	ssub.s32 $0x0, s20;
	[sflag:s22] =	ssyncset.done $0x0  }
0xa0: {  	[sflag:s22] =	ssyncadd.s32 s3;
	_ =	sdelay $0x1  }
0xa1: {  	s23 =	simm.s32 $0x1B8B  }
0xa2: {  	_ =	swait.ge [sflag:s23], $0x1  }
0xa3: {  	[sflag:s23] =	ssyncset.done $0x0  }
0xa4: {  	s25 =	simm.s32 $0x1B8E;
	s24 =	sld [smem:$0x3FFE];
	[sflag:s23] =	ssyncadd.s32 $0xFFFFFFFF  }
0xa5: {  	s26 =	simm.s32 $execute0_lowered;
	[smem:$0x3FD2] =	sst s25  }
0xa6: {  	s4 =	sshll.u32 s26, $0x1;
	_ =	strace $0x80000046;
	[dreg:$0x1] =	wrdreg $0xFFFFFFFF  }
0xa7: {  	s28 =	simm.s32 $_size_execute0_lowered;
	s2 =	sadd.s32 s2, s4;
	[dreg:$0x0] =	wrdreg $0x0  }
0xa8: {  	s4 =	sshll.u32 s28, $0x1;
	[dreg:$0x2] =	wrdreg s2  }
0xa9: {  	[dreg:$0x3] =	wrdreg s4  }
0xaa: {  	[dreg:$0x4] =	wrdreg $0xC0  }
0xab: {  	_ =	task [dreg:s6], $0x5FFFF  }
0xac: {  	[dreg:$0x1] =	wrdreg $0xFFFFFFFF  }
0xad: {  	[dreg:$0x0] =	wrdreg $0x60  }
0xae: {  	[dreg:$0x2] =	wrdreg s24  }
0xaf: {  	[dreg:$0x3] =	wrdreg $0x9  }
0xb0: {  	_ =	task.clear_ibuf [dreg:s6], $0x4FFFF;
	_ =	strace $0x90000046  }
0xb1: {  	s29 =	simm.s32 $0x9;
	_ =	strace $0x80000048  }
0xb2: {  	_ =	swait.ge [sflag:s29], $0x1  }
0xb3: {  	[sflag:s29] =	ssyncadd.s32 $0xFFFFFFFF  }
0xb4: {  	_ =	strace $0x90000048  }
0xb5: {  	_ =	sfence  }
0xb6: {  	s30 =	sld [smem:$0x0];
	_ =	sdelay $0x2  }
0xb7: {  	s31 =	sshll.u32 s1, $0xD;
	s1 =	sshrl.u32 s1, $0x2  }
0xb8: {  	s3 =	sand.u32 $0x4000, s31;
	s1 =	sadd.s32 s1, s30  }
0xb9: {  	s0 =	sor.u32 s3, s0;
	s1 =	sshll.u32 s1, $0x11  }
0xba: {  	s0 =	sor.u32 s1, s0  }
0xbb: {  	s0 =	sadd.s32 $0x8F2B, s0  }
0xbc: {  	[sflag:s0] =	ssyncadd.remote.s32 $0x1  }
0xbd: {  	_ =	sfence.sel $0xFFFF  }
0xbe: {  	[dreg:$0x0] =	wrdreg $0xFFFFFFFF;
	(pc) =	sbr.abs _section_cstart, $3  }
0xbf: {  	[dreg:$0x1] =	wrdreg $0xFFFFFFFF  }
0xc0: {  	_ =	task.clear_ibuf [dreg:s6], $0x2FFFF;
	_ =	strace $0x9FFFFFFF  }
0xc1: {  	(tm) =	ssettm $0x7FFFFFFF  }
tec
execute0_lowered:
.L_overlay_start_1:
0x0: {  	(tag) =	ssettag $0x1  }
0x1: {  	s4 =	rddreg [dreg:$0x0]  }
0x2: {  	s0 =	rddreg [dreg:$0x1];
	s1 =	stileid.u32  }
0x3: {  	s6 =	srdreg.scid;
	s5 =	smul.u32 $0x64, s1  }
0x4: {  	s2 =	simm.s32 $0x0;
	s7 =	smul.u32 $0x640, s1;
	s6 =	sand.u32 $0x1, s6  }
0x5: {  	[smem:$0x7FF] =	sst s2;
	s3 =	sadd.s32 $0xFCE00, s4;
	s9 =	smul.u32 $0x320, s6  }
0x6: {  	_ =	strace $0x80000047;
	s29 =	ssub.s32 $0x2, s6;
	s10 =	smul.u32 $0x32, s6  }
0x7: {  	s8 =	sadd.s32 s5, s4;
	s7 =	sadd.s32 s7, s4;
	s30 =	sshrl.u32 s29, $0x1  }
0x8: {  	s4 =	sshll.u32 s1, $0x1;
	s5 =	ssub.s32 s29, s30;
	s7 =	sadd.s32 s9, s7  }
0x9: {  	s31 =	sadd.s32 s10, s8;
	s5 =	smax.u32 s5, $0x1;
	s6 =	sadd.s32 $0x29C000, s7  }
0xa: {  	s7 =	sadd.s32 $0x115600, s7;
	s8 =	sadd.s32 $0x21000, s31;
	s9 =	sadd.s32 $0x8800, s31  }
.LBB2_1:
0xb: {  	p0 =	sgt.u32 s4, $0x7CF  }
0xc: {  	s11 =	simm.s32 @!p0 $0x0;
	s13 =	simm.s32 @!p0 $0x3;
	p0 =	por p0, p0  }
0xd: {  	[tilespmem:s11], [sflag:$0x3] =	stream.linear.gather @!p0 [hbm4b:s8+s11], $0x190, $0x38;
	[tilespmem:$0x3520] =	vst v63  }
0xe: {  	_ =	swait.ge @!p0 [sflag:s13], $0x190  }
0xf: {  	[sflag:s13] =	ssyncset.done @!p0 $0x0  }
0x10: {  	s10 =	simm.s32 @!p0 $0x190;
	[sflag:s13] =	ssyncadd.s32 @!p0 $0xFFFFFE70  }
0x11: {  	[tilespmem:s10], [sflag:$0x3] =	stream.linear.gather @!p0 [hbm4b:s9+s11], $0x190, $0x38;
	[tilespmem:$0x3520] =	vst v63  }
0x12: {  	_ =	swait.ge @!p0 [sflag:s13], $0x190  }
0x13: {  	[sflag:s13] =	ssyncset.done @!p0 $0x0  }
0x14: {  	s12 =	simm.s32 @!p0 $0x320;
	[sflag:s13] =	ssyncadd.s32 @!p0 $0xFFFFFE70  }
0x15: {  	[tilespmem:s12], [sflag:$0x1] =	stream.indirect.gather @!p0 [hbm4b:s3+s10], $0x10, s11, s10, $0xb8;
	[tilespmem:$0x3520] =	vst v63  }
0x16: {  	s14 =	simm.s32 @!p0 $0x1C20;
	s15 =	simm.s32 @!p0 $0x1  }
0x17: {  	[tilespmem:s14], [sflag:$0x1] =	stream.indirect.gather @!p0 [hbm4b:s3+s10], $0x10, s10, s10, $0xb8;
	[tilespmem:$0x3520] =	vst v63  }
0x18: {  	_ =	swait.ge @!p0 [sflag:s15], $0x1900  }
0x19: {  	[sflag:s15] =	ssyncset.done @!p0 $0x0  }
0x1a: {  	[sflag:s15] =	ssyncadd.s32 @!p0 $0xFFFFE700  }
0x1b: {  	_ =	swait.ge @!p0 [sflag:s15], $0x1900  }
0x1c: {  	[sflag:s15] =	ssyncset.done @!p0 $0x0  }
0x1d: {  	s10 =	sadd.s32 @!p0 $0x0, s6;
	[sflag:s15] =	ssyncadd.s32 @!p0 $0xFFFFE700  }
0x1e: {  	[hbm4b:s10+s11] =	stream.linear.scatter @!p0 [tilespmem:s12], [sflag:$0x3], $0x1900, $0x38;
	[tilespmem:$0x3520] =	vst v63  }
0x1f: {  	_ =	swait.ge @!p0 [sflag:s13], $0x1900  }
0x20: {  	s15 =	simm.s32 @!p0 $0x2;
	s10 =	simm.s32 $0x6400;
	[sflag:s13] =	ssyncset.done @!p0 $0x0  }
0x21: {  	s12 =	simm.s32 $0xC800;
	[sflag:s13] =	ssyncadd.s32 @!p0 $0xFFFFE700;
	s13 =	sadd.s32 @!p0 $0x0, s7  }
0x22: {  	[hbm4b:s13+s11] =	stream.linear.scatter @!p0 [tilespmem:s14], [sflag:$0x2], $0x1900, $0x38;
	[tilespmem:$0x3520] =	vst v63  }
0x23: {  	s11 =	sadd.s32 $0x640, s9;
	s14 =	sadd.s32 $0x20, s4;
	_ =	swait.ge @!p0 [sflag:s15], $0x1900  }
0x24: {  	s13 =	sadd.s32 $0x640, s8;
	p2 =	sgt.u32 s14, $0x7CF;
	[sflag:s15] =	ssyncset.done @!p0 $0x0  }
.LBB2_2:
0x25: {  	s16 =	simm.s32 @!p2 $0x0;
	s17 =	simm.s32 @!p2 $0x3;
	[sflag:s15] =	ssyncadd.s32 @!p0 $0xFFFFE700  }
0x26: {  	s15 =	smov.u32 s10;
	s10 =	smov.u32 s12;
	p0 =	por p2, p2  }
0x27: {  	[tilespmem:s16], [sflag:$0x3] =	stream.linear.gather @!p0 [hbm4b:s13+s16], $0x190, $0x38;
	[tilespmem:$0x3520] =	vst v63  }
0x28: {  	s12 =	sadd.s32 $0x6400, s12;
	_ =	swait.ge @!p0 [sflag:s17], $0x190  }
0x29: {  	p1 =	sne.s32 s12, $0x189C00;
	[sflag:s17] =	ssyncset.done @!p0 $0x0  }
0x2a: {  	s18 =	simm.s32 @!p0 $0x190;
	[sflag:s17] =	ssyncadd.s32 @!p0 $0xFFFFFE70  }
0x2b: {  	[tilespmem:s18], [sflag:$0x3] =	stream.linear.gather @!p0 [hbm4b:s11+s16], $0x190, $0x38;
	[tilespmem:$0x3520] =	vst v63  }
0x2c: {  	_ =	swait.ge @!p0 [sflag:s17], $0x190  }
0x2d: {  	[sflag:s17] =	ssyncset.done @!p0 $0x0  }
0x2e: {  	s19 =	simm.s32 @!p0 $0x320;
	[sflag:s17] =	ssyncadd.s32 @!p0 $0xFFFFFE70  }
0x2f: {  	[tilespmem:s19], [sflag:$0x1] =	stream.indirect.gather @!p0 [hbm4b:s3+s18], $0x10, s16, s18, $0xb8;
	[tilespmem:$0x3520] =	vst v63  }
0x30: {  	s20 =	simm.s32 @!p0 $0x1C20;
	s21 =	simm.s32 @!p0 $0x1  }
0x31: {  	[tilespmem:s20], [sflag:$0x1] =	stream.indirect.gather @!p0 [hbm4b:s3+s18], $0x10, s18, s18, $0xb8;
	[tilespmem:$0x3520] =	vst v63  }
0x32: {  	_ =	swait.ge @!p0 [sflag:s21], $0x1900  }
0x33: {  	[sflag:s21] =	ssyncset.done @!p0 $0x0  }
0x34: {  	[sflag:s21] =	ssyncadd.s32 @!p0 $0xFFFFE700  }
0x35: {  	_ =	swait.ge @!p0 [sflag:s21], $0x1900  }
0x36: {  	[sflag:s21] =	ssyncset.done @!p0 $0x0  }
0x37: {  	s18 =	sadd.s32 @!p0 s15, s6;
	[sflag:s21] =	ssyncadd.s32 @!p0 $0xFFFFE700  }
0x38: {  	[hbm4b:s18+s16] =	stream.linear.scatter @!p0 [tilespmem:s19], [sflag:$0x3], $0x1900, $0x38;
	[tilespmem:$0x3520] =	vst v63  }
0x39: {  	_ =	swait.ge @!p0 [sflag:s17], $0x1900  }
.Ltmp0:
0x3a: {  	[sflag:s17] =	ssyncset.done @!p0 $0x0;
	(pc) =	sbr.rel @p1 .LBB2_2-.Ltmp0, $4  }
0x3b: {  	[sflag:s17] =	ssyncadd.s32 @!p0 $0xFFFFE700;
	s17 =	sadd.s32 @!p0 s15, s7;
	s15 =	simm.s32 @!p0 $0x2  }
0x3c: {  	[hbm4b:s17+s16] =	stream.linear.scatter @!p0 [tilespmem:s20], [sflag:$0x2], $0x1900, $0x38;
	[tilespmem:$0x3520] =	vst v63  }
0x3d: {  	s14 =	sadd.s32 $0x20, s14;
	s11 =	sadd.s32 $0x640, s11;
	_ =	swait.ge @!p0 [sflag:s15], $0x1900  }
0x3e: {  	p2 =	sgt.u32 s14, $0x7CF;
	s13 =	sadd.s32 $0x640, s13;
	[sflag:s15] =	ssyncset.done @!p0 $0x0  }
0x3f: {  	s12 =	simm.s32 @!p2 $0x0  }
0x40: {  	s14 =	simm.s32 @!p2 $0x3;
	[sflag:s15] =	ssyncadd.s32 @!p0 $0xFFFFE700;
	p0 =	por p2, p2  }
0x41: {  	[tilespmem:s12], [sflag:$0x3] =	stream.linear.gather @!p0 [hbm4b:s13+s12], $0x190, $0x38;
	[tilespmem:$0x3520] =	vst v63  }
0x42: {  	_ =	swait.ge @!p0 [sflag:s14], $0x190  }
0x43: {  	[sflag:s14] =	ssyncset.done @!p0 $0x0  }
0x44: {  	s13 =	simm.s32 @!p0 $0x190;
	[sflag:s14] =	ssyncadd.s32 @!p0 $0xFFFFFE70  }
0x45: {  	[tilespmem:s13], [sflag:$0x3] =	stream.linear.gather @!p0 [hbm4b:s11+s12], $0x190, $0x38;
	[tilespmem:$0x3520] =	vst v63  }
0x46: {  	_ =	swait.ge @!p0 [sflag:s14], $0x190  }
0x47: {  	[sflag:s14] =	ssyncset.done @!p0 $0x0  }
0x48: {  	s11 =	simm.s32 @!p0 $0x320;
	[sflag:s14] =	ssyncadd.s32 @!p0 $0xFFFFFE70  }
0x49: {  	[tilespmem:s11], [sflag:$0x1] =	stream.indirect.gather @!p0 [hbm4b:s3+s13], $0x10, s12, s13, $0xb8;
	[tilespmem:$0x3520] =	vst v63  }
0x4a: {  	s15 =	simm.s32 @!p0 $0x1C20;
	s16 =	simm.s32 @!p0 $0x1  }
0x4b: {  	[tilespmem:s15], [sflag:$0x1] =	stream.indirect.gather @!p0 [hbm4b:s3+s13], $0x10, s13, s13, $0xb8;
	[tilespmem:$0x3520] =	vst v63  }
0x4c: {  	_ =	swait.ge @!p0 [sflag:s16], $0x1900  }
0x4d: {  	[sflag:s16] =	ssyncset.done @!p0 $0x0  }
0x4e: {  	[sflag:s16] =	ssyncadd.s32 @!p0 $0xFFFFE700  }
0x4f: {  	_ =	swait.ge @!p0 [sflag:s16], $0x1900  }
0x50: {  	[sflag:s16] =	ssyncset.done @!p0 $0x0  }
0x51: {  	s13 =	sadd.s32 @!p0 s10, s6;
	[sflag:s16] =	ssyncadd.s32 @!p0 $0xFFFFE700  }
0x52: {  	[hbm4b:s13+s12] =	stream.linear.scatter @!p0 [tilespmem:s11], [sflag:$0x3], $0x1900, $0x38;
	[tilespmem:$0x3520] =	vst v63  }
0x53: {  	s2 =	sadd.s32 $0x1, s2;
	_ =	swait.ge @!p0 [sflag:s14], $0x1900  }
0x54: {  	p1 =	sne.s32 s2, s5;
	s10 =	sadd.s32 @!p0 s10, s7;
	[sflag:s14] =	ssyncset.done @!p0 $0x0  }
.Ltmp1:
0x55: {  	s11 =	simm.s32 @!p0 $0x2;
	[sflag:s14] =	ssyncadd.s32 @!p0 $0xFFFFE700;
	(pc) =	sbr.rel @p1 .LBB2_1-.Ltmp1, $4  }
0x56: {  	[hbm4b:s10+s12] =	stream.linear.scatter @!p0 [tilespmem:s15], [sflag:$0x2], $0x1900, $0x38;
	[tilespmem:$0x3520] =	vst v63  }
0x57: {  	_ =	swait.ge @!p0 [sflag:s11], $0x1900  }
0x58: {  	[sflag:s11] =	ssyncset.done @!p0 $0x0  }
0x59: {  	[sflag:s11] =	ssyncadd.s32 @!p0 $0xFFFFE700  }
0x5a: {  	_ =	sfence.sel $0x180000  }
0x5b: {  	[bflag:$0x0] =	sbarrier.arrive $0xFFFF  }
0x5c: {  	p0 =	sne.s32 s1, $0x0;
	_ =	strace $0x90000047  }
0x5d: {  	s0 =	sadd.s32 @!p0 $0x100000, s0;
	[bflag:$0x2] =	sbarrier.arrive $0xFFFF  }
0x5e: {  	[sflag:s0] =	ssyncadd.tile.s32 @!p0 $0x1;
	_ =	shalt  }
.Lfunc_end2:
_tile_overlayer_lowered:
.L_overlay_start_2:
0x5f: {  	(tag) =	ssettag $0x2  }
0x60: {  	s0 =	rddreg [dreg:$0x0];
	s2 =	stileid.u32  }
0x61: {  	s1 =	rddreg [dreg:$0x1];
	p0 =	sne.s32 s2, $0x0  }
0x62: {  	s3 =	rddreg [dreg:$0x2];
	[bflag:$0x3] =	sbarrier.arrive $0xFFFF;
	s2 =	simm.s32 @!p0 $0x1C02  }
0x63: {  	[timem:s3], [sflag:s2] =	dma.local @!p0 [hbm:s0], s1  }
0x64: {  	s0 =	simm.s32 @!p0 $0x2  }
0x65: {  	_ =	swait.ge @!p0 [sflag:s0], s1  }
0x66: {  	s1 =	ssub.s32 @!p0 $0x0, s1;
	[sflag:s0] =	ssyncset.done @!p0 $0x0  }
0x67: {  	[sflag:s0] =	ssyncadd.s32 @!p0 s1  }
0x68: {  	[bflag:$0x3] =	sbarrier.arrive $0xFFFF  }
0x69: {  	_ =	shalt  }

// kernel: kernel.14.cloned.1.call-start
scs
__scs_entry_jumppad:
0x0: {  	(pc) =	sbr.rel $0x88, $3  }
0x1: {  	(tag) =	ssettag $0x0;
	lr =	simm.s32 $0x1  }
0x2: {  	[smem:$0x3F96] =	sst lr;
	_ =	strace $0xD0000000  }
0x3: {  	_ = 	snop  }
0x4: {  	_ = 	snop  }
0x5: {  	_ = 	snop  }
0x6: {  	_ = 	snop  }
0x7: {  	_ = 	snop  }
__scs_overlays_trampoline_lowered:
0x8: {  	[smem:$0x3FA5] =	sst s0  }
0x9: {  	[smem:$0x3FA6] =	sst s1  }
0xa: {  	[smem:$0x3FA7] =	sst s2  }
0xb: {  	[smem:$0x3FA8] =	sst s3  }
0xc: {  	[smem:$0x3FA9] =	sst s4  }
0xd: {  	[smem:$0x3FAA] =	sst s5  }
0xe: {  	[smem:$0x3FAB] =	sst s6  }
0xf: {  	[smem:$0x3FAC] =	sst s7  }
0x10: {  	[smem:$0x3FAD] =	sst s8  }
0x11: {  	[smem:$0x3FAE] =	sst s9;
	s0 =	simm.s32 @!p0 $0x0  }
0x12: {  	s1 =	sld [smem:$0x3F94];
	s0 =	simm.s32 @p0 $0x1  }
0x13: {  	[smem:$0x3FAF] =	sst s0;
	s0 =	simm.s32 @!p1 $0x0  }
0x14: {  	s2 =	sld [smem:$0x3F93];
	s0 =	simm.s32 @p1 $0x1  }
0x15: {  	[smem:$0x3FB0] =	sst s0;
	s0 =	simm.s32 @!p2 $0x0  }
0x16: {  	s3 =	sld [smem:$0x3FDB];
	s0 =	simm.s32 @p2 $0x1  }
0x17: {  	s4 =	simm.s32 $0x1BF5;
	[smem:$0x3FB2] =	sst s0  }
0x18: {  	s0 =	sld [smem:$0x3F95];
	_ =	swait.ge [sflag:s4], $0x0  }
0x19: {  	s7 =	sld [smem:$0x3F96]  }
0x1a: {  	s8 =	sadd.s32 $0xFFFFE003, lr  }
0x1b: {  	s9 =	sadd.s32 $0xFFFFFEF7, lr;
	s5 =	simm.s32 $0xFFFFFFFF;
	p2 =	slt.u32 s8, $0xFFFFF086  }
0x1c: {  	p1 =	slt.u32 s9, $0xF7A;
	s5 =	simm.s32 @!p2 $0x0  }
0x1d: {  	s5 =	simm.s32 @p1 $0x1;
	p0 =	seq.s32 s7, s2  }
0x1e: {  	s7 =	smul.u32 @!p0 $0xF7A, s2;
	p2 =	seq.s32 @!p0 s5, $0x0  }
0x1f: {  	s9 =	smul.u32 $0xF7A, s1;
	s8 =	simm.s32 @!p0 $0x1BF5;
	p2 =	por !p2, p0  }
0x20: {  	[sflag:s8] =	ssyncset.s32 @!p0 $0xFFFFF086;
	s6 =	sadd.s32 @!p0 s3, s7;
	s7 =	simm.s32 @!p0 $0x108  }
0x21: {  	s3 =	sadd.s32 s3, s9;
	s6 =	sadd.s32 @!p0 $0x88, s6;
	s7 =	simm.s32 @p2 $0x1082  }
0x22: {  	[simem:s7], [sflag:s8] =	dma.local @!p0 [hbm:s6], $0xF7A  }
0x23: {  	s9 =	sor.u32 $0xD0000000, s2;
	s6 =	simm.s32 $0x108;
	_ =	swait.ge @!p0 [sflag:s8], $0x0  }
0x24: {  	s3 =	sadd.s32 $0x88, s3;
	s6 =	simm.s32 @!p1 $0x1082;
	[sflag:s4] =	ssyncset.s32 $0xFFFFF086  }
0x25: {  	[simem:s6], [sflag:s4] =	dma.local [hbm:s3], $0xF7A  }
0x26: {  	[smem:$0x3F96] =	sst s1;
	(tag) =	ssettag s2;
	_ =	strace s9  }
0x27: {  	s1 =	sld [smem:$0x3FA6]  }
0x28: {  	s2 =	sld [smem:$0x3FA7]  }
0x29: {  	s4 =	sld [smem:$0x3FA9]  }
0x2a: {  	p0 =	seq.s32 s5, $0x0;
	s5 =	sld [smem:$0x3FAA]  }
0x2b: {  	s6 =	sld [smem:$0x3FAB]  }
0x2c: {  	s7 =	sld [smem:$0x3FAC]  }
0x2d: {  	s3 =	simm.s32 $0x108;
	s8 =	sld [smem:$0x3FAD]  }
0x2e: {  	s3 =	simm.s32 @!p0 $0x1082;
	s9 =	sld [smem:$0x3FAE]  }
0x2f: {  	lr =	sadd.s32 s0, s3;
	s0 =	sld [smem:$0x3FA5]  }
0x30: {  	s3 =	sld [smem:$0x3FA8]  }
0x31: {  	[smem:$0x3FB1] =	sst s10  }
0x32: {  	s10 =	sld [smem:$0x3FAF];
	_ =	sdelay $0x3  }
0x33: {  	p0 =	seq.s32 s10, $0x1;
	s10 =	sld [smem:$0x3FB1];
	_ =	sdelay $0x3  }
0x34: {  	[smem:$0x3FB1] =	sst s10  }
0x35: {  	s10 =	sld [smem:$0x3FB0];
	_ =	sdelay $0x3  }
0x36: {  	p1 =	seq.s32 s10, $0x1;
	s10 =	sld [smem:$0x3FB1];
	_ =	sdelay $0x3  }
0x37: {  	[smem:$0x3FB1] =	sst s10  }
0x38: {  	s10 =	sld [smem:$0x3FB2]  }
0x39: {  	_ = 	snop;
	(pc) =	sbr.ind lr, $3  }
0x3a: {  	_ = 	snop  }
0x3b: {  	_ = 	snop  }
0x3c: {  	p2 =	seq.s32 s10, $0x1;
	s10 =	sld [smem:$0x3FB1]  }
0x3d: {  	_ =	shalt  }
0x3e: {  	_ =	shalt  }
0x3f: {  	_ =	shalt  }
0x40: {  	_ =	shalt  }
0x41: {  	_ =	shalt  }
0x42: {  	_ =	shalt  }
0x43: {  	_ =	shalt  }
0x44: {  	_ =	shalt  }
0x45: {  	_ =	shalt  }
0x46: {  	_ =	shalt  }
0x47: {  	_ =	shalt  }
0x48: {  	_ =	shalt  }
0x49: {  	_ =	shalt  }
0x4a: {  	_ =	shalt  }
0x4b: {  	_ =	shalt  }
0x4c: {  	_ =	shalt  }
0x4d: {  	_ =	shalt  }
0x4e: {  	_ =	shalt  }
0x4f: {  	_ =	shalt  }
0x50: {  	_ =	shalt  }
0x51: {  	_ =	shalt  }
0x52: {  	_ =	shalt  }
0x53: {  	_ =	shalt  }
0x54: {  	_ =	shalt  }
0x55: {  	_ =	shalt  }
0x56: {  	_ =	shalt  }
0x57: {  	_ =	shalt  }
0x58: {  	_ =	shalt  }
0x59: {  	_ =	shalt  }
0x5a: {  	_ =	shalt  }
0x5b: {  	_ =	shalt  }
0x5c: {  	_ =	shalt  }
0x5d: {  	_ =	shalt  }
0x5e: {  	_ =	shalt  }
0x5f: {  	_ =	shalt  }
0x60: {  	_ =	shalt  }
0x61: {  	_ =	shalt  }
0x62: {  	_ =	shalt  }
0x63: {  	_ =	shalt  }
0x64: {  	_ =	shalt  }
0x65: {  	_ =	shalt  }
0x66: {  	_ =	shalt  }
0x67: {  	_ =	shalt  }
0x68: {  	_ =	shalt  }
0x69: {  	_ =	shalt  }
0x6a: {  	_ =	shalt  }
0x6b: {  	_ =	shalt  }
0x6c: {  	_ =	shalt  }
0x6d: {  	_ =	shalt  }
0x6e: {  	_ =	shalt  }
0x6f: {  	_ =	shalt  }
0x70: {  	_ =	shalt  }
0x71: {  	_ =	shalt  }
0x72: {  	_ =	shalt  }
0x73: {  	_ =	shalt  }
0x74: {  	_ =	shalt  }
0x75: {  	_ =	shalt  }
0x76: {  	_ =	shalt  }
0x77: {  	_ =	shalt  }
0x78: {  	_ =	shalt  }
0x79: {  	_ =	shalt  }
0x7a: {  	_ =	shalt  }
0x7b: {  	_ =	shalt  }
0x7c: {  	_ =	shalt  }
0x7d: {  	_ =	shalt  }
0x7e: {  	_ =	shalt  }
0x7f: {  	_ =	shalt  }
0x80: {  	_ =	shalt  }
0x81: {  	_ =	shalt  }
0x82: {  	_ =	shalt  }
0x83: {  	_ =	shalt  }
0x84: {  	_ =	shalt  }
0x85: {  	_ =	shalt  }
0x86: {  	_ =	shalt  }
0x87: {  	_ =	shalt  }
.Lfunc_end0:
.L_simem_size_0:
called_computation.1_lowered:
.L_overlay_start_0:
0x88: {  	s2 =	sld [smem:$0x3FD9]  }
0x89: {  	s3 =	sld [smem:$0x3FFE];
	_ =	sdelay $0x1  }
0x8a: {  	s1 =	srdreg.scid  }
0x8b: {  	s0 =	sand.u32 $0x1, s1  }
0x8c: {  	s16 =	sshll.u32 s0, $0xA;
	s2 =	sadd.s32 s3, s2  }
0x8d: {  	s2 =	sadd.s32 s2, s16  }
0x8e: {  	[smem:$0x3FBD] =	sst s2  }
0x8f: {  	_ = 	snop  }
0x90: {  	(tm) =	ssettm $0x1  }
0x91: {  	s17 =	sld [smem:$0x3FFB];
	_ =	sdelay $0x3  }
0x92: {  	_ =	strace s17  }
0x93: {  	s2 =	sld [smem:$0x3FFC];
	_ =	sdelay $0x3  }
0x94: {  	_ =	strace s2  }
0x95: {  	s2 =	sld [smem:$0x3FFD];
	_ =	sdelay $0x3  }
0x96: {  	_ =	strace s2  }
0x97: {  	_ =	strace $0x8FFFFFFF  }
0x98: {  	s18 =	sld [smem:$0x3FDB];
	_ =	sdelay $0x1  }
0x99: {  	s19 =	simm.s32 $_scs_section_size  }
0x9a: {  	s4 =	simm.s32 $_size__tile_overlayer_lowered;
	s5 =	simm.s32 $_tile_overlayer_lowered  }
0x9b: {  	s22 =	simm.s32 $0x1BFF;
	s21 =	sshll.u32 s5, $0x1;
	s2 =	sadd.s32 s19, s18  }
0x9c: {  	s6 =	simm.s32 $0x0;
	s20 =	sshll.u32 s4, $0x1;
	s4 =	sadd.s32 s21, s2  }
0x9d: {  	[timem:s6], [sflag:s22] =	dma.local [hbm:s4], s20  }
0x9e: {  	_ =	swait.ge [sflag:s22], s20  }
0x9f: {  	s3 =	ssub.s32 $0x0, s20;
	[sflag:s22] =	ssyncset.done $0x0  }
0xa0: {  	[sflag:s22] =	ssyncadd.s32 s3;
	_ =	sdelay $0x1  }
0xa1: {  	s23 =	simm.s32 $0x1B8B  }
0xa2: {  	_ =	swait.ge [sflag:s23], $0x1  }
0xa3: {  	[sflag:s23] =	ssyncset.done $0x0  }
0xa4: {  	s25 =	simm.s32 $0x1B8E;
	s24 =	sld [smem:$0x3FFE];
	[sflag:s23] =	ssyncadd.s32 $0xFFFFFFFF  }
0xa5: {  	s26 =	simm.s32 $execute0_lowered;
	[smem:$0x3FD2] =	sst s25  }
0xa6: {  	s4 =	sshll.u32 s26, $0x1;
	_ =	strace $0x80000049;
	[dreg:$0x1] =	wrdreg $0xFFFFFFFF  }
0xa7: {  	s28 =	simm.s32 $_size_execute0_lowered;
	s2 =	sadd.s32 s2, s4;
	[dreg:$0x0] =	wrdreg $0x0  }
0xa8: {  	s4 =	sshll.u32 s28, $0x1;
	[dreg:$0x2] =	wrdreg s2  }
0xa9: {  	[dreg:$0x3] =	wrdreg s4  }
0xaa: {  	[dreg:$0x4] =	wrdreg $0xC0  }
0xab: {  	_ =	task [dreg:s6], $0x5FFFF  }
0xac: {  	[dreg:$0x1] =	wrdreg $0xFFFFFFFF  }
0xad: {  	[dreg:$0x0] =	wrdreg $0x60  }
0xae: {  	[dreg:$0x2] =	wrdreg s24  }
0xaf: {  	[dreg:$0x3] =	wrdreg $0x0  }
0xb0: {  	[dreg:$0x4] =	wrdreg $0xC3500  }
0xb1: {  	[dreg:$0x5] =	wrdreg $0x9  }
0xb2: {  	_ =	task.clear_ibuf [dreg:s6], $0x6FFFF;
	_ =	strace $0x90000049  }
0xb3: {  	s29 =	simm.s32 $0x9;
	_ =	strace $0x8000004B  }
0xb4: {  	_ =	swait.ge [sflag:s29], $0x1  }
0xb5: {  	[sflag:s29] =	ssyncadd.s32 $0xFFFFFFFF  }
0xb6: {  	_ =	strace $0x9000004B  }
0xb7: {  	_ =	sfence  }
0xb8: {  	s30 =	sld [smem:$0x0];
	_ =	sdelay $0x2  }
0xb9: {  	s31 =	sshll.u32 s1, $0xD;
	s1 =	sshrl.u32 s1, $0x2  }
0xba: {  	s3 =	sand.u32 $0x4000, s31;
	s1 =	sadd.s32 s1, s30  }
0xbb: {  	s0 =	sor.u32 s3, s0;
	s1 =	sshll.u32 s1, $0x11  }
0xbc: {  	s0 =	sor.u32 s1, s0  }
0xbd: {  	s0 =	sadd.s32 $0x8F2B, s0  }
0xbe: {  	[sflag:s0] =	ssyncadd.remote.s32 $0x1  }
0xbf: {  	_ =	sfence.sel $0xFFFF  }
0xc0: {  	[dreg:$0x0] =	wrdreg $0xFFFFFFFF;
	(pc) =	sbr.abs _section_cstart, $3  }
0xc1: {  	[dreg:$0x1] =	wrdreg $0xFFFFFFFF  }
0xc2: {  	_ =	task.clear_ibuf [dreg:s6], $0x2FFFF;
	_ =	strace $0x9FFFFFFF  }
0xc3: {  	(tm) =	ssettm $0x7FFFFFFF  }
tec
execute0_lowered:
.L_overlay_start_1:
0x0: {  	(tag) =	ssettag $0x1  }
0x1: {  	s5 =	rddreg [dreg:$0x0]  }
0x2: {  	s2 =	rddreg [dreg:$0x1]  }
0x3: {  	s3 =	rddreg [dreg:$0x2];
	s0 =	stileid.u32  }
0x4: {  	s4 =	simm.s32 $0x0;
	s28 =	simm.s32 $0x190;
	s6 =	smul.u32 $0x32, s0  }
0x5: {  	[smem:$0x7FF] =	sst s4;
	s18 =	sadd.s32 $0x1E14A00, s5;
	s19 =	sadd.s32 $0x1C8E000, s5  }
0x6: {  	s26 =	srdreg.scid;
	s15 =	sadd.s32 $0x283800, s5;
	s17 =	sadd.s32 $0x1FCC400, s5  }
0x7: {  	s16 =	sadd.s32 $0xFCE00, s5;
	s21 =	sadd.s32 $0x1FB3C00, s5;
	s13 =	smul.u32 $0xC350, s0  }
0x8: {  	s29 =	simm.s32 $0x0;
	s22 =	sadd.s32 $0x1F9B400, s5;
	s23 =	sadd.s32 $0x40A200, s5  }
0x9: {  	s31 =	smul.u32 $0x320, s0;
	_ =	strace $0x8000004A;
	s20 =	sadd.s32 s6, s5  }
0xa: {  	s6 =	sand.u32 $0x1, s26;
	s24 =	sshrl.u32 s13, $0x3;
	s5 =	sadd.s32 s13, s2  }
0xb: {  	s9 =	sadd.s32 $0x2710, s13;
	s11 =	sadd.s32 $0x4E20, s13;
	s14 =	sadd.s32 $0x7530, s13  }
0xc: {  	s25 =	sadd.s32 $0x9C40, s13;
	s26 =	simm.s32 $0x1C840;
	s7 =	ssub.s32 $0x2, s6  }
0xd: {  	p0 =	seq.s32 s6, $0x1;
	s6 =	sadd.s32 s13, s3;
	s8 =	sadd.s32 s9, s2  }
0xe: {  	s9 =	sadd.s32 s9, s3;
	s10 =	sadd.s32 s11, s2;
	s11 =	sadd.s32 s11, s3  }
0xf: {  	s12 =	sadd.s32 s14, s2;
	s13 =	sadd.s32 s14, s3;
	s14 =	sadd.s32 s25, s2  }
0x10: {  	s20 =	sadd.s32 $0x21000, s20;
	s30 =	sshrl.u32 s7, $0x1;
	s18 =	smov.u32 @p0 s15  }
0x11: {  	s15 =	sadd.s32 s25, s3;
	s17 =	smov.u32 @p0 s22;
	s19 =	smov.u32 @p0 s16  }
0x12: {  	s21 =	smov.u32 @p0 s23;
	s22 =	simm.s32 $0x1;
	s23 =	simm.s32 $0x1ADB0  }
0x13: {  	s25 =	simm.s32 $0x1AF40;
	s7 =	ssub.s32 s7, s30;
	s16 =	sadd.s32 s17, s24  }
0x14: {  	s17 =	sadd.s32 s21, s24;
	s18 =	sadd.s32 s31, s18;
	s19 =	sadd.s32 s31, s19  }
0x15: {  	v0 =	vimm.f32 $0.0e+00;
	s21 =	simm.s32 $0x186A0;
	s24 =	simm.s32 $0x2;
	s7 =	smax.u32 s7, $0x1  }
.LBB2_1:
0x16: {  	s30 =	simm.s32 $0x40;
	s31 =	simm.s32 $0x0  }
.LBB2_2:
0x17: {  	p0 =	sne.s32 s30, $0x9C00;
	[tilespmem:s31+$0x186A0] =	vst v0;
	s31 =	smov.u32 s30;
	s30 =	sadd.s32 $0x40, s30  }
.Ltmp0:
0x18: {  	(pc) =	sbr.rel @p0 .LBB2_2-.Ltmp0, $2  }
0x19: {  	_ =	sdelay $0x2  }
0x1a: {  	s31 =	sshra.s32 s31, $0x2  }
0x1b: {  	[tilespmem:s31+$0x186A0] =	vst v0  }
0x1c: {  	[spmem:s5] =	stream.linear.scatter [tilespmem:s21], [sflag:$0x1], $0x2710, $0x38;
	[tilespmem:$0x1E140] =	vst v63  }
0x1d: {  	_ =	swait.ge [sflag:s22], $0x2710  }
0x1e: {  	[sflag:s22] =	ssyncset.done $0x0  }
0x1f: {  	[sflag:s22] =	ssyncadd.s32 $0xFFFFD8F0  }
0x20: {  	[spmem:s6] =	stream.linear.scatter [tilespmem:s21], [sflag:$0x1], $0x2710, $0x38;
	[tilespmem:$0x1E140] =	vst v63  }
0x21: {  	_ =	swait.ge [sflag:s22], $0x2710  }
0x22: {  	[sflag:s22] =	ssyncset.done $0x0  }
0x23: {  	[sflag:s22] =	ssyncadd.s32 $0xFFFFD8F0  }
0x24: {  	[spmem:s8] =	stream.linear.scatter [tilespmem:s21], [sflag:$0x1], $0x2710, $0x38;
	[tilespmem:$0x1E140] =	vst v63  }
0x25: {  	_ =	swait.ge [sflag:s22], $0x2710  }
0x26: {  	[sflag:s22] =	ssyncset.done $0x0  }
0x27: {  	[sflag:s22] =	ssyncadd.s32 $0xFFFFD8F0  }
0x28: {  	[spmem:s9] =	stream.linear.scatter [tilespmem:s21], [sflag:$0x1], $0x2710, $0x38;
	[tilespmem:$0x1E140] =	vst v63  }
0x29: {  	_ =	swait.ge [sflag:s22], $0x2710  }
0x2a: {  	[sflag:s22] =	ssyncset.done $0x0  }
0x2b: {  	[sflag:s22] =	ssyncadd.s32 $0xFFFFD8F0  }
0x2c: {  	[spmem:s10] =	stream.linear.scatter [tilespmem:s21], [sflag:$0x1], $0x2710, $0x38;
	[tilespmem:$0x1E140] =	vst v63  }
0x2d: {  	_ =	swait.ge [sflag:s22], $0x2710  }
0x2e: {  	[sflag:s22] =	ssyncset.done $0x0  }
0x2f: {  	[sflag:s22] =	ssyncadd.s32 $0xFFFFD8F0  }
0x30: {  	[spmem:s11] =	stream.linear.scatter [tilespmem:s21], [sflag:$0x1], $0x2710, $0x38;
	[tilespmem:$0x1E140] =	vst v63  }
0x31: {  	_ =	swait.ge [sflag:s22], $0x2710  }
0x32: {  	[sflag:s22] =	ssyncset.done $0x0  }
0x33: {  	[sflag:s22] =	ssyncadd.s32 $0xFFFFD8F0  }
0x34: {  	[spmem:s12] =	stream.linear.scatter [tilespmem:s21], [sflag:$0x1], $0x2710, $0x38;
	[tilespmem:$0x1E140] =	vst v63  }
0x35: {  	_ =	swait.ge [sflag:s22], $0x2710  }
0x36: {  	[sflag:s22] =	ssyncset.done $0x0  }
0x37: {  	[sflag:s22] =	ssyncadd.s32 $0xFFFFD8F0  }
0x38: {  	[spmem:s13] =	stream.linear.scatter [tilespmem:s21], [sflag:$0x1], $0x2710, $0x38;
	[tilespmem:$0x1E140] =	vst v63  }
0x39: {  	_ =	swait.ge [sflag:s22], $0x2710  }
0x3a: {  	[sflag:s22] =	ssyncset.done $0x0  }
0x3b: {  	[sflag:s22] =	ssyncadd.s32 $0xFFFFD8F0  }
0x3c: {  	[spmem:s14] =	stream.linear.scatter [tilespmem:s21], [sflag:$0x1], $0x2710, $0x38;
	[tilespmem:$0x1E140] =	vst v63  }
0x3d: {  	_ =	swait.ge [sflag:s22], $0x2710  }
0x3e: {  	[sflag:s22] =	ssyncset.done $0x0  }
0x3f: {  	[sflag:s22] =	ssyncadd.s32 $0xFFFFD8F0  }
0x40: {  	[spmem:s15] =	stream.linear.scatter [tilespmem:s21], [sflag:$0x1], $0x2710, $0x38;
	[tilespmem:$0x1E140] =	vst v63  }
0x41: {  	_ =	swait.ge [sflag:s22], $0x2710  }
0x42: {  	[sflag:s22] =	ssyncset.done $0x0  }
0x43: {  	[sflag:s22] =	ssyncadd.s32 $0xFFFFD8F0  }
0x44: {  	[bflag:$0x0] =	sbarrier.arrive $0xFFFF  }
0x45: {  	[tilespmem:s23], [sflag:$0x2] =	stream.linear.gather [hbm4b:s20+s4], $0x190, $0x38;
	[tilespmem:$0x1E140] =	vst v63  }
0x46: {  	_ =	swait.ge [sflag:s24], $0x190  }
0x47: {  	[sflag:s24] =	ssyncset.done $0x0  }
0x48: {  	s30 =	sadd.s32 $0x0, s18;
	[sflag:s24] =	ssyncadd.s32 $0xFFFFFE70  }
0x49: {  	[tilespmem:s25], [sflag:$0x2] =	stream.linear.gather [hbm4b:s30+s4], $0x1900, $0x38;
	[tilespmem:$0x1E140] =	vst v63  }
0x4a: {  	_ =	swait.ge [sflag:s24], $0x1900  }
0x4b: {  	[sflag:s24] =	ssyncset.done $0x0  }
0x4c: {  	s30 =	sadd.s32 $0x0, s19;
	[sflag:s24] =	ssyncadd.s32 $0xFFFFE700  }
0x4d: {  	[tilespmem:s26], [sflag:$0x2] =	stream.linear.gather [hbm4b:s30+s4], $0x1900, $0x38;
	[tilespmem:$0x1E140] =	vst v63  }
0x4e: {  	_ =	swait.ge [sflag:s24], $0x1900  }
0x4f: {  	[sflag:s24] =	ssyncset.done $0x0  }
0x50: {  	[sflag:s24] =	ssyncadd.s32 $0xFFFFE700  }
0x51: {  	[spmem:s2] =	stream.indirect.scatter.add.f32 [tilespmem:s25], [sflag:$0x2], $0x10, s23, s28, $0xb8;
	[tilespmem:$0x1E140] =	vst v63  }
0x52: {  	_ =	swait.ge [sflag:s24], $0x1900  }
0x53: {  	[sflag:s24] =	ssyncset.done $0x0  }
0x54: {  	[sflag:s24] =	ssyncadd.s32 $0xFFFFE700  }
0x55: {  	[spmem:s3] =	stream.indirect.scatter.add.f32 [tilespmem:s26], [sflag:$0x1], $0x10, s23, s28, $0xb8;
	[tilespmem:$0x1E140] =	vst v63  }
0x56: {  	_ =	swait.ge [sflag:s22], $0x1900  }
0x57: {  	s31 =	smov.u32 s20;
	s30 =	simm.s32 $0x3200;
	[sflag:s22] =	ssyncset.done $0x0  }
.LBB2_4:
0x58: {  	p0 =	sne.s32 s30, $0x183800;
	[sflag:s22] =	ssyncadd.s32 $0xFFFFE700;
	s31 =	sadd.s32 $0x320, s31  }
0x59: {  	[tilespmem:s23], [sflag:$0x2] =	stream.linear.gather [hbm4b:s31+s4], $0x190, $0x38;
	[tilespmem:$0x1E140] =	vst v63  }
0x5a: {  	s0 =	smov.u32 s30;
	s30 =	sadd.s32 $0x3200, s30;
	_ =	swait.ge [sflag:s24], $0x190  }
0x5b: {  	[sflag:s24] =	ssyncset.done $0x0  }
0x5c: {  	s1 =	sadd.s32 s0, s18;
	[sflag:s24] =	ssyncadd.s32 $0xFFFFFE70  }
0x5d: {  	[tilespmem:s25], [sflag:$0x2] =	stream.linear.gather [hbm4b:s1+s4], $0x1900, $0x38;
	[tilespmem:$0x1E140] =	vst v63  }
0x5e: {  	_ =	swait.ge [sflag:s24], $0x1900  }
0x5f: {  	[sflag:s24] =	ssyncset.done $0x0  }
0x60: {  	s0 =	sadd.s32 s0, s19;
	[sflag:s24] =	ssyncadd.s32 $0xFFFFE700  }
0x61: {  	[tilespmem:s26], [sflag:$0x2] =	stream.linear.gather [hbm4b:s0+s4], $0x1900, $0x38;
	[tilespmem:$0x1E140] =	vst v63  }
0x62: {  	_ =	swait.ge [sflag:s24], $0x1900  }
0x63: {  	[sflag:s24] =	ssyncset.done $0x0  }
0x64: {  	[sflag:s24] =	ssyncadd.s32 $0xFFFFE700  }
0x65: {  	[spmem:s2] =	stream.indirect.scatter.add.f32 [tilespmem:s25], [sflag:$0x2], $0x10, s23, s28, $0xb8;
	[tilespmem:$0x1E140] =	vst v63  }
0x66: {  	_ =	swait.ge [sflag:s24], $0x1900  }
.Ltmp1:
0x67: {  	[sflag:s24] =	ssyncset.done $0x0;
	(pc) =	sbr.rel @p0 .LBB2_4-.Ltmp1, $4  }
0x68: {  	[sflag:s24] =	ssyncadd.s32 $0xFFFFE700  }
0x69: {  	[spmem:s3] =	stream.indirect.scatter.add.f32 [tilespmem:s26], [sflag:$0x1], $0x10, s23, s28, $0xb8;
	[tilespmem:$0x1E140] =	vst v63  }
0x6a: {  	_ =	swait.ge [sflag:s22], $0x1900  }
0x6b: {  	[sflag:s22] =	ssyncset.done $0x0  }
0x6c: {  	s0 =	stileid.u32  }
0x6d: {  	[sflag:s22] =	ssyncadd.s32 $0xFFFFE700;
	s0 =	sshll.u32 s0, $0x6  }
0x6e: {  	s1 =	sshrl.u32 s5, $0x3;
	[bflag:$0x0] =	sbarrier.arrive $0xFFFF;
	s0 =	sor.u32 $0x1C01, s0  }
0x6f: {  	[hbm:s16], [sflag:s0] =	dma.local [spmem:s1], $0x186A  }
0x70: {  	s29 =	sadd.s32 $0x1, s29;
	_ =	swait.ge [sflag:s22], $0x186A  }
0x71: {  	p0 =	sne.s32 s29, s7;
	[sflag:s22] =	ssyncset.done $0x0  }
.Ltmp2:
0x72: {  	s31 =	sshrl.u32 s6, $0x3;
	[sflag:s22] =	ssyncadd.s32 $0xFFFFE796;
	(pc) =	sbr.rel @p0 .LBB2_1-.Ltmp2, $4  }
0x73: {  	[hbm:s17], [sflag:s0] =	dma.local [spmem:s31], $0x186A  }
0x74: {  	_ =	swait.ge [sflag:s22], $0x186A  }
0x75: {  	[sflag:s22] =	ssyncset.done $0x0  }
0x76: {  	[sflag:s22] =	ssyncadd.s32 $0xFFFFE796  }
0x77: {  	_ =	sfence.sel $0x180000  }
0x78: {  	[bflag:$0x0] =	sbarrier.arrive $0xFFFF  }
0x79: {  	_ =	strace $0x9000004A  }
0x7a: {  	s0 =	stileid.u32;
	[bflag:$0x2] =	sbarrier.arrive $0xFFFF  }
0x7b: {  	p0 =	sne.s32 s0, $0x0;
	s0 =	rddreg [dreg:$0x3]  }
0x7c: {  	s0 =	sadd.s32 @!p0 $0x100000, s0  }
0x7d: {  	[sflag:s0] =	ssyncadd.tile.s32 @!p0 $0x1;
	_ =	shalt  }
.Lfunc_end2:
_tile_overlayer_lowered:
.L_overlay_start_2:
0x7e: {  	(tag) =	ssettag $0x2  }
0x7f: {  	s0 =	rddreg [dreg:$0x0];
	s2 =	stileid.u32  }
0x80: {  	s1 =	rddreg [dreg:$0x1];
	p0 =	sne.s32 s2, $0x0  }
0x81: {  	s3 =	rddreg [dreg:$0x2];
	[bflag:$0x3] =	sbarrier.arrive $0xFFFF;
	s2 =	simm.s32 @!p0 $0x1C01  }
0x82: {  	[timem:s3], [sflag:s2] =	dma.local @!p0 [hbm:s0], s1  }
0x83: {  	s0 =	simm.s32 @!p0 $0x1  }
0x84: {  	_ =	swait.ge @!p0 [sflag:s0], s1  }
0x85: {  	s1 =	ssub.s32 @!p0 $0x0, s1;
	[sflag:s0] =	ssyncset.done @!p0 $0x0  }
0x86: {  	[sflag:s0] =	ssyncadd.s32 @!p0 s1  }
0x87: {  	[bflag:$0x3] =	sbarrier.arrive $0xFFFF  }
0x88: {  	_ =	shalt  }

// kernel: kernel.17.cloned.1.call-start
scs
__scs_entry_jumppad:
0x0: {  	(pc) =	sbr.rel $0x88, $3  }
0x1: {  	(tag) =	ssettag $0x0;
	lr =	simm.s32 $0x1  }
0x2: {  	[smem:$0x3F96] =	sst lr;
	_ =	strace $0xD0000000  }
0x3: {  	_ = 	snop  }
0x4: {  	_ = 	snop  }
0x5: {  	_ = 	snop  }
0x6: {  	_ = 	snop  }
0x7: {  	_ = 	snop  }
__scs_overlays_trampoline_lowered:
0x8: {  	[smem:$0x3FA5] =	sst s0  }
0x9: {  	[smem:$0x3FA6] =	sst s1  }
0xa: {  	[smem:$0x3FA7] =	sst s2  }
0xb: {  	[smem:$0x3FA8] =	sst s3  }
0xc: {  	[smem:$0x3FA9] =	sst s4  }
0xd: {  	[smem:$0x3FAA] =	sst s5  }
0xe: {  	[smem:$0x3FAB] =	sst s6  }
0xf: {  	[smem:$0x3FAC] =	sst s7  }
0x10: {  	[smem:$0x3FAD] =	sst s8  }
0x11: {  	[smem:$0x3FAE] =	sst s9;
	s0 =	simm.s32 @!p0 $0x0  }
0x12: {  	s1 =	sld [smem:$0x3F94];
	s0 =	simm.s32 @p0 $0x1  }
0x13: {  	[smem:$0x3FAF] =	sst s0;
	s0 =	simm.s32 @!p1 $0x0  }
0x14: {  	s2 =	sld [smem:$0x3F93];
	s0 =	simm.s32 @p1 $0x1  }
0x15: {  	[smem:$0x3FB0] =	sst s0;
	s0 =	simm.s32 @!p2 $0x0  }
0x16: {  	s3 =	sld [smem:$0x3FDB];
	s0 =	simm.s32 @p2 $0x1  }
0x17: {  	s4 =	simm.s32 $0x1BF5;
	[smem:$0x3FB2] =	sst s0  }
0x18: {  	s0 =	sld [smem:$0x3F95];
	_ =	swait.ge [sflag:s4], $0x0  }
0x19: {  	s7 =	sld [smem:$0x3F96]  }
0x1a: {  	s8 =	sadd.s32 $0xFFFFE003, lr  }
0x1b: {  	s9 =	sadd.s32 $0xFFFFFEF7, lr;
	s5 =	simm.s32 $0xFFFFFFFF;
	p2 =	slt.u32 s8, $0xFFFFF086  }
0x1c: {  	p1 =	slt.u32 s9, $0xF7A;
	s5 =	simm.s32 @!p2 $0x0  }
0x1d: {  	s5 =	simm.s32 @p1 $0x1;
	p0 =	seq.s32 s7, s2  }
0x1e: {  	s7 =	smul.u32 @!p0 $0xF7A, s2;
	p2 =	seq.s32 @!p0 s5, $0x0  }
0x1f: {  	s9 =	smul.u32 $0xF7A, s1;
	s8 =	simm.s32 @!p0 $0x1BF5;
	p2 =	por !p2, p0  }
0x20: {  	[sflag:s8] =	ssyncset.s32 @!p0 $0xFFFFF086;
	s6 =	sadd.s32 @!p0 s3, s7;
	s7 =	simm.s32 @!p0 $0x108  }
0x21: {  	s3 =	sadd.s32 s3, s9;
	s6 =	sadd.s32 @!p0 $0x88, s6;
	s7 =	simm.s32 @p2 $0x1082  }
0x22: {  	[simem:s7], [sflag:s8] =	dma.local @!p0 [hbm:s6], $0xF7A  }
0x23: {  	s9 =	sor.u32 $0xD0000000, s2;
	s6 =	simm.s32 $0x108;
	_ =	swait.ge @!p0 [sflag:s8], $0x0  }
0x24: {  	s3 =	sadd.s32 $0x88, s3;
	s6 =	simm.s32 @!p1 $0x1082;
	[sflag:s4] =	ssyncset.s32 $0xFFFFF086  }
0x25: {  	[simem:s6], [sflag:s4] =	dma.local [hbm:s3], $0xF7A  }
0x26: {  	[smem:$0x3F96] =	sst s1;
	(tag) =	ssettag s2;
	_ =	strace s9  }
0x27: {  	s1 =	sld [smem:$0x3FA6]  }
0x28: {  	s2 =	sld [smem:$0x3FA7]  }
0x29: {  	s4 =	sld [smem:$0x3FA9]  }
0x2a: {  	p0 =	seq.s32 s5, $0x0;
	s5 =	sld [smem:$0x3FAA]  }
0x2b: {  	s6 =	sld [smem:$0x3FAB]  }
0x2c: {  	s7 =	sld [smem:$0x3FAC]  }
0x2d: {  	s3 =	simm.s32 $0x108;
	s8 =	sld [smem:$0x3FAD]  }
0x2e: {  	s3 =	simm.s32 @!p0 $0x1082;
	s9 =	sld [smem:$0x3FAE]  }
0x2f: {  	lr =	sadd.s32 s0, s3;
	s0 =	sld [smem:$0x3FA5]  }
0x30: {  	s3 =	sld [smem:$0x3FA8]  }
0x31: {  	[smem:$0x3FB1] =	sst s10  }
0x32: {  	s10 =	sld [smem:$0x3FAF];
	_ =	sdelay $0x3  }
0x33: {  	p0 =	seq.s32 s10, $0x1;
	s10 =	sld [smem:$0x3FB1];
	_ =	sdelay $0x3  }
0x34: {  	[smem:$0x3FB1] =	sst s10  }
0x35: {  	s10 =	sld [smem:$0x3FB0];
	_ =	sdelay $0x3  }
0x36: {  	p1 =	seq.s32 s10, $0x1;
	s10 =	sld [smem:$0x3FB1];
	_ =	sdelay $0x3  }
0x37: {  	[smem:$0x3FB1] =	sst s10  }
0x38: {  	s10 =	sld [smem:$0x3FB2]  }
0x39: {  	_ = 	snop;
	(pc) =	sbr.ind lr, $3  }
0x3a: {  	_ = 	snop  }
0x3b: {  	_ = 	snop  }
0x3c: {  	p2 =	seq.s32 s10, $0x1;
	s10 =	sld [smem:$0x3FB1]  }
0x3d: {  	_ =	shalt  }
0x3e: {  	_ =	shalt  }
0x3f: {  	_ =	shalt  }
0x40: {  	_ =	shalt  }
0x41: {  	_ =	shalt  }
0x42: {  	_ =	shalt  }
0x43: {  	_ =	shalt  }
0x44: {  	_ =	shalt  }
0x45: {  	_ =	shalt  }
0x46: {  	_ =	shalt  }
0x47: {  	_ =	shalt  }
0x48: {  	_ =	shalt  }
0x49: {  	_ =	shalt  }
0x4a: {  	_ =	shalt  }
0x4b: {  	_ =	shalt  }
0x4c: {  	_ =	shalt  }
0x4d: {  	_ =	shalt  }
0x4e: {  	_ =	shalt  }
0x4f: {  	_ =	shalt  }
0x50: {  	_ =	shalt  }
0x51: {  	_ =	shalt  }
0x52: {  	_ =	shalt  }
0x53: {  	_ =	shalt  }
0x54: {  	_ =	shalt  }
0x55: {  	_ =	shalt  }
0x56: {  	_ =	shalt  }
0x57: {  	_ =	shalt  }
0x58: {  	_ =	shalt  }
0x59: {  	_ =	shalt  }
0x5a: {  	_ =	shalt  }
0x5b: {  	_ =	shalt  }
0x5c: {  	_ =	shalt  }
0x5d: {  	_ =	shalt  }
0x5e: {  	_ =	shalt  }
0x5f: {  	_ =	shalt  }
0x60: {  	_ =	shalt  }
0x61: {  	_ =	shalt  }
0x62: {  	_ =	shalt  }
0x63: {  	_ =	shalt  }
0x64: {  	_ =	shalt  }
0x65: {  	_ =	shalt  }
0x66: {  	_ =	shalt  }
0x67: {  	_ =	shalt  }
0x68: {  	_ =	shalt  }
0x69: {  	_ =	shalt  }
0x6a: {  	_ =	shalt  }
0x6b: {  	_ =	shalt  }
0x6c: {  	_ =	shalt  }
0x6d: {  	_ =	shalt  }
0x6e: {  	_ =	shalt  }
0x6f: {  	_ =	shalt  }
0x70: {  	_ =	shalt  }
0x71: {  	_ =	shalt  }
0x72: {  	_ =	shalt  }
0x73: {  	_ =	shalt  }
0x74: {  	_ =	shalt  }
0x75: {  	_ =	shalt  }
0x76: {  	_ =	shalt  }
0x77: {  	_ =	shalt  }
0x78: {  	_ =	shalt  }
0x79: {  	_ =	shalt  }
0x7a: {  	_ =	shalt  }
0x7b: {  	_ =	shalt  }
0x7c: {  	_ =	shalt  }
0x7d: {  	_ =	shalt  }
0x7e: {  	_ =	shalt  }
0x7f: {  	_ =	shalt  }
0x80: {  	_ =	shalt  }
0x81: {  	_ =	shalt  }
0x82: {  	_ =	shalt  }
0x83: {  	_ =	shalt  }
0x84: {  	_ =	shalt  }
0x85: {  	_ =	shalt  }
0x86: {  	_ =	shalt  }
0x87: {  	_ =	shalt  }
.Lfunc_end0:
.L_simem_size_0:
called_computation.2_lowered:
.L_overlay_start_0:
0x88: {  	s2 =	sld [smem:$0x3FD9]  }
0x89: {  	s3 =	sld [smem:$0x3FFE];
	_ =	sdelay $0x1  }
0x8a: {  	s1 =	srdreg.scid  }
0x8b: {  	s0 =	sand.u32 $0x1, s1  }
0x8c: {  	s16 =	sshll.u32 s0, $0xA;
	s2 =	sadd.s32 s3, s2  }
0x8d: {  	s2 =	sadd.s32 s2, s16  }
0x8e: {  	[smem:$0x3FBD] =	sst s2  }
0x8f: {  	_ = 	snop  }
0x90: {  	(tm) =	ssettm $0x1  }
0x91: {  	s17 =	sld [smem:$0x3FFB];
	_ =	sdelay $0x3  }
0x92: {  	_ =	strace s17  }
0x93: {  	s2 =	sld [smem:$0x3FFC];
	_ =	sdelay $0x3  }
0x94: {  	_ =	strace s2  }
0x95: {  	s2 =	sld [smem:$0x3FFD];
	_ =	sdelay $0x3  }
0x96: {  	_ =	strace s2  }
0x97: {  	_ =	strace $0x8FFFFFFF  }
0x98: {  	s18 =	sld [smem:$0x3FDB];
	_ =	sdelay $0x1  }
0x99: {  	s19 =	simm.s32 $_scs_section_size  }
0x9a: {  	s4 =	simm.s32 $_size__tile_overlayer_lowered;
	s5 =	simm.s32 $_tile_overlayer_lowered  }
0x9b: {  	s22 =	simm.s32 $0x1BFF;
	s21 =	sshll.u32 s5, $0x1;
	s2 =	sadd.s32 s19, s18  }
0x9c: {  	s6 =	simm.s32 $0x0;
	s20 =	sshll.u32 s4, $0x1;
	s4 =	sadd.s32 s21, s2  }
0x9d: {  	[timem:s6], [sflag:s22] =	dma.local [hbm:s4], s20  }
0x9e: {  	_ =	swait.ge [sflag:s22], s20  }
0x9f: {  	s3 =	ssub.s32 $0x0, s20;
	[sflag:s22] =	ssyncset.done $0x0  }
0xa0: {  	[sflag:s22] =	ssyncadd.s32 s3;
	_ =	sdelay $0x1  }
0xa1: {  	s23 =	simm.s32 $0x1B8B  }
0xa2: {  	_ =	swait.ge [sflag:s23], $0x1  }
0xa3: {  	[sflag:s23] =	ssyncset.done $0x0  }
0xa4: {  	s25 =	simm.s32 $0x1B8E;
	s24 =	sld [smem:$0x3FFE];
	[sflag:s23] =	ssyncadd.s32 $0xFFFFFFFF  }
0xa5: {  	s26 =	simm.s32 $execute0_lowered;
	[smem:$0x3FD2] =	sst s25  }
0xa6: {  	s4 =	sshll.u32 s26, $0x1;
	_ =	strace $0x8000004C;
	[dreg:$0x1] =	wrdreg $0xFFFFFFFF  }
0xa7: {  	s28 =	simm.s32 $_size_execute0_lowered;
	s2 =	sadd.s32 s2, s4;
	[dreg:$0x0] =	wrdreg $0x0  }
0xa8: {  	s4 =	sshll.u32 s28, $0x1;
	[dreg:$0x2] =	wrdreg s2  }
0xa9: {  	[dreg:$0x3] =	wrdreg s4  }
0xaa: {  	[dreg:$0x4] =	wrdreg $0xC0  }
0xab: {  	_ =	task [dreg:s6], $0x5FFFF  }
0xac: {  	[dreg:$0x1] =	wrdreg $0xFFFFFFFF  }
0xad: {  	[dreg:$0x0] =	wrdreg $0x60  }
0xae: {  	[dreg:$0x2] =	wrdreg s24  }
0xaf: {  	[dreg:$0x3] =	wrdreg $0x9  }
0xb0: {  	_ =	task.clear_ibuf [dreg:s6], $0x4FFFF;
	_ =	strace $0x9000004C  }
0xb1: {  	s29 =	simm.s32 $0x9;
	_ =	strace $0x8000004E  }
0xb2: {  	_ =	swait.ge [sflag:s29], $0x1  }
0xb3: {  	[sflag:s29] =	ssyncadd.s32 $0xFFFFFFFF  }
0xb4: {  	_ =	strace $0x9000004E  }
0xb5: {  	_ =	sfence  }
0xb6: {  	s30 =	sld [smem:$0x0];
	_ =	sdelay $0x2  }
0xb7: {  	s31 =	sshll.u32 s1, $0xD;
	s1 =	sshrl.u32 s1, $0x2  }
0xb8: {  	s3 =	sand.u32 $0x4000, s31;
	s1 =	sadd.s32 s1, s30  }
0xb9: {  	s0 =	sor.u32 s3, s0;
	s1 =	sshll.u32 s1, $0x11  }
0xba: {  	s0 =	sor.u32 s1, s0  }
0xbb: {  	s0 =	sadd.s32 $0x8F2B, s0  }
0xbc: {  	[sflag:s0] =	ssyncadd.remote.s32 $0x1  }
0xbd: {  	_ =	sfence.sel $0xFFFF  }
0xbe: {  	[dreg:$0x0] =	wrdreg $0xFFFFFFFF;
	(pc) =	sbr.abs _section_cstart, $3  }
0xbf: {  	[dreg:$0x1] =	wrdreg $0xFFFFFFFF  }
0xc0: {  	_ =	task.clear_ibuf [dreg:s6], $0x2FFFF;
	_ =	strace $0x9FFFFFFF  }
0xc1: {  	(tm) =	ssettm $0x7FFFFFFF  }
tec
execute0_lowered:
.L_overlay_start_1:
0x0: {  	(tag) =	ssettag $0x1  }
0x1: {  	s7 =	rddreg [dreg:$0x0]  }
0x2: {  	s0 =	rddreg [dreg:$0x1]  }
0x3: {  	s2 =	simm.s32 $0x0;
	s1 =	stileid.u32;
	s5 =	srdreg.scid  }
0x4: {  	[smem:$0x7FF] =	sst s2;
	s3 =	sadd.s32 $0x1CBF000, s7;
	s8 =	smul.u32 $0x64, s1  }
0x5: {  	s4 =	sadd.s32 $0x1CA6800, s7;
	s9 =	sand.u32 $0x1, s5;
	s10 =	smul.u32 $0x640, s1  }
0x6: {  	s5 =	sadd.s32 $0x1C8E000, s7;
	s6 =	sadd.s32 $0x39800, s7;
	s13 =	smul.u32 $0x320, s9  }
0x7: {  	_ =	strace $0x8000004D;
	s11 =	ssub.s32 $0x2, s9;
	s15 =	smul.u32 $0x32, s9  }
0x8: {  	s12 =	sshrl.u32 s11, $0x1;
	s14 =	sadd.s32 s8, s7;
	s30 =	sadd.s32 s10, s7  }
0x9: {  	s7 =	sshll.u32 s1, $0x1;
	s31 =	ssub.s32 s11, s12;
	s13 =	sadd.s32 s13, s30  }
0xa: {  	s15 =	sadd.s32 s15, s14;
	s9 =	sadd.s32 $0x22A8E00, s13;
	s10 =	sadd.s32 $0x2122400, s13  }
0xb: {  	s8 =	smax.u32 s31, $0x1;
	s11 =	sadd.s32 $0x1D8A00, s13;
	s12 =	sadd.s32 $0x52000, s13  }
0xc: {  	s13 =	sadd.s32 $0x1CD7800, s13;
	s14 =	sadd.s32 $0x21000, s15;
	s15 =	sadd.s32 $0x8800, s15  }
.LBB2_1:
0xd: {  	p0 =	sgt.u32 s7, $0x7CF  }
0xe: {  	s17 =	simm.s32 @!p0 $0x0;
	s19 =	simm.s32 @!p0 $0x3;
	p0 =	por p0, p0  }
0xf: {  	[tilespmem:s17], [sflag:$0x3] =	stream.linear.gather @!p0 [hbm4b:s14+s17], $0x190, $0x38;
	[tilespmem:$0x8020] =	vst v63  }
0x10: {  	_ =	swait.ge @!p0 [sflag:s19], $0x190  }
0x11: {  	[sflag:s19] =	ssyncset.done @!p0 $0x0  }
0x12: {  	s16 =	simm.s32 @!p0 $0x190;
	[sflag:s19] =	ssyncadd.s32 @!p0 $0xFFFFFE70  }
0x13: {  	[tilespmem:s16], [sflag:$0x3] =	stream.linear.gather @!p0 [hbm4b:s15+s17], $0x190, $0x38;
	[tilespmem:$0x8020] =	vst v63  }
0x14: {  	_ =	swait.ge @!p0 [sflag:s19], $0x190  }
0x15: {  	[sflag:s19] =	ssyncset.done @!p0 $0x0  }
0x16: {  	s18 =	simm.s32 @!p0 $0x320;
	[sflag:s19] =	ssyncadd.s32 @!p0 $0xFFFFFE70  }
0x17: {  	[tilespmem:s18], [sflag:$0x1] =	stream.indirect.gather @!p0 [hbm4b:s3+s16], $0x10, s17, s16, $0xb8;
	[tilespmem:$0x8020] =	vst v63  }
0x18: {  	s20 =	simm.s32 @!p0 $0x1C20  }
0x19: {  	[tilespmem:s20], [sflag:$0x1] =	stream.indirect.gather @!p0 [hbm4b:s3+s16], $0x10, s16, s16, $0xb8;
	[tilespmem:$0x8020] =	vst v63  }
0x1a: {  	s21 =	simm.s32 @!p0 $0x3520  }
0x1b: {  	[tilespmem:s21], [sflag:$0x1] =	stream.indirect.gather @!p0 [hbm4b:s4+s16], $0x10, s16, s16, $0xb8;
	[tilespmem:$0x8020] =	vst v63  }
0x1c: {  	s22 =	simm.s32 @!p0 $0x4E20  }
0x1d: {  	[tilespmem:s22], [sflag:$0x1] =	stream.indirect.gather @!p0 [hbm4b:s5+s16], $0x10, s16, s16, $0xb8;
	[tilespmem:$0x8020] =	vst v63  }
0x1e: {  	s24 =	simm.s32 @!p0 $0x6720;
	s23 =	simm.s32 @!p0 $0x1  }
0x1f: {  	[tilespmem:s24], [sflag:$0x1] =	stream.indirect.gather @!p0 [hbm4b:s6+s16], $0x10, s16, s16, $0xb8;
	[tilespmem:$0x8020] =	vst v63  }
0x20: {  	_ =	swait.ge @!p0 [sflag:s23], $0x1900  }
0x21: {  	[sflag:s23] =	ssyncset.done @!p0 $0x0  }
0x22: {  	[sflag:s23] =	ssyncadd.s32 @!p0 $0xFFFFE700  }
0x23: {  	_ =	swait.ge @!p0 [sflag:s23], $0x1900  }
0x24: {  	[sflag:s23] =	ssyncset.done @!p0 $0x0  }
0x25: {  	[sflag:s23] =	ssyncadd.s32 @!p0 $0xFFFFE700  }
0x26: {  	_ =	swait.ge @!p0 [sflag:s23], $0x1900  }
0x27: {  	[sflag:s23] =	ssyncset.done @!p0 $0x0  }
0x28: {  	[sflag:s23] =	ssyncadd.s32 @!p0 $0xFFFFE700  }
0x29: {  	_ =	swait.ge @!p0 [sflag:s23], $0x1900  }
0x2a: {  	[sflag:s23] =	ssyncset.done @!p0 $0x0  }
0x2b: {  	[sflag:s23] =	ssyncadd.s32 @!p0 $0xFFFFE700  }
0x2c: {  	_ =	swait.ge @!p0 [sflag:s23], $0x1900  }
0x2d: {  	[sflag:s23] =	ssyncset.done @!p0 $0x0  }
0x2e: {  	s16 =	sadd.s32 @!p0 $0x0, s9;
	[sflag:s23] =	ssyncadd.s32 @!p0 $0xFFFFE700  }
0x2f: {  	[hbm4b:s16+s17] =	stream.linear.scatter @!p0 [tilespmem:s18], [sflag:$0x3], $0x1900, $0x38;
	[tilespmem:$0x8020] =	vst v63  }
0x30: {  	_ =	swait.ge @!p0 [sflag:s19], $0x1900  }
0x31: {  	[sflag:s19] =	ssyncset.done @!p0 $0x0  }
0x32: {  	s16 =	sadd.s32 @!p0 $0x0, s10;
	[sflag:s19] =	ssyncadd.s32 @!p0 $0xFFFFE700  }
0x33: {  	[hbm4b:s16+s17] =	stream.linear.scatter @!p0 [tilespmem:s20], [sflag:$0x3], $0x1900, $0x38;
	[tilespmem:$0x8020] =	vst v63  }
0x34: {  	_ =	swait.ge @!p0 [sflag:s19], $0x1900  }
0x35: {  	[sflag:s19] =	ssyncset.done @!p0 $0x0  }
0x36: {  	s16 =	sadd.s32 @!p0 $0x0, s11;
	[sflag:s19] =	ssyncadd.s32 @!p0 $0xFFFFE700  }
0x37: {  	[hbm4b:s16+s17] =	stream.linear.scatter @!p0 [tilespmem:s21], [sflag:$0x3], $0x1900, $0x38;
	[tilespmem:$0x8020] =	vst v63  }
0x38: {  	_ =	swait.ge @!p0 [sflag:s19], $0x1900  }
0x39: {  	[sflag:s19] =	ssyncset.done @!p0 $0x0  }
0x3a: {  	s16 =	sadd.s32 @!p0 $0x0, s12;
	[sflag:s19] =	ssyncadd.s32 @!p0 $0xFFFFE700  }
0x3b: {  	[hbm4b:s16+s17] =	stream.linear.scatter @!p0 [tilespmem:s22], [sflag:$0x3], $0x1900, $0x38;
	[tilespmem:$0x8020] =	vst v63  }
0x3c: {  	_ =	swait.ge @!p0 [sflag:s19], $0x1900  }
0x3d: {  	s23 =	simm.s32 @!p0 $0x2;
	s18 =	simm.s32 $0xC800;
	[sflag:s19] =	ssyncset.done @!p0 $0x0  }
0x3e: {  	s20 =	sadd.s32 $0x20, s7;
	[sflag:s19] =	ssyncadd.s32 @!p0 $0xFFFFE700;
	s19 =	sadd.s32 @!p0 $0x0, s13  }
0x3f: {  	[hbm4b:s19+s17] =	stream.linear.scatter @!p0 [tilespmem:s24], [sflag:$0x2], $0x1900, $0x38;
	[tilespmem:$0x8020] =	vst v63  }
0x40: {  	p2 =	sgt.u32 s20, $0x7CF;
	s16 =	simm.s32 $0x6400;
	_ =	swait.ge @!p0 [sflag:s23], $0x1900  }
0x41: {  	s17 =	sadd.s32 $0x640, s15;
	s19 =	sadd.s32 $0x640, s14;
	[sflag:s23] =	ssyncset.done @!p0 $0x0  }
.LBB2_2:
0x42: {  	s21 =	simm.s32 @!p2 $0x0;
	s22 =	simm.s32 @!p2 $0x3;
	[sflag:s23] =	ssyncadd.s32 @!p0 $0xFFFFE700  }
0x43: {  	s23 =	smov.u32 s16;
	s16 =	smov.u32 s18;
	p0 =	por p2, p2  }
0x44: {  	[tilespmem:s21], [sflag:$0x3] =	stream.linear.gather @!p0 [hbm4b:s19+s21], $0x190, $0x38;
	[tilespmem:$0x8020] =	vst v63  }
0x45: {  	s18 =	sadd.s32 $0x6400, s18;
	_ =	swait.ge @!p0 [sflag:s22], $0x190  }
0x46: {  	p1 =	sne.s32 s18, $0x189C00;
	[sflag:s22] =	ssyncset.done @!p0 $0x0  }
0x47: {  	s26 =	simm.s32 @!p0 $0x190;
	[sflag:s22] =	ssyncadd.s32 @!p0 $0xFFFFFE70  }
0x48: {  	[tilespmem:s26], [sflag:$0x3] =	stream.linear.gather @!p0 [hbm4b:s17+s21], $0x190, $0x38;
	[tilespmem:$0x8020] =	vst v63  }
0x49: {  	_ =	swait.ge @!p0 [sflag:s22], $0x190  }
0x4a: {  	[sflag:s22] =	ssyncset.done @!p0 $0x0  }
0x4b: {  	s28 =	simm.s32 @!p0 $0x320;
	[sflag:s22] =	ssyncadd.s32 @!p0 $0xFFFFFE70  }
0x4c: {  	[tilespmem:s28], [sflag:$0x1] =	stream.indirect.gather @!p0 [hbm4b:s3+s26], $0x10, s21, s26, $0xb8;
	[tilespmem:$0x8020] =	vst v63  }
0x4d: {  	s29 =	simm.s32 @!p0 $0x1C20  }
0x4e: {  	[tilespmem:s29], [sflag:$0x1] =	stream.indirect.gather @!p0 [hbm4b:s3+s26], $0x10, s26, s26, $0xb8;
	[tilespmem:$0x8020] =	vst v63  }
0x4f: {  	s30 =	simm.s32 @!p0 $0x3520  }
0x50: {  	[tilespmem:s30], [sflag:$0x1] =	stream.indirect.gather @!p0 [hbm4b:s4+s26], $0x10, s26, s26, $0xb8;
	[tilespmem:$0x8020] =	vst v63  }
0x51: {  	s25 =	simm.s32 @!p0 $0x4E20  }
0x52: {  	[tilespmem:s25], [sflag:$0x1] =	stream.indirect.gather @!p0 [hbm4b:s5+s26], $0x10, s26, s26, $0xb8;
	[tilespmem:$0x8020] =	vst v63  }
0x53: {  	s24 =	simm.s32 @!p0 $0x6720;
	s31 =	simm.s32 @!p0 $0x1  }
0x54: {  	[tilespmem:s24], [sflag:$0x1] =	stream.indirect.gather @!p0 [hbm4b:s6+s26], $0x10, s26, s26, $0xb8;
	[tilespmem:$0x8020] =	vst v63  }
0x55: {  	_ =	swait.ge @!p0 [sflag:s31], $0x1900  }
0x56: {  	[sflag:s31] =	ssyncset.done @!p0 $0x0  }
0x57: {  	[sflag:s31] =	ssyncadd.s32 @!p0 $0xFFFFE700  }
0x58: {  	_ =	swait.ge @!p0 [sflag:s31], $0x1900  }
0x59: {  	[sflag:s31] =	ssyncset.done @!p0 $0x0  }
0x5a: {  	[sflag:s31] =	ssyncadd.s32 @!p0 $0xFFFFE700  }
0x5b: {  	_ =	swait.ge @!p0 [sflag:s31], $0x1900  }
0x5c: {  	[sflag:s31] =	ssyncset.done @!p0 $0x0  }
0x5d: {  	[sflag:s31] =	ssyncadd.s32 @!p0 $0xFFFFE700  }
0x5e: {  	_ =	swait.ge @!p0 [sflag:s31], $0x1900  }
0x5f: {  	[sflag:s31] =	ssyncset.done @!p0 $0x0  }
0x60: {  	[sflag:s31] =	ssyncadd.s32 @!p0 $0xFFFFE700  }
0x61: {  	_ =	swait.ge @!p0 [sflag:s31], $0x1900  }
0x62: {  	[sflag:s31] =	ssyncset.done @!p0 $0x0  }
0x63: {  	s26 =	sadd.s32 @!p0 s23, s9;
	[sflag:s31] =	ssyncadd.s32 @!p0 $0xFFFFE700  }
0x64: {  	[hbm4b:s26+s21] =	stream.linear.scatter @!p0 [tilespmem:s28], [sflag:$0x3], $0x1900, $0x38;
	[tilespmem:$0x8020] =	vst v63  }
0x65: {  	_ =	swait.ge @!p0 [sflag:s22], $0x1900  }
0x66: {  	[sflag:s22] =	ssyncset.done @!p0 $0x0  }
0x67: {  	s26 =	sadd.s32 @!p0 s23, s10;
	[sflag:s22] =	ssyncadd.s32 @!p0 $0xFFFFE700  }
0x68: {  	[hbm4b:s26+s21] =	stream.linear.scatter @!p0 [tilespmem:s29], [sflag:$0x3], $0x1900, $0x38;
	[tilespmem:$0x8020] =	vst v63  }
0x69: {  	_ =	swait.ge @!p0 [sflag:s22], $0x1900  }
0x6a: {  	[sflag:s22] =	ssyncset.done @!p0 $0x0  }
0x6b: {  	s26 =	sadd.s32 @!p0 s23, s11;
	[sflag:s22] =	ssyncadd.s32 @!p0 $0xFFFFE700  }
0x6c: {  	[hbm4b:s26+s21] =	stream.linear.scatter @!p0 [tilespmem:s30], [sflag:$0x3], $0x1900, $0x38;
	[tilespmem:$0x8020] =	vst v63  }
0x6d: {  	_ =	swait.ge @!p0 [sflag:s22], $0x1900  }
0x6e: {  	[sflag:s22] =	ssyncset.done @!p0 $0x0  }
0x6f: {  	s26 =	sadd.s32 @!p0 s23, s12;
	[sflag:s22] =	ssyncadd.s32 @!p0 $0xFFFFE700  }
0x70: {  	[hbm4b:s26+s21] =	stream.linear.scatter @!p0 [tilespmem:s25], [sflag:$0x3], $0x1900, $0x38;
	[tilespmem:$0x8020] =	vst v63  }
0x71: {  	_ =	swait.ge @!p0 [sflag:s22], $0x1900  }
.Ltmp0:
0x72: {  	[sflag:s22] =	ssyncset.done @!p0 $0x0;
	(pc) =	sbr.rel @p1 .LBB2_2-.Ltmp0, $4  }
0x73: {  	[sflag:s22] =	ssyncadd.s32 @!p0 $0xFFFFE700;
	s22 =	sadd.s32 @!p0 s23, s13;
	s23 =	simm.s32 @!p0 $0x2  }
0x74: {  	[hbm4b:s22+s21] =	stream.linear.scatter @!p0 [tilespmem:s24], [sflag:$0x2], $0x1900, $0x38;
	[tilespmem:$0x8020] =	vst v63  }
0x75: {  	s20 =	sadd.s32 $0x20, s20;
	s17 =	sadd.s32 $0x640, s17;
	_ =	swait.ge @!p0 [sflag:s23], $0x1900  }
0x76: {  	p2 =	sgt.u32 s20, $0x7CF;
	s19 =	sadd.s32 $0x640, s19;
	[sflag:s23] =	ssyncset.done @!p0 $0x0  }
0x77: {  	s18 =	simm.s32 @!p2 $0x0  }
0x78: {  	s20 =	simm.s32 @!p2 $0x3;
	[sflag:s23] =	ssyncadd.s32 @!p0 $0xFFFFE700;
	p0 =	por p2, p2  }
0x79: {  	[tilespmem:s18], [sflag:$0x3] =	stream.linear.gather @!p0 [hbm4b:s19+s18], $0x190, $0x38;
	[tilespmem:$0x8020] =	vst v63  }
0x7a: {  	_ =	swait.ge @!p0 [sflag:s20], $0x190  }
0x7b: {  	[sflag:s20] =	ssyncset.done @!p0 $0x0  }
0x7c: {  	s19 =	simm.s32 @!p0 $0x190;
	[sflag:s20] =	ssyncadd.s32 @!p0 $0xFFFFFE70  }
0x7d: {  	[tilespmem:s19], [sflag:$0x3] =	stream.linear.gather @!p0 [hbm4b:s17+s18], $0x190, $0x38;
	[tilespmem:$0x8020] =	vst v63  }
0x7e: {  	_ =	swait.ge @!p0 [sflag:s20], $0x190  }
0x7f: {  	[sflag:s20] =	ssyncset.done @!p0 $0x0  }
0x80: {  	s17 =	simm.s32 @!p0 $0x320;
	[sflag:s20] =	ssyncadd.s32 @!p0 $0xFFFFFE70  }
0x81: {  	[tilespmem:s17], [sflag:$0x1] =	stream.indirect.gather @!p0 [hbm4b:s3+s19], $0x10, s18, s19, $0xb8;
	[tilespmem:$0x8020] =	vst v63  }
0x82: {  	s21 =	simm.s32 @!p0 $0x1C20  }
0x83: {  	[tilespmem:s21], [sflag:$0x1] =	stream.indirect.gather @!p0 [hbm4b:s3+s19], $0x10, s19, s19, $0xb8;
	[tilespmem:$0x8020] =	vst v63  }
0x84: {  	s22 =	simm.s32 @!p0 $0x3520  }
0x85: {  	[tilespmem:s22], [sflag:$0x1] =	stream.indirect.gather @!p0 [hbm4b:s4+s19], $0x10, s19, s19, $0xb8;
	[tilespmem:$0x8020] =	vst v63  }
0x86: {  	s23 =	simm.s32 @!p0 $0x4E20  }
0x87: {  	[tilespmem:s23], [sflag:$0x1] =	stream.indirect.gather @!p0 [hbm4b:s5+s19], $0x10, s19, s19, $0xb8;
	[tilespmem:$0x8020] =	vst v63  }
0x88: {  	s24 =	simm.s32 @!p0 $0x6720;
	s25 =	simm.s32 @!p0 $0x1  }
0x89: {  	[tilespmem:s24], [sflag:$0x1] =	stream.indirect.gather @!p0 [hbm4b:s6+s19], $0x10, s19, s19, $0xb8;
	[tilespmem:$0x8020] =	vst v63  }
0x8a: {  	_ =	swait.ge @!p0 [sflag:s25], $0x1900  }
0x8b: {  	[sflag:s25] =	ssyncset.done @!p0 $0x0  }
0x8c: {  	[sflag:s25] =	ssyncadd.s32 @!p0 $0xFFFFE700  }
0x8d: {  	_ =	swait.ge @!p0 [sflag:s25], $0x1900  }
0x8e: {  	[sflag:s25] =	ssyncset.done @!p0 $0x0  }
0x8f: {  	[sflag:s25] =	ssyncadd.s32 @!p0 $0xFFFFE700  }
0x90: {  	_ =	swait.ge @!p0 [sflag:s25], $0x1900  }
0x91: {  	[sflag:s25] =	ssyncset.done @!p0 $0x0  }
0x92: {  	[sflag:s25] =	ssyncadd.s32 @!p0 $0xFFFFE700  }
0x93: {  	_ =	swait.ge @!p0 [sflag:s25], $0x1900  }
0x94: {  	[sflag:s25] =	ssyncset.done @!p0 $0x0  }
0x95: {  	[sflag:s25] =	ssyncadd.s32 @!p0 $0xFFFFE700  }
0x96: {  	_ =	swait.ge @!p0 [sflag:s25], $0x1900  }
0x97: {  	[sflag:s25] =	ssyncset.done @!p0 $0x0  }
0x98: {  	s19 =	sadd.s32 @!p0 s16, s9;
	[sflag:s25] =	ssyncadd.s32 @!p0 $0xFFFFE700  }
0x99: {  	[hbm4b:s19+s18] =	stream.linear.scatter @!p0 [tilespmem:s17], [sflag:$0x3], $0x1900, $0x38;
	[tilespmem:$0x8020] =	vst v63  }
0x9a: {  	_ =	swait.ge @!p0 [sflag:s20], $0x1900  }
0x9b: {  	[sflag:s20] =	ssyncset.done @!p0 $0x0  }
0x9c: {  	s17 =	sadd.s32 @!p0 s16, s10;
	[sflag:s20] =	ssyncadd.s32 @!p0 $0xFFFFE700  }
0x9d: {  	[hbm4b:s17+s18] =	stream.linear.scatter @!p0 [tilespmem:s21], [sflag:$0x3], $0x1900, $0x38;
	[tilespmem:$0x8020] =	vst v63  }
0x9e: {  	_ =	swait.ge @!p0 [sflag:s20], $0x1900  }
0x9f: {  	[sflag:s20] =	ssyncset.done @!p0 $0x0  }
0xa0: {  	s17 =	sadd.s32 @!p0 s16, s11;
	[sflag:s20] =	ssyncadd.s32 @!p0 $0xFFFFE700  }
0xa1: {  	[hbm4b:s17+s18] =	stream.linear.scatter @!p0 [tilespmem:s22], [sflag:$0x3], $0x1900, $0x38;
	[tilespmem:$0x8020] =	vst v63  }
0xa2: {  	_ =	swait.ge @!p0 [sflag:s20], $0x1900  }
0xa3: {  	[sflag:s20] =	ssyncset.done @!p0 $0x0  }
0xa4: {  	s17 =	sadd.s32 @!p0 s16, s12;
	[sflag:s20] =	ssyncadd.s32 @!p0 $0xFFFFE700  }
0xa5: {  	[hbm4b:s17+s18] =	stream.linear.scatter @!p0 [tilespmem:s23], [sflag:$0x3], $0x1900, $0x38;
	[tilespmem:$0x8020] =	vst v63  }
0xa6: {  	s2 =	sadd.s32 $0x1, s2;
	_ =	swait.ge @!p0 [sflag:s20], $0x1900  }
0xa7: {  	p1 =	sne.s32 s2, s8;
	s16 =	sadd.s32 @!p0 s16, s13;
	[sflag:s20] =	ssyncset.done @!p0 $0x0  }
.Ltmp1:
0xa8: {  	s17 =	simm.s32 @!p0 $0x2;
	[sflag:s20] =	ssyncadd.s32 @!p0 $0xFFFFE700;
	(pc) =	sbr.rel @p1 .LBB2_1-.Ltmp1, $4  }
0xa9: {  	[hbm4b:s16+s18] =	stream.linear.scatter @!p0 [tilespmem:s24], [sflag:$0x2], $0x1900, $0x38;
	[tilespmem:$0x8020] =	vst v63  }
0xaa: {  	_ =	swait.ge @!p0 [sflag:s17], $0x1900  }
0xab: {  	[sflag:s17] =	ssyncset.done @!p0 $0x0  }
0xac: {  	[sflag:s17] =	ssyncadd.s32 @!p0 $0xFFFFE700  }
0xad: {  	_ =	sfence.sel $0x180000  }
0xae: {  	[bflag:$0x0] =	sbarrier.arrive $0xFFFF  }
0xaf: {  	p0 =	sne.s32 s1, $0x0;
	_ =	strace $0x9000004D  }
0xb0: {  	s0 =	sadd.s32 @!p0 $0x100000, s0;
	[bflag:$0x2] =	sbarrier.arrive $0xFFFF  }
0xb1: {  	[sflag:s0] =	ssyncadd.tile.s32 @!p0 $0x1;
	_ =	shalt  }
.Lfunc_end2:
_tile_overlayer_lowered:
.L_overlay_start_2:
0xb2: {  	(tag) =	ssettag $0x2  }
0xb3: {  	s0 =	rddreg [dreg:$0x0];
	s2 =	stileid.u32  }
0xb4: {  	s1 =	rddreg [dreg:$0x1];
	p0 =	sne.s32 s2, $0x0  }
0xb5: {  	s3 =	rddreg [dreg:$0x2];
	[bflag:$0x3] =	sbarrier.arrive $0xFFFF;
	s2 =	simm.s32 @!p0 $0x1C02  }
0xb6: {  	[timem:s3], [sflag:s2] =	dma.local @!p0 [hbm:s0], s1  }
0xb7: {  	s0 =	simm.s32 @!p0 $0x2  }
0xb8: {  	_ =	swait.ge @!p0 [sflag:s0], s1  }
0xb9: {  	s1 =	ssub.s32 @!p0 $0x0, s1;
	[sflag:s0] =	ssyncset.done @!p0 $0x0  }
0xba: {  	[sflag:s0] =	ssyncadd.s32 @!p0 s1  }
0xbb: {  	[bflag:$0x3] =	sbarrier.arrive $0xFFFF  }
0xbc: {  	_ =	shalt  }

// kernel: kernel.20.cloned.1.call-start
scs
__scs_entry_jumppad:
0x0: {  	(pc) =	sbr.rel $0x88, $3  }
0x1: {  	(tag) =	ssettag $0x0;
	lr =	simm.s32 $0x1  }
0x2: {  	[smem:$0x3F96] =	sst lr;
	_ =	strace $0xD0000000  }
0x3: {  	_ = 	snop  }
0x4: {  	_ = 	snop  }
0x5: {  	_ = 	snop  }
0x6: {  	_ = 	snop  }
0x7: {  	_ = 	snop  }
__scs_overlays_trampoline_lowered:
0x8: {  	[smem:$0x3FA5] =	sst s0  }
0x9: {  	[smem:$0x3FA6] =	sst s1  }
0xa: {  	[smem:$0x3FA7] =	sst s2  }
0xb: {  	[smem:$0x3FA8] =	sst s3  }
0xc: {  	[smem:$0x3FA9] =	sst s4  }
0xd: {  	[smem:$0x3FAA] =	sst s5  }
0xe: {  	[smem:$0x3FAB] =	sst s6  }
0xf: {  	[smem:$0x3FAC] =	sst s7  }
0x10: {  	[smem:$0x3FAD] =	sst s8  }
0x11: {  	[smem:$0x3FAE] =	sst s9;
	s0 =	simm.s32 @!p0 $0x0  }
0x12: {  	s1 =	sld [smem:$0x3F94];
	s0 =	simm.s32 @p0 $0x1  }
0x13: {  	[smem:$0x3FAF] =	sst s0;
	s0 =	simm.s32 @!p1 $0x0  }
0x14: {  	s2 =	sld [smem:$0x3F93];
	s0 =	simm.s32 @p1 $0x1  }
0x15: {  	[smem:$0x3FB0] =	sst s0;
	s0 =	simm.s32 @!p2 $0x0  }
0x16: {  	s3 =	sld [smem:$0x3FDB];
	s0 =	simm.s32 @p2 $0x1  }
0x17: {  	s4 =	simm.s32 $0x1BF5;
	[smem:$0x3FB2] =	sst s0  }
0x18: {  	s0 =	sld [smem:$0x3F95];
	_ =	swait.ge [sflag:s4], $0x0  }
0x19: {  	s7 =	sld [smem:$0x3F96]  }
0x1a: {  	s8 =	sadd.s32 $0xFFFFE003, lr  }
0x1b: {  	s9 =	sadd.s32 $0xFFFFFEF7, lr;
	s5 =	simm.s32 $0xFFFFFFFF;
	p2 =	slt.u32 s8, $0xFFFFF086  }
0x1c: {  	p1 =	slt.u32 s9, $0xF7A;
	s5 =	simm.s32 @!p2 $0x0  }
0x1d: {  	s5 =	simm.s32 @p1 $0x1;
	p0 =	seq.s32 s7, s2  }
0x1e: {  	s7 =	smul.u32 @!p0 $0xF7A, s2;
	p2 =	seq.s32 @!p0 s5, $0x0  }
0x1f: {  	s9 =	smul.u32 $0xF7A, s1;
	s8 =	simm.s32 @!p0 $0x1BF5;
	p2 =	por !p2, p0  }
0x20: {  	[sflag:s8] =	ssyncset.s32 @!p0 $0xFFFFF086;
	s6 =	sadd.s32 @!p0 s3, s7;
	s7 =	simm.s32 @!p0 $0x108  }
0x21: {  	s3 =	sadd.s32 s3, s9;
	s6 =	sadd.s32 @!p0 $0x88, s6;
	s7 =	simm.s32 @p2 $0x1082  }
0x22: {  	[simem:s7], [sflag:s8] =	dma.local @!p0 [hbm:s6], $0xF7A  }
0x23: {  	s9 =	sor.u32 $0xD0000000, s2;
	s6 =	simm.s32 $0x108;
	_ =	swait.ge @!p0 [sflag:s8], $0x0  }
0x24: {  	s3 =	sadd.s32 $0x88, s3;
	s6 =	simm.s32 @!p1 $0x1082;
	[sflag:s4] =	ssyncset.s32 $0xFFFFF086  }
0x25: {  	[simem:s6], [sflag:s4] =	dma.local [hbm:s3], $0xF7A  }
0x26: {  	[smem:$0x3F96] =	sst s1;
	(tag) =	ssettag s2;
	_ =	strace s9  }
0x27: {  	s1 =	sld [smem:$0x3FA6]  }
0x28: {  	s2 =	sld [smem:$0x3FA7]  }
0x29: {  	s4 =	sld [smem:$0x3FA9]  }
0x2a: {  	p0 =	seq.s32 s5, $0x0;
	s5 =	sld [smem:$0x3FAA]  }
0x2b: {  	s6 =	sld [smem:$0x3FAB]  }
0x2c: {  	s7 =	sld [smem:$0x3FAC]  }
0x2d: {  	s3 =	simm.s32 $0x108;
	s8 =	sld [smem:$0x3FAD]  }
0x2e: {  	s3 =	simm.s32 @!p0 $0x1082;
	s9 =	sld [smem:$0x3FAE]  }
0x2f: {  	lr =	sadd.s32 s0, s3;
	s0 =	sld [smem:$0x3FA5]  }
0x30: {  	s3 =	sld [smem:$0x3FA8]  }
0x31: {  	[smem:$0x3FB1] =	sst s10  }
0x32: {  	s10 =	sld [smem:$0x3FAF];
	_ =	sdelay $0x3  }
0x33: {  	p0 =	seq.s32 s10, $0x1;
	s10 =	sld [smem:$0x3FB1];
	_ =	sdelay $0x3  }
0x34: {  	[smem:$0x3FB1] =	sst s10  }
0x35: {  	s10 =	sld [smem:$0x3FB0];
	_ =	sdelay $0x3  }
0x36: {  	p1 =	seq.s32 s10, $0x1;
	s10 =	sld [smem:$0x3FB1];
	_ =	sdelay $0x3  }
0x37: {  	[smem:$0x3FB1] =	sst s10  }
0x38: {  	s10 =	sld [smem:$0x3FB2]  }
0x39: {  	_ = 	snop;
	(pc) =	sbr.ind lr, $3  }
0x3a: {  	_ = 	snop  }
0x3b: {  	_ = 	snop  }
0x3c: {  	p2 =	seq.s32 s10, $0x1;
	s10 =	sld [smem:$0x3FB1]  }
0x3d: {  	_ =	shalt  }
0x3e: {  	_ =	shalt  }
0x3f: {  	_ =	shalt  }
0x40: {  	_ =	shalt  }
0x41: {  	_ =	shalt  }
0x42: {  	_ =	shalt  }
0x43: {  	_ =	shalt  }
0x44: {  	_ =	shalt  }
0x45: {  	_ =	shalt  }
0x46: {  	_ =	shalt  }
0x47: {  	_ =	shalt  }
0x48: {  	_ =	shalt  }
0x49: {  	_ =	shalt  }
0x4a: {  	_ =	shalt  }
0x4b: {  	_ =	shalt  }
0x4c: {  	_ =	shalt  }
0x4d: {  	_ =	shalt  }
0x4e: {  	_ =	shalt  }
0x4f: {  	_ =	shalt  }
0x50: {  	_ =	shalt  }
0x51: {  	_ =	shalt  }
0x52: {  	_ =	shalt  }
0x53: {  	_ =	shalt  }
0x54: {  	_ =	shalt  }
0x55: {  	_ =	shalt  }
0x56: {  	_ =	shalt  }
0x57: {  	_ =	shalt  }
0x58: {  	_ =	shalt  }
0x59: {  	_ =	shalt  }
0x5a: {  	_ =	shalt  }
0x5b: {  	_ =	shalt  }
0x5c: {  	_ =	shalt  }
0x5d: {  	_ =	shalt  }
0x5e: {  	_ =	shalt  }
0x5f: {  	_ =	shalt  }
0x60: {  	_ =	shalt  }
0x61: {  	_ =	shalt  }
0x62: {  	_ =	shalt  }
0x63: {  	_ =	shalt  }
0x64: {  	_ =	shalt  }
0x65: {  	_ =	shalt  }
0x66: {  	_ =	shalt  }
0x67: {  	_ =	shalt  }
0x68: {  	_ =	shalt  }
0x69: {  	_ =	shalt  }
0x6a: {  	_ =	shalt  }
0x6b: {  	_ =	shalt  }
0x6c: {  	_ =	shalt  }
0x6d: {  	_ =	shalt  }
0x6e: {  	_ =	shalt  }
0x6f: {  	_ =	shalt  }
0x70: {  	_ =	shalt  }
0x71: {  	_ =	shalt  }
0x72: {  	_ =	shalt  }
0x73: {  	_ =	shalt  }
0x74: {  	_ =	shalt  }
0x75: {  	_ =	shalt  }
0x76: {  	_ =	shalt  }
0x77: {  	_ =	shalt  }
0x78: {  	_ =	shalt  }
0x79: {  	_ =	shalt  }
0x7a: {  	_ =	shalt  }
0x7b: {  	_ =	shalt  }
0x7c: {  	_ =	shalt  }
0x7d: {  	_ =	shalt  }
0x7e: {  	_ =	shalt  }
0x7f: {  	_ =	shalt  }
0x80: {  	_ =	shalt  }
0x81: {  	_ =	shalt  }
0x82: {  	_ =	shalt  }
0x83: {  	_ =	shalt  }
0x84: {  	_ =	shalt  }
0x85: {  	_ =	shalt  }
0x86: {  	_ =	shalt  }
0x87: {  	_ =	shalt  }
.Lfunc_end0:
.L_simem_size_0:
called_computation.3_lowered:
.L_overlay_start_0:
0x88: {  	s2 =	sld [smem:$0x3FD9]  }
0x89: {  	s3 =	sld [smem:$0x3FFE];
	_ =	sdelay $0x1  }
0x8a: {  	s1 =	srdreg.scid  }
0x8b: {  	s0 =	sand.u32 $0x1, s1  }
0x8c: {  	s16 =	sshll.u32 s0, $0xA;
	s2 =	sadd.s32 s3, s2  }
0x8d: {  	s2 =	sadd.s32 s2, s16  }
0x8e: {  	[smem:$0x3FBD] =	sst s2  }
0x8f: {  	_ = 	snop  }
0x90: {  	(tm) =	ssettm $0x1  }
0x91: {  	s17 =	sld [smem:$0x3FFB];
	_ =	sdelay $0x3  }
0x92: {  	_ =	strace s17  }
0x93: {  	s2 =	sld [smem:$0x3FFC];
	_ =	sdelay $0x3  }
0x94: {  	_ =	strace s2  }
0x95: {  	s2 =	sld [smem:$0x3FFD];
	_ =	sdelay $0x3  }
0x96: {  	_ =	strace s2  }
0x97: {  	_ =	strace $0x8FFFFFFF  }
0x98: {  	s18 =	sld [smem:$0x3FDB];
	_ =	sdelay $0x1  }
0x99: {  	s19 =	simm.s32 $_scs_section_size  }
0x9a: {  	s4 =	simm.s32 $_size__tile_overlayer_lowered;
	s5 =	simm.s32 $_tile_overlayer_lowered  }
0x9b: {  	s22 =	simm.s32 $0x1BFF;
	s21 =	sshll.u32 s5, $0x1;
	s2 =	sadd.s32 s19, s18  }
0x9c: {  	s6 =	simm.s32 $0x0;
	s20 =	sshll.u32 s4, $0x1;
	s4 =	sadd.s32 s21, s2  }
0x9d: {  	[timem:s6], [sflag:s22] =	dma.local [hbm:s4], s20  }
0x9e: {  	_ =	swait.ge [sflag:s22], s20  }
0x9f: {  	s3 =	ssub.s32 $0x0, s20;
	[sflag:s22] =	ssyncset.done $0x0  }
0xa0: {  	[sflag:s22] =	ssyncadd.s32 s3;
	_ =	sdelay $0x1  }
0xa1: {  	s23 =	simm.s32 $0x1B8B  }
0xa2: {  	_ =	swait.ge [sflag:s23], $0x1  }
0xa3: {  	[sflag:s23] =	ssyncset.done $0x0  }
0xa4: {  	s25 =	simm.s32 $0x1B8E;
	s24 =	sld [smem:$0x3FFE];
	[sflag:s23] =	ssyncadd.s32 $0xFFFFFFFF  }
0xa5: {  	s26 =	simm.s32 $execute0_lowered;
	[smem:$0x3FD2] =	sst s25  }
0xa6: {  	s4 =	sshll.u32 s26, $0x1;
	_ =	strace $0x8000004F;
	[dreg:$0x1] =	wrdreg $0xFFFFFFFF  }
0xa7: {  	s28 =	simm.s32 $_size_execute0_lowered;
	s2 =	sadd.s32 s2, s4;
	[dreg:$0x0] =	wrdreg $0x0  }
0xa8: {  	s4 =	sshll.u32 s28, $0x1;
	[dreg:$0x2] =	wrdreg s2  }
0xa9: {  	[dreg:$0x3] =	wrdreg s4  }
0xaa: {  	[dreg:$0x4] =	wrdreg $0xC0  }
0xab: {  	_ =	task [dreg:s6], $0x5FFFF  }
0xac: {  	[dreg:$0x1] =	wrdreg $0xFFFFFFFF  }
0xad: {  	[dreg:$0x0] =	wrdreg $0x60  }
0xae: {  	[dreg:$0x2] =	wrdreg s24  }
0xaf: {  	[dreg:$0x3] =	wrdreg $0x0  }
0xb0: {  	[dreg:$0x4] =	wrdreg $0xC3500  }
0xb1: {  	[dreg:$0x5] =	wrdreg $0x9  }
0xb2: {  	_ =	task.clear_ibuf [dreg:s6], $0x6FFFF;
	_ =	strace $0x9000004F  }
0xb3: {  	s29 =	simm.s32 $0x9;
	_ =	strace $0x80000051  }
0xb4: {  	_ =	swait.ge [sflag:s29], $0x1  }
0xb5: {  	[sflag:s29] =	ssyncadd.s32 $0xFFFFFFFF  }
0xb6: {  	_ =	strace $0x90000051  }
0xb7: {  	_ =	sfence  }
0xb8: {  	s30 =	sld [smem:$0x0];
	_ =	sdelay $0x2  }
0xb9: {  	s31 =	sshll.u32 s1, $0xD;
	s1 =	sshrl.u32 s1, $0x2  }
0xba: {  	s3 =	sand.u32 $0x4000, s31;
	s1 =	sadd.s32 s1, s30  }
0xbb: {  	s0 =	sor.u32 s3, s0;
	s1 =	sshll.u32 s1, $0x11  }
0xbc: {  	s0 =	sor.u32 s1, s0  }
0xbd: {  	s0 =	sadd.s32 $0x8F2B, s0  }
0xbe: {  	[sflag:s0] =	ssyncadd.remote.s32 $0x1  }
0xbf: {  	_ =	sfence.sel $0xFFFF  }
0xc0: {  	[dreg:$0x0] =	wrdreg $0xFFFFFFFF;
	(pc) =	sbr.abs _section_cstart, $3  }
0xc1: {  	[dreg:$0x1] =	wrdreg $0xFFFFFFFF  }
0xc2: {  	_ =	task.clear_ibuf [dreg:s6], $0x2FFFF;
	_ =	strace $0x9FFFFFFF  }
0xc3: {  	(tm) =	ssettm $0x7FFFFFFF  }
tec
execute0_lowered:
.L_overlay_start_1:
0x0: {  	(tag) =	ssettag $0x1  }
0x1: {  	s5 =	rddreg [dreg:$0x0]  }
0x2: {  	s2 =	rddreg [dreg:$0x1]  }
0x3: {  	s3 =	rddreg [dreg:$0x2];
	s0 =	stileid.u32  }
0x4: {  	s4 =	simm.s32 $0x0;
	s26 =	srdreg.scid;
	s28 =	simm.s32 $0x190  }
0x5: {  	s6 =	smul.u32 $0x32, s0;
	[smem:$0x7FF] =	sst s4;
	s18 =	sadd.s32 $0x1C0200, s5  }
0x6: {  	s19 =	sadd.s32 $0x39800, s5;
	s15 =	sadd.s32 $0x1E14000, s5;
	s16 =	sadd.s32 $0x1C8D600, s5  }
0x7: {  	s29 =	simm.s32 $0x0;
	s17 =	sadd.s32 $0x377C00, s5;
	s21 =	sadd.s32 $0x35F400, s5  }
0x8: {  	s13 =	smul.u32 $0xC350, s0;
	s22 =	sadd.s32 $0x346C00, s5;
	s23 =	sadd.s32 $0x8800, s5  }
0x9: {  	s31 =	smul.u32 $0x320, s0;
	_ =	strace $0x80000050;
	s20 =	sadd.s32 s6, s5  }
0xa: {  	s6 =	sand.u32 $0x1, s26;
	s24 =	sshrl.u32 s13, $0x3;
	s5 =	sadd.s32 s13, s2  }
0xb: {  	s9 =	sadd.s32 $0x2710, s13;
	s11 =	sadd.s32 $0x4E20, s13;
	s14 =	sadd.s32 $0x7530, s13  }
0xc: {  	s25 =	sadd.s32 $0x9C40, s13;
	s26 =	simm.s32 $0x1C840;
	s7 =	ssub.s32 $0x2, s6  }
0xd: {  	p0 =	seq.s32 s6, $0x1;
	s6 =	sadd.s32 s13, s3;
	s8 =	sadd.s32 s9, s2  }
0xe: {  	s9 =	sadd.s32 s9, s3;
	s10 =	sadd.s32 s11, s2;
	s11 =	sadd.s32 s11, s3  }
0xf: {  	s12 =	sadd.s32 s14, s2;
	s13 =	sadd.s32 s14, s3;
	s14 =	sadd.s32 s25, s2  }
0x10: {  	s20 =	sadd.s32 $0x21000, s20;
	s30 =	sshrl.u32 s7, $0x1;
	s18 =	smov.u32 @p0 s15  }
0x11: {  	s15 =	sadd.s32 s25, s3;
	s17 =	smov.u32 @p0 s22;
	s19 =	smov.u32 @p0 s16  }
0x12: {  	s21 =	smov.u32 @p0 s23;
	s22 =	simm.s32 $0x1;
	s23 =	simm.s32 $0x1ADB0  }
0x13: {  	s25 =	simm.s32 $0x1AF40;
	s7 =	ssub.s32 s7, s30;
	s16 =	sadd.s32 s17, s24  }
0x14: {  	s17 =	sadd.s32 s21, s24;
	s18 =	sadd.s32 s31, s18;
	s19 =	sadd.s32 s31, s19  }
0x15: {  	v0 =	vimm.f32 $0.0e+00;
	s21 =	simm.s32 $0x186A0;
	s24 =	simm.s32 $0x2;
	s7 =	smax.u32 s7, $0x1  }
.LBB2_1:
0x16: {  	s30 =	simm.s32 $0x40;
	s31 =	simm.s32 $0x0  }
.LBB2_2:
0x17: {  	p0 =	sne.s32 s30, $0x9C00;
	[tilespmem:s31+$0x186A0] =	vst v0;
	s31 =	smov.u32 s30;
	s30 =	sadd.s32 $0x40, s30  }
.Ltmp0:
0x18: {  	(pc) =	sbr.rel @p0 .LBB2_2-.Ltmp0, $2  }
0x19: {  	_ =	sdelay $0x2  }
0x1a: {  	s31 =	sshra.s32 s31, $0x2  }
0x1b: {  	[tilespmem:s31+$0x186A0] =	vst v0  }
0x1c: {  	[spmem:s5] =	stream.linear.scatter [tilespmem:s21], [sflag:$0x1], $0x2710, $0x38;
	[tilespmem:$0x1E140] =	vst v63  }
0x1d: {  	_ =	swait.ge [sflag:s22], $0x2710  }
0x1e: {  	[sflag:s22] =	ssyncset.done $0x0  }
0x1f: {  	[sflag:s22] =	ssyncadd.s32 $0xFFFFD8F0  }
0x20: {  	[spmem:s6] =	stream.linear.scatter [tilespmem:s21], [sflag:$0x1], $0x2710, $0x38;
	[tilespmem:$0x1E140] =	vst v63  }
0x21: {  	_ =	swait.ge [sflag:s22], $0x2710  }
0x22: {  	[sflag:s22] =	ssyncset.done $0x0  }
0x23: {  	[sflag:s22] =	ssyncadd.s32 $0xFFFFD8F0  }
0x24: {  	[spmem:s8] =	stream.linear.scatter [tilespmem:s21], [sflag:$0x1], $0x2710, $0x38;
	[tilespmem:$0x1E140] =	vst v63  }
0x25: {  	_ =	swait.ge [sflag:s22], $0x2710  }
0x26: {  	[sflag:s22] =	ssyncset.done $0x0  }
0x27: {  	[sflag:s22] =	ssyncadd.s32 $0xFFFFD8F0  }
0x28: {  	[spmem:s9] =	stream.linear.scatter [tilespmem:s21], [sflag:$0x1], $0x2710, $0x38;
	[tilespmem:$0x1E140] =	vst v63  }
0x29: {  	_ =	swait.ge [sflag:s22], $0x2710  }
0x2a: {  	[sflag:s22] =	ssyncset.done $0x0  }
0x2b: {  	[sflag:s22] =	ssyncadd.s32 $0xFFFFD8F0  }
0x2c: {  	[spmem:s10] =	stream.linear.scatter [tilespmem:s21], [sflag:$0x1], $0x2710, $0x38;
	[tilespmem:$0x1E140] =	vst v63  }
0x2d: {  	_ =	swait.ge [sflag:s22], $0x2710  }
0x2e: {  	[sflag:s22] =	ssyncset.done $0x0  }
0x2f: {  	[sflag:s22] =	ssyncadd.s32 $0xFFFFD8F0  }
0x30: {  	[spmem:s11] =	stream.linear.scatter [tilespmem:s21], [sflag:$0x1], $0x2710, $0x38;
	[tilespmem:$0x1E140] =	vst v63  }
0x31: {  	_ =	swait.ge [sflag:s22], $0x2710  }
0x32: {  	[sflag:s22] =	ssyncset.done $0x0  }
0x33: {  	[sflag:s22] =	ssyncadd.s32 $0xFFFFD8F0  }
0x34: {  	[spmem:s12] =	stream.linear.scatter [tilespmem:s21], [sflag:$0x1], $0x2710, $0x38;
	[tilespmem:$0x1E140] =	vst v63  }
0x35: {  	_ =	swait.ge [sflag:s22], $0x2710  }
0x36: {  	[sflag:s22] =	ssyncset.done $0x0  }
0x37: {  	[sflag:s22] =	ssyncadd.s32 $0xFFFFD8F0  }
0x38: {  	[spmem:s13] =	stream.linear.scatter [tilespmem:s21], [sflag:$0x1], $0x2710, $0x38;
	[tilespmem:$0x1E140] =	vst v63  }
0x39: {  	_ =	swait.ge [sflag:s22], $0x2710  }
0x3a: {  	[sflag:s22] =	ssyncset.done $0x0  }
0x3b: {  	[sflag:s22] =	ssyncadd.s32 $0xFFFFD8F0  }
0x3c: {  	[spmem:s14] =	stream.linear.scatter [tilespmem:s21], [sflag:$0x1], $0x2710, $0x38;
	[tilespmem:$0x1E140] =	vst v63  }
0x3d: {  	_ =	swait.ge [sflag:s22], $0x2710  }
0x3e: {  	[sflag:s22] =	ssyncset.done $0x0  }
0x3f: {  	[sflag:s22] =	ssyncadd.s32 $0xFFFFD8F0  }
0x40: {  	[spmem:s15] =	stream.linear.scatter [tilespmem:s21], [sflag:$0x1], $0x2710, $0x38;
	[tilespmem:$0x1E140] =	vst v63  }
0x41: {  	_ =	swait.ge [sflag:s22], $0x2710  }
0x42: {  	[sflag:s22] =	ssyncset.done $0x0  }
0x43: {  	[sflag:s22] =	ssyncadd.s32 $0xFFFFD8F0  }
0x44: {  	[bflag:$0x0] =	sbarrier.arrive $0xFFFF  }
0x45: {  	[tilespmem:s23], [sflag:$0x2] =	stream.linear.gather [hbm4b:s20+s4], $0x190, $0x38;
	[tilespmem:$0x1E140] =	vst v63  }
0x46: {  	_ =	swait.ge [sflag:s24], $0x190  }
0x47: {  	[sflag:s24] =	ssyncset.done $0x0  }
0x48: {  	s30 =	sadd.s32 $0x0, s18;
	[sflag:s24] =	ssyncadd.s32 $0xFFFFFE70  }
0x49: {  	[tilespmem:s25], [sflag:$0x2] =	stream.linear.gather [hbm4b:s30+s4], $0x1900, $0x38;
	[tilespmem:$0x1E140] =	vst v63  }
0x4a: {  	_ =	swait.ge [sflag:s24], $0x1900  }
0x4b: {  	[sflag:s24] =	ssyncset.done $0x0  }
0x4c: {  	s30 =	sadd.s32 $0x0, s19;
	[sflag:s24] =	ssyncadd.s32 $0xFFFFE700  }
0x4d: {  	[tilespmem:s26], [sflag:$0x2] =	stream.linear.gather [hbm4b:s30+s4], $0x1900, $0x38;
	[tilespmem:$0x1E140] =	vst v63  }
0x4e: {  	_ =	swait.ge [sflag:s24], $0x1900  }
0x4f: {  	[sflag:s24] =	ssyncset.done $0x0  }
0x50: {  	[sflag:s24] =	ssyncadd.s32 $0xFFFFE700  }
0x51: {  	[spmem:s2] =	stream.indirect.scatter.add.f32 [tilespmem:s25], [sflag:$0x2], $0x10, s23, s28, $0xb8;
	[tilespmem:$0x1E140] =	vst v63  }
0x52: {  	_ =	swait.ge [sflag:s24], $0x1900  }
0x53: {  	[sflag:s24] =	ssyncset.done $0x0  }
0x54: {  	[sflag:s24] =	ssyncadd.s32 $0xFFFFE700  }
0x55: {  	[spmem:s3] =	stream.indirect.scatter.add.f32 [tilespmem:s26], [sflag:$0x1], $0x10, s23, s28, $0xb8;
	[tilespmem:$0x1E140] =	vst v63  }
0x56: {  	_ =	swait.ge [sflag:s22], $0x1900  }
0x57: {  	s31 =	smov.u32 s20;
	s30 =	simm.s32 $0x3200;
	[sflag:s22] =	ssyncset.done $0x0  }
.LBB2_4:
0x58: {  	p0 =	sne.s32 s30, $0x183800;
	[sflag:s22] =	ssyncadd.s32 $0xFFFFE700;
	s31 =	sadd.s32 $0x320, s31  }
0x59: {  	[tilespmem:s23], [sflag:$0x2] =	stream.linear.gather [hbm4b:s31+s4], $0x190, $0x38;
	[tilespmem:$0x1E140] =	vst v63  }
0x5a: {  	s0 =	smov.u32 s30;
	s30 =	sadd.s32 $0x3200, s30;
	_ =	swait.ge [sflag:s24], $0x190  }
0x5b: {  	[sflag:s24] =	ssyncset.done $0x0  }
0x5c: {  	s1 =	sadd.s32 s0, s18;
	[sflag:s24] =	ssyncadd.s32 $0xFFFFFE70  }
0x5d: {  	[tilespmem:s25], [sflag:$0x2] =	stream.linear.gather [hbm4b:s1+s4], $0x1900, $0x38;
	[tilespmem:$0x1E140] =	vst v63  }
0x5e: {  	_ =	swait.ge [sflag:s24], $0x1900  }
0x5f: {  	[sflag:s24] =	ssyncset.done $0x0  }
0x60: {  	s0 =	sadd.s32 s0, s19;
	[sflag:s24] =	ssyncadd.s32 $0xFFFFE700  }
0x61: {  	[tilespmem:s26], [sflag:$0x2] =	stream.linear.gather [hbm4b:s0+s4], $0x1900, $0x38;
	[tilespmem:$0x1E140] =	vst v63  }
0x62: {  	_ =	swait.ge [sflag:s24], $0x1900  }
0x63: {  	[sflag:s24] =	ssyncset.done $0x0  }
0x64: {  	[sflag:s24] =	ssyncadd.s32 $0xFFFFE700  }
0x65: {  	[spmem:s2] =	stream.indirect.scatter.add.f32 [tilespmem:s25], [sflag:$0x2], $0x10, s23, s28, $0xb8;
	[tilespmem:$0x1E140] =	vst v63  }
0x66: {  	_ =	swait.ge [sflag:s24], $0x1900  }
.Ltmp1:
0x67: {  	[sflag:s24] =	ssyncset.done $0x0;
	(pc) =	sbr.rel @p0 .LBB2_4-.Ltmp1, $4  }
0x68: {  	[sflag:s24] =	ssyncadd.s32 $0xFFFFE700  }
0x69: {  	[spmem:s3] =	stream.indirect.scatter.add.f32 [tilespmem:s26], [sflag:$0x1], $0x10, s23, s28, $0xb8;
	[tilespmem:$0x1E140] =	vst v63  }
0x6a: {  	_ =	swait.ge [sflag:s22], $0x1900  }
0x6b: {  	[sflag:s22] =	ssyncset.done $0x0  }
0x6c: {  	s0 =	stileid.u32  }
0x6d: {  	[sflag:s22] =	ssyncadd.s32 $0xFFFFE700;
	s0 =	sshll.u32 s0, $0x6  }
0x6e: {  	s1 =	sshrl.u32 s5, $0x3;
	[bflag:$0x0] =	sbarrier.arrive $0xFFFF;
	s0 =	sor.u32 $0x1C01, s0  }
0x6f: {  	[hbm:s16], [sflag:s0] =	dma.local [spmem:s1], $0x186A  }
0x70: {  	s29 =	sadd.s32 $0x1, s29;
	_ =	swait.ge [sflag:s22], $0x186A  }
0x71: {  	p0 =	sne.s32 s29, s7;
	[sflag:s22] =	ssyncset.done $0x0  }
.Ltmp2:
0x72: {  	s31 =	sshrl.u32 s6, $0x3;
	[sflag:s22] =	ssyncadd.s32 $0xFFFFE796;
	(pc) =	sbr.rel @p0 .LBB2_1-.Ltmp2, $4  }
0x73: {  	[hbm:s17], [sflag:s0] =	dma.local [spmem:s31], $0x186A  }
0x74: {  	_ =	swait.ge [sflag:s22], $0x186A  }
0x75: {  	[sflag:s22] =	ssyncset.done $0x0  }
0x76: {  	[sflag:s22] =	ssyncadd.s32 $0xFFFFE796  }
0x77: {  	_ =	sfence.sel $0x180000  }
0x78: {  	[bflag:$0x0] =	sbarrier.arrive $0xFFFF  }
0x79: {  	_ =	strace $0x90000050  }
0x7a: {  	s0 =	stileid.u32;
	[bflag:$0x2] =	sbarrier.arrive $0xFFFF  }
0x7b: {  	p0 =	sne.s32 s0, $0x0;
	s0 =	rddreg [dreg:$0x3]  }
0x7c: {  	s0 =	sadd.s32 @!p0 $0x100000, s0  }
0x7d: {  	[sflag:s0] =	ssyncadd.tile.s32 @!p0 $0x1;
	_ =	shalt  }
.Lfunc_end2:
_tile_overlayer_lowered:
.L_overlay_start_2:
0x7e: {  	(tag) =	ssettag $0x2  }
0x7f: {  	s0 =	rddreg [dreg:$0x0];
	s2 =	stileid.u32  }
0x80: {  	s1 =	rddreg [dreg:$0x1];
	p0 =	sne.s32 s2, $0x0  }
0x81: {  	s3 =	rddreg [dreg:$0x2];
	[bflag:$0x3] =	sbarrier.arrive $0xFFFF;
	s2 =	simm.s32 @!p0 $0x1C01  }
0x82: {  	[timem:s3], [sflag:s2] =	dma.local @!p0 [hbm:s0], s1  }
0x83: {  	s0 =	simm.s32 @!p0 $0x1  }
0x84: {  	_ =	swait.ge @!p0 [sflag:s0], s1  }
0x85: {  	s1 =	ssub.s32 @!p0 $0x0, s1;
	[sflag:s0] =	ssyncset.done @!p0 $0x0  }
0x86: {  	[sflag:s0] =	ssyncadd.s32 @!p0 s1  }
0x87: {  	[bflag:$0x3] =	sbarrier.arrive $0xFFFF  }
0x88: {  	_ =	shalt  }

</sc_bundles>
